<compile_context>
chip_gen: v7x
topology: tpu7x:2x2x1
jax: 0.10.2.dev20260603
libtpu: 0.0.44.dev20260713+nightly
codegen_flags: <defaults>
</compile_context>

<pallas_src>
import jax
import jax.numpy as jnp
from jax import lax
from jax.experimental import pallas as pl
from jax.experimental.pallas import tpu as pltpu
from jax.experimental.pallas import tpu_sc as plsc

N = 10000
E = 320000
EP = 327680
D = 128
R = 16
H = 128
CUTOFF = 5.0
NP = 10240
NHI = NP // 128
BE = 4096
BN = 2000
BND = 2560
CHUNK = 64
NCT = EP // CHUNK // 32
NTILES = 32


def _dot_t(a, w):
    return lax.dot_general(a, w, (((1,), (1,)), ((), ())),
                           preferred_element_type=jnp.float32)


_LOG2E = 1.4426950408889634


def _exp2(t):
    t = jnp.clip(t, -90.0, 90.0)
    n = jnp.floor(t)
    f = t - n
    p = 7.9019940e-2
    p = p * f + 2.2412644e-1
    p = p * f + 6.9683858e-1
    p = p * f + 9.9981196e-1
    ni = n.astype(jnp.int32)
    scale = lax.bitcast_convert_type(
        lax.shift_left(ni + 127, 23), jnp.float32)
    return p * scale


def _recip_pos(d):
    r = lax.bitcast_convert_type(
        jnp.int32(0x7EF311C3) - lax.bitcast_convert_type(d, jnp.int32),
        jnp.float32)
    r = r * (2.0 - d * r)
    r = r * (2.0 - d * r)
    return r


def _sigmoid(z):
    return _recip_pos(1.0 + _exp2(-_LOG2E * z))


def _silu(z):
    return z * _sigmoid(z)


def _edge_body(feat_ref, wm1, wmb1, wm2, wmb2, wm3, wmb3,
               eg1, egb1, eg2, egb2, rwg_ref, nm_ref):
    feat = feat_ref[...]
    r = feat[:, 0:1]
    dvf = feat[:, 1:2]
    g = _silu(_dot_t(feat, eg1[...]) + egb1[...])
    gate = _sigmoid(
        jnp.sum(g * eg2[...], axis=1, keepdims=True) + egb2[...])
    cc = 0.5 * (jnp.cos((jnp.pi / CUTOFF) * r) + 1.0)
    cc = cc * (r <= CUTOFF).astype(jnp.float32)
    ew = cc * gate
    h = _silu(_dot_t(feat, wm1[...]) + wmb1[...])
    h = _silu(_dot_t(h, wm2[...]) + wmb2[...])
    rw = _dot_t(h, wm3[...]) + wmb3[...]

    def _bcast(col, k):
        return lax.dot_general(col, jnp.ones((1, k), jnp.float32),
                               (((1,), (0,)), ((), ())),
                               preferred_element_type=jnp.float32)

    rwg_ref[...] = rw * _bcast(ew, D)

    hi = jnp.floor(dvf * (1.0 / 128.0))
    lo = dvf - 128.0 * hi
    ia = lax.broadcasted_iota(jnp.int32, (feat.shape[0], NHI), 1).astype(
        jnp.float32)
    ib = lax.broadcasted_iota(jnp.int32, (feat.shape[0], 128), 1).astype(
        jnp.float32)
    a = jnp.where(ia == _bcast(hi, NHI), _bcast(ew, NHI), 0.0)
    b = jnp.where(ib == _bcast(lo, 128), 1.0, 0.0)
    contrib = lax.dot_general(a, b, (((0,), (0,)), ((), ())),
                              preferred_element_type=jnp.float32)

    @pl.when(pl.program_id(0) == 0)
    def _init():
        nm_ref[...] = jnp.zeros_like(nm_ref)

    nm_ref[...] += contrib


def _ln_body(x_ref, w_ref, b_ref, out_ref):
    xv = x_ref[...]
    mu = jnp.mean(xv, axis=1, keepdims=True)
    var = jnp.mean((xv - mu) ** 2, axis=1, keepdims=True)
    out_ref[...] = (xv - mu) * lax.rsqrt(var + 1e-5) * w_ref[...] + b_ref[...]


def _node_body(mp_ref, nm_ref, xn_ref, x_ref, mm1, mmb1, mm2, mmb2,
               slw, slb, ulw, ulb, rs_ref, out_ref):
    tot = mp_ref[0] + mp_ref[1]
    agg = tot / jnp.maximum(nm_ref[...], 1e-8)
    h = _silu(_dot_t(agg, mm1[...]) + mmb1[...])
    ao = _dot_t(h, mm2[...]) + mmb2[...]
    xn = xn_ref[...]
    out = _dot_t(xn, slw[...]) + slb[...] + _dot_t(ao, ulw[...]) + ulb[...]
    out_ref[...] = x_ref[...] + rs_ref[0, 0] * out


def _sc_agg_body(xn_hbm, rwg_hbm, src_hbm, dst_hbm, mparts_hbm,
                 srcb, dstb, dsts, gath, rwgb, acc,
                 gs0, gs1, rs0, rs1, ss0, ss1):
    c = lax.axis_index("c")
    s = lax.axis_index("s")
    wid = s * 2 + c
    gsems = (gs0, gs1)
    rsems = (rs0, rs1)
    ssems = (ss0, ss1)
    half = NCT // 2

    z16 = jnp.zeros((16,), jnp.float32)

    def zrow(i, carry):
        for k in range(D // 16):
            gath[0, i, pl.ds(k * 16, 16)] = z16
        return carry

    lax.fori_loop(0, CHUNK, zrow, 0)
    for t in range(10):
        pltpu.sync_copy(gath.at[0], acc.at[pl.ds(s * 640 + t * CHUNK, CHUNK)])
    plsc.subcore_barrier()

    pltpu.sync_copy(dst_hbm.at[pl.ds(wid * (NCT // 2), NCT // 2)], dstb)

    def wait_g(b):
        pltpu.make_async_copy(xn_hbm.at[pl.ds(0, CHUNK)], gath.at[b],
                              gsems[b]).wait()

    def wait_r(b):
        pltpu.make_async_copy(rwg_hbm.at[pl.ds(0, CHUNK)], rwgb.at[b],
                              rsems[b]).wait()

    def wait_s(b):
        pltpu.make_async_copy(gath.at[b], acc.at[dsts.at[0]], ssems[b]).wait()

    for h in (0, 1):
        base0 = (wid * NCT + h * half) * CHUNK
        pltpu.sync_copy(
            src_hbm.at[pl.ds(wid * (NCT // 2) + h * (half // 2), half // 2)],
            srcb)

        def issue(row, col, b):
            base = base0 + (2 * row + col // CHUNK) * CHUNK
            pltpu.async_copy(xn_hbm.at[srcb.at[row, pl.ds(col, CHUNK)]],
                             gath.at[b], gsems[b])
            pltpu.async_copy(rwg_hbm.at[pl.ds(base, CHUNK)], rwgb.at[b],
                             rsems[b])

        issue(0, 0, 0)

        def pair(jj, carry):
            for b in (0, 1):
                lj = 2 * jj + b
                nb = 1 - b

                @pl.when(lj + 1 < half)
                def _pref():
                    @pl.when(lj >= 1)
                    def _drain():
                        wait_s(nb)

                    if b == 0:
                        issue(jj, CHUNK, nb)
                    else:
                        issue(jj + 1, 0, nb)

                wait_g(b)
                wait_r(b)

                def mrow(i, cc2):
                    for k in range(D // 16):
                        sl = pl.ds(k * 16, 16)
                        gath[b, i, sl] = gath[b, i, sl] * rwgb[b, i, sl]
                    return cc2

                lax.fori_loop(0, CHUNK, mrow, 0)
                row_d = h * (half // 2) + jj
                for k in range(CHUNK // 16):
                    dsts[b, pl.ds(k * 16, 16)] = (
                        dstb[row_d, pl.ds(b * CHUNK + k * 16, 16)])
                pltpu.async_copy(gath.at[b], acc.at[dsts.at[b]],
                                 ssems[b], add=True)
            return carry

        lax.fori_loop(0, half // 2, pair, 0)
        wait_s(0)
        wait_s(1)

    plsc.subcore_barrier()

    for t in range(10):
        row = s * 640 + t * CHUNK
        pltpu.sync_copy(acc.at[pl.ds(row, CHUNK)],
                        mparts_hbm.at[c, pl.ds(row, CHUNK)])


def _full(shape):
    zeros = (0,) * len(shape)
    return pl.BlockSpec(shape, lambda i, z=zeros: z)


def kernel(x, edge_src, edge_dst, edge_sh, edge_rbf, edge_len,
           ln_w, ln_b, wm_w1, wm_b1, wm_w2, wm_b2, wm_w3, wm_b3,
           eg_w1, eg_b1, eg_w2, eg_b2, mm_w1, mm_b1, mm_w2, mm_b2,
           sl_w, sl_b, ul_w, ul_b, res_scale):
    del edge_sh
    f32 = jnp.float32

    pad = EP - E
    len_p = jnp.concatenate([edge_len, jnp.full((pad,), 2.0 * CUTOFF, f32)])
    dst_p = jnp.concatenate([edge_dst, jnp.zeros((pad,), edge_dst.dtype)])
    src_p = jnp.concatenate([edge_src, jnp.zeros((pad,), edge_src.dtype)])
    rbf_p = jnp.pad(edge_rbf, ((0, pad), (0, 0)))

    rwg, nmat = pl.pallas_call(
        _edge_body,
        grid=(EP // BE,),
        in_specs=[
            pl.BlockSpec((BE, R + 2), lambda i: (i, 0)),
            _full((H, R + 2)), _full((1, H)),
            _full((H, H)), _full((1, H)),
            _full((D, H)), _full((1, D)),
            _full((H, R + 2)), _full((1, H)),
            _full((1, H)), _full((1, 1)),
        ],
        out_specs=[
            pl.BlockSpec((BE, D), lambda i: (i, 0)),
            pl.BlockSpec((NHI, 128), lambda i: (0, 0)),
        ],
        out_shape=[
            jax.ShapeDtypeStruct((EP, D), f32),
            jax.ShapeDtypeStruct((NHI, 128), f32),
        ],
    )(jnp.concatenate(
        [len_p[:, None], dst_p.astype(f32)[:, None], rbf_p], axis=1),
      jnp.pad(wm_w1, ((0, 0), (2, 0))), wm_b1.reshape(1, H),
      wm_w2, wm_b2.reshape(1, H),
      wm_w3, wm_b3.reshape(1, D),
      jnp.pad(eg_w1, ((0, 0), (2, 0))), eg_b1.reshape(1, H),
      eg_w2, eg_b2.reshape(1, 1))

    xn = pl.pallas_call(
        _ln_body,
        grid=(N // BN,),
        in_specs=[
            pl.BlockSpec((BN, D), lambda i: (i, 0)),
            _full((1, D)), _full((1, D)),
        ],
        out_specs=pl.BlockSpec((BN, D), lambda i: (i, 0)),
        out_shape=jax.ShapeDtypeStruct((N, D), f32),
    )(x, ln_w.reshape(1, D), ln_b.reshape(1, D))

    mesh = plsc.VectorSubcoreMesh(core_axis_name="c", subcore_axis_name="s")
    mparts = pl.kernel(
        _sc_agg_body,
        out_type=jax.ShapeDtypeStruct((2, NP, D), f32),
        mesh=mesh,
        compiler_params=pltpu.CompilerParams(needs_layout_passes=False),
        scratch_types=[
            pltpu.VMEM((NCT // 4, 2 * CHUNK), jnp.int32),
            pltpu.VMEM((NCT // 2, 2 * CHUNK), jnp.int32),
            pltpu.VMEM((2, CHUNK), jnp.int32),
            pltpu.VMEM((2, CHUNK, D), f32),
            pltpu.VMEM((2, CHUNK, D), f32),
            pltpu.VMEM_SHARED((NP, D), f32),
            pltpu.SemaphoreType.DMA,
            pltpu.SemaphoreType.DMA,
            pltpu.SemaphoreType.DMA,
            pltpu.SemaphoreType.DMA,
            pltpu.SemaphoreType.DMA,
            pltpu.SemaphoreType.DMA,
        ],
    )(xn, rwg, src_p.reshape(EP // (2 * CHUNK), 2 * CHUNK),
      dst_p.reshape(EP // (2 * CHUNK), 2 * CHUNK))

    out = pl.pallas_call(
        _node_body,
        grid=(pl.cdiv(N, BND),),
        in_specs=[
            pl.BlockSpec((2, BND, D), lambda i: (0, i, 0)),
            pl.BlockSpec((BND, 1), lambda i: (i, 0)),
            pl.BlockSpec((BND, D), lambda i: (i, 0)),
            pl.BlockSpec((BND, D), lambda i: (i, 0)),
            _full((H, D)), _full((1, H)),
            _full((D, H)), _full((1, D)),
            _full((D, D)), _full((1, D)),
            _full((D, D)), _full((1, D)),
            pl.BlockSpec((1, 1), lambda i: (0, 0), memory_space=pltpu.SMEM),
        ],
        out_specs=pl.BlockSpec((BND, D), lambda i: (i, 0)),
        out_shape=jax.ShapeDtypeStruct((N, D), f32),
    )(mparts, nmat.reshape(NP, 1), xn, x,
      mm_w1, mm_b1.reshape(1, H), mm_w2, mm_b2.reshape(1, D),
      sl_w, sl_b.reshape(1, D), ul_w, ul_b.reshape(1, D),
      res_scale.reshape(1, 1))
    return out

# --- scband reference (transcript-rebuilt; emitter-appended) ---
"""Pipeline reference for scband-invariant-interaction-block-80805514707436 (READ-ONLY COPY).

The authoritative reference and input builder live on the scoring server;
editing this copy changes nothing except your own understanding.
"""

import jax, jax.numpy as jnp
import numpy as np

N = 10000
E = 320000
D = 128
R = 16
H = 128
CUTOFF = 5.0


def _lin_init(k, i, o):
    return jax.random.normal(k, (o, i), jnp.float32) * (1.0 / np.sqrt(i))


def setup_inputs(seed: int = 0) -> dict:
    key = jax.random.key(seed)
    ks = jax.random.split(key, 16)
    inp = {}
    inp["x"] = jax.random.normal(ks[0], (N, D), jnp.float32)
    inp["edge_src"] = jax.random.randint(ks[1], (E,), 0, N)
    inp["edge_dst"] = jax.random.randint(ks[2], (E,), 0, N)
    inp["edge_sh"] = jax.random.normal(ks[3], (E, 9), jnp.float32)
    inp["edge_rbf"] = jax.random.uniform(ks[4], (E, R), jnp.float32)
    inp["edge_len"] = jax.random.uniform(ks[5], (E,), jnp.float32) * CUTOFF
    # learned parameters
    inp["ln_w"] = jnp.ones((D,), jnp.float32)
    inp["ln_b"] = jnp.zeros((D,), jnp.float32)
    inp["wm_w1"] = _lin_init(ks[6], R, H); inp["wm_b1"] = jnp.zeros((H,), jnp.float32)
    inp["wm_w2"] = _lin_init(ks[7], H, H); inp["wm_b2"] = jnp.zeros((H,), jnp.float32)
    inp["wm_w3"] = _lin_init(ks[8], H, D); inp["wm_b3"] = jnp.zeros((D,), jnp.float32)
    inp["eg_w1"] = _lin_init(ks[9], R, H); inp["eg_b1"] = jnp.zeros((H,), jnp.float32)
    inp["eg_w2"] = _lin_init(ks[10], H, 1); inp["eg_b2"] = jnp.zeros((1,), jnp.float32)
    inp["mm_w1"] = _lin_init(ks[11], D, H); inp["mm_b1"] = jnp.zeros((H,), jnp.float32)
    inp["mm_w2"] = _lin_init(ks[12], H, D); inp["mm_b2"] = jnp.zeros((D,), jnp.float32)
    inp["sl_w"] = _lin_init(ks[13], D, D); inp["sl_b"] = jnp.zeros((D,), jnp.float32)
    inp["ul_w"] = _lin_init(ks[14], D, D); inp["ul_b"] = jnp.zeros((D,), jnp.float32)
    inp["res_scale"] = jnp.asarray(0.1, jnp.float32)
    return inp


def _layer_norm(x, w, b):
    mu = jnp.mean(x, axis=-1, keepdims=True)
    var = jnp.var(x, axis=-1, keepdims=True)
    return (x - mu) / jnp.sqrt(var + 1e-5) * w + b


def _linear(x, w, b):
    return x @ w.T + b


def _cosine_cutoff(r, cutoff):
    xr = r / cutoff
    out = 0.5 * (jnp.cos(jnp.pi * xr) + 1.0)
    return out * (r <= cutoff).astype(r.dtype)


def reference(x, edge_src, edge_dst, edge_sh, edge_rbf, edge_len,
              ln_w, ln_b, wm_w1, wm_b1, wm_w2, wm_b2, wm_w3, wm_b3,
              eg_w1, eg_b1, eg_w2, eg_b2, mm_w1, mm_b1, mm_w2, mm_b2,
              sl_w, sl_b, ul_w, ul_b, res_scale):
    x_norm = _layer_norm(x, ln_w, ln_b)
    # edge gate: cutoff envelope * learned sigmoid gate on rbf features
    gate = jax.nn.silu(_linear(edge_rbf, eg_w1, eg_b1))
    gate = jax.nn.sigmoid(_linear(gate, eg_w2, eg_b2))
    edge_w = _cosine_cutoff(edge_len, CUTOFF)[:, None] * gate
    # radial weight MLP
    rw = jax.nn.silu(_linear(edge_rbf, wm_w1, wm_b1))
    rw = jax.nn.silu(_linear(rw, wm_w2, wm_b2))
    rw = _linear(rw, wm_w3, wm_b3)
    # messages: gather source node features, modulate, gate
    m = x_norm[edge_src] * rw
    m = m * edge_w
    # scatter-add aggregation over destination nodes
    agg = jnp.zeros_like(x).at[edge_dst].add(m)
    norm = jnp.zeros((x.shape[0], 1), x.dtype).at[edge_dst].add(edge_w)
    agg = agg / jnp.maximum(norm, 1e-8)
    agg = jax.nn.silu(_linear(agg, mm_w1, mm_b1))
    agg = _linear(agg, mm_w2, mm_b2)
    out = _linear(x_norm, sl_w, sl_b) + _linear(agg, ul_w, ul_b)
    return x + res_scale * out

if __name__ == "__main__":
    import jax
    _d = setup_inputs()
    print(jax.jit(kernel)(*tuple(_d.values())))

</pallas_src>

<mosaic_0001>
#map = affine_map<(d0, d1) -> (0, 0)>
#map1 = affine_map<(d0, d1) -> (0, 0, 0)>
module attributes {stable_mosaic.version = 14 : i64} {
  func.func @_sc_agg_body(%arg0: i32, %arg1: i32, %arg2: memref<10000x128xf32, #tpu.memory_space<hbm>>, %arg3: memref<327680x128xf32, #tpu.memory_space<hbm>>, %arg4: memref<2560x128xi32, #tpu.memory_space<hbm>>, %arg5: memref<2560x128xi32, #tpu.memory_space<hbm>>, %arg6: memref<2x10240x128xf32, #tpu.memory_space<hbm>>, %arg7: memref<40x128xi32, #tpu.memory_space<vmem>>, %arg8: memref<80x128xi32, #tpu.memory_space<vmem>>, %arg9: memref<2x64xi32, #tpu.memory_space<vmem>>, %arg10: memref<2x64x128xf32, #tpu.memory_space<vmem>>, %arg11: memref<2x64x128xf32, #tpu.memory_space<vmem>>, %arg12: memref<10240x128xf32, #tpu.memory_space<vmem_shared>>, %arg13: memref<!tpu.dma_semaphore, #tpu.memory_space<semaphore_mem>>, %arg14: memref<!tpu.dma_semaphore, #tpu.memory_space<semaphore_mem>>, %arg15: memref<!tpu.dma_semaphore, #tpu.memory_space<semaphore_mem>>, %arg16: memref<!tpu.dma_semaphore, #tpu.memory_space<semaphore_mem>>, %arg17: memref<!tpu.dma_semaphore, #tpu.memory_space<semaphore_mem>>, %arg18: memref<!tpu.dma_semaphore, #tpu.memory_space<semaphore_mem>>) attributes {dimension_semantics = [#tpu.dimension_semantics<core_parallel>, #tpu.dimension_semantics<subcore_parallel>], iteration_bounds = array<i64: 2, 16>, scalar_prefetch = 0 : i64, scratch_operands = 12 : i64, tpu.core_type = #tpu.core_type<sc_vector_subcore>, window_params = [{transform_indices = #map}, {transform_indices = #map}, {transform_indices = #map}, {transform_indices = #map}, {transform_indices = #map1}]} {
    %mul3A = arith.constant 2 : i32
    %mul3A_0 = arith.muli %arg1, %mul3A : i32
    %add3A = arith.addi %mul3A_0, %arg0 : i32
    %broadcast_in_dim3A = arith.constant 0.000000e+00 : f32
    %broadcast_in_dim3A_1 = vector.broadcast %broadcast_in_dim3A : f32 to vector<16xf32>
    %scan3A = arith.constant 0 : i32
    %scan3A_2 = arith.constant 0 : i32
    %scan3A_3 = arith.constant 64 : i32
    %scan3A_4 = arith.addi %scan3A_2, %scan3A_3 : i32
    %scan3A_5 = arith.constant 1 : i32
    scf.for %scan3A_231 = %scan3A_2 to %scan3A_4 step %scan3A_5  : i32 {
      %swap3A = arith.constant 0 : i32
      %swap3A_232 = arith.index_cast %swap3A : i32 to index
      %swap3A_233 = arith.index_cast %scan3A_231 : i32 to index
      %swap3A_234 = arith.constant 0 : index
      %swap3A_235 = tpu.vector_load %arg10[%swap3A_232, %swap3A_233, %swap3A_234] {strides = array<i32>} : memref<2x64x128xf32, #tpu.memory_space<vmem>>, vector<16xf32>,
      tpu.vector_store %arg10[%swap3A_232, %swap3A_233, %swap3A_234], %broadcast_in_dim3A_1 {strides = array<i32>} : memref<2x64x128xf32, #tpu.memory_space<vmem>>, vector<16xf32>,
      %swap3A_236 = arith.constant 0 : i32
      %swap3A_237 = arith.index_cast %swap3A_236 : i32 to index
      %swap3A_238 = arith.index_cast %scan3A_231 : i32 to index
      %swap3A_239 = arith.constant 16 : index
      %swap3A_240 = tpu.vector_load %arg10[%swap3A_237, %swap3A_238, %swap3A_239] {strides = array<i32>} : memref<2x64x128xf32, #tpu.memory_space<vmem>>, vector<16xf32>,
      tpu.vector_store %arg10[%swap3A_237, %swap3A_238, %swap3A_239], %broadcast_in_dim3A_1 {strides = array<i32>} : memref<2x64x128xf32, #tpu.memory_space<vmem>>, vector<16xf32>,
      %swap3A_241 = arith.constant 0 : i32
      %swap3A_242 = arith.index_cast %swap3A_241 : i32 to index
      %swap3A_243 = arith.index_cast %scan3A_231 : i32 to index
      %swap3A_244 = arith.constant 32 : index
      %swap3A_245 = tpu.vector_load %arg10[%swap3A_242, %swap3A_243, %swap3A_244] {strides = array<i32>} : memref<2x64x128xf32, #tpu.memory_space<vmem>>, vector<16xf32>,
      tpu.vector_store %arg10[%swap3A_242, %swap3A_243, %swap3A_244], %broadcast_in_dim3A_1 {strides = array<i32>} : memref<2x64x128xf32, #tpu.memory_space<vmem>>, vector<16xf32>,
      %swap3A_246 = arith.constant 0 : i32
      %swap3A_247 = arith.index_cast %swap3A_246 : i32 to index
      %swap3A_248 = arith.index_cast %scan3A_231 : i32 to index
      %swap3A_249 = arith.constant 48 : index
      %swap3A_250 = tpu.vector_load %arg10[%swap3A_247, %swap3A_248, %swap3A_249] {strides = array<i32>} : memref<2x64x128xf32, #tpu.memory_space<vmem>>, vector<16xf32>,
      tpu.vector_store %arg10[%swap3A_247, %swap3A_248, %swap3A_249], %broadcast_in_dim3A_1 {strides = array<i32>} : memref<2x64x128xf32, #tpu.memory_space<vmem>>, vector<16xf32>,
      %swap3A_251 = arith.constant 0 : i32
      %swap3A_252 = arith.index_cast %swap3A_251 : i32 to index
      %swap3A_253 = arith.index_cast %scan3A_231 : i32 to index
      %swap3A_254 = arith.constant 64 : index
      %swap3A_255 = tpu.vector_load %arg10[%swap3A_252, %swap3A_253, %swap3A_254] {strides = array<i32>} : memref<2x64x128xf32, #tpu.memory_space<vmem>>, vector<16xf32>,
      tpu.vector_store %arg10[%swap3A_252, %swap3A_253, %swap3A_254], %broadcast_in_dim3A_1 {strides = array<i32>} : memref<2x64x128xf32, #tpu.memory_space<vmem>>, vector<16xf32>,
      %swap3A_256 = arith.constant 0 : i32
      %swap3A_257 = arith.index_cast %swap3A_256 : i32 to index
      %swap3A_258 = arith.index_cast %scan3A_231 : i32 to index
      %swap3A_259 = arith.constant 80 : index
      %swap3A_260 = tpu.vector_load %arg10[%swap3A_257, %swap3A_258, %swap3A_259] {strides = array<i32>} : memref<2x64x128xf32, #tpu.memory_space<vmem>>, vector<16xf32>,
      tpu.vector_store %arg10[%swap3A_257, %swap3A_258, %swap3A_259], %broadcast_in_dim3A_1 {strides = array<i32>} : memref<2x64x128xf32, #tpu.memory_space<vmem>>, vector<16xf32>,
      %swap3A_261 = arith.constant 0 : i32
      %swap3A_262 = arith.index_cast %swap3A_261 : i32 to index
      %swap3A_263 = arith.index_cast %scan3A_231 : i32 to index
      %swap3A_264 = arith.constant 96 : index
      %swap3A_265 = tpu.vector_load %arg10[%swap3A_262, %swap3A_263, %swap3A_264] {strides = array<i32>} : memref<2x64x128xf32, #tpu.memory_space<vmem>>, vector<16xf32>,
      tpu.vector_store %arg10[%swap3A_262, %swap3A_263, %swap3A_264], %broadcast_in_dim3A_1 {strides = array<i32>} : memref<2x64x128xf32, #tpu.memory_space<vmem>>, vector<16xf32>,
      %swap3A_266 = arith.constant 0 : i32
      %swap3A_267 = arith.index_cast %swap3A_266 : i32 to index
      %swap3A_268 = arith.index_cast %scan3A_231 : i32 to index
      %swap3A_269 = arith.constant 112 : index
      %swap3A_270 = tpu.vector_load %arg10[%swap3A_267, %swap3A_268, %swap3A_269] {strides = array<i32>} : memref<2x64x128xf32, #tpu.memory_space<vmem>>, vector<16xf32>,
      tpu.vector_store %arg10[%swap3A_267, %swap3A_268, %swap3A_269], %broadcast_in_dim3A_1 {strides = array<i32>} : memref<2x64x128xf32, #tpu.memory_space<vmem>>, vector<16xf32>,
    }
    %scan3A_6 = arith.constant 64 : i32
    %mul3A_7 = arith.constant 640 : i32
    %mul3A_8 = arith.muli %arg1, %mul3A_7 : i32
    %add3A_9 = arith.constant 0 : i32
    %add3A_10 = arith.addi %mul3A_8, %add3A_9 : i32
    %run_scoped3A = arith.constant 0 : i32
    "tpu.region"() ({
      %run_scoped3A_231 = tpu.sem_alloc : memref<!tpu.dma_semaphore, #tpu.memory_space<semaphore_mem>>
      %dma_start3A_232 = arith.constant 0 : i32
      %dma_start3A_233 = arith.constant 0 : i32
      %dma_start3A_234 = tpu.memref_slice %arg10[%run_scoped3A, %dma_start3A_232, %dma_start3A_233] : memref<2x64x128xf32, #tpu.memory_space<vmem>> -> memref<1x64x128xf32, #tpu.memory_space<vmem>>
      %dma_start3A_235 = tpu.memref_squeeze %dma_start3A_234 : memref<1x64x128xf32, #tpu.memory_space<vmem>> -> memref<64x128xf32, #tpu.memory_space<vmem>>
      %dma_start3A_236 = arith.constant 0 : i32
      %dma_start3A_237 = tpu.memref_slice %arg12[%add3A_10, %dma_start3A_236] : memref<10240x128xf32, #tpu.memory_space<vmem_shared>> -> memref<64x128xf32, #tpu.memory_space<vmem_shared>>
      %dma_start3A_238 = arith.constant 0 : i32
      %dma_start3A_239 = tpu.memref_slice %arg12[%add3A_10, %dma_start3A_238] : memref<10240x128xf32, #tpu.memory_space<vmem_shared>> -> memref<64x128xf32, #tpu.memory_space<vmem_shared>>
      %dma_start3A_240 = arith.constant 0 : i32
      %dma_start3A_241 = arith.constant 0 : i32
      %dma_start3A_242 = tpu.memref_slice %arg10[%run_scoped3A, %dma_start3A_240, %dma_start3A_241] : memref<2x64x128xf32, #tpu.memory_space<vmem>> -> memref<1x64x128xf32, #tpu.memory_space<vmem>>
      %dma_start3A_243 = tpu.memref_squeeze %dma_start3A_242 : memref<1x64x128xf32, #tpu.memory_space<vmem>> -> memref<64x128xf32, #tpu.memory_space<vmem>>
      tpu.enqueue_dma source(%dma_start3A_243 : memref<64x128xf32, #tpu.memory_space<vmem>>) target(%dma_start3A_239 : memref<64x128xf32, #tpu.memory_space<vmem_shared>>) target_semaphore(%run_scoped3A_231 : memref<!tpu.dma_semaphore, #tpu.memory_space<semaphore_mem>>)
      %dma_wait3A_244 = arith.constant 0 : i32
      %dma_wait3A_245 = arith.constant 0 : i32
      %dma_wait3A_246 = tpu.memref_slice %arg10[%run_scoped3A, %dma_wait3A_244, %dma_wait3A_245] : memref<2x64x128xf32, #tpu.memory_space<vmem>> -> memref<1x64x128xf32, #tpu.memory_space<vmem>>
      %dma_wait3A_247 = tpu.memref_squeeze %dma_wait3A_246 : memref<1x64x128xf32, #tpu.memory_space<vmem>> -> memref<64x128xf32, #tpu.memory_space<vmem>>
      %dma_wait3A_248 = arith.constant 0 : i32
      %dma_wait3A_249 = tpu.memref_slice %arg12[%add3A_10, %dma_wait3A_248] : memref<10240x128xf32, #tpu.memory_space<vmem_shared>> -> memref<64x128xf32, #tpu.memory_space<vmem_shared>>
      %dma_wait3A_250 = arith.constant 0 : i32
      %dma_wait3A_251 = tpu.memref_slice %arg12[%add3A_10, %dma_wait3A_250] : memref<10240x128xf32, #tpu.memory_space<vmem_shared>> -> memref<64x128xf32, #tpu.memory_space<vmem_shared>>
      %dma_wait3A_252 = arith.constant 0 : i32
      %dma_wait3A_253 = arith.constant 0 : i32
      %dma_wait3A_254 = tpu.memref_slice %arg10[%run_scoped3A, %dma_wait3A_252, %dma_wait3A_253] : memref<2x64x128xf32, #tpu.memory_space<vmem>> -> memref<1x64x128xf32, #tpu.memory_space<vmem>>
      %dma_wait3A_255 = tpu.memref_squeeze %dma_wait3A_254 : memref<1x64x128xf32, #tpu.memory_space<vmem>> -> memref<64x128xf32, #tpu.memory_space<vmem>>
      tpu.wait_dma2 semaphore(%run_scoped3A_231 : memref<!tpu.dma_semaphore, #tpu.memory_space<semaphore_mem>>) src(%dma_wait3A_255 : memref<64x128xf32, #tpu.memory_space<vmem>>) dst(%dma_wait3A_251 : memref<64x128xf32, #tpu.memory_space<vmem_shared>>)
      tpu.yield
    }) : () -> ()
    %mul3A_11 = arith.constant 640 : i32
    %mul3A_12 = arith.muli %arg1, %mul3A_11 : i32
    %add3A_13 = arith.constant 64 : i32
    %add3A_14 = arith.addi %mul3A_12, %add3A_13 : i32
    %run_scoped3A_15 = arith.constant 0 : i32
    "tpu.region"() ({
      %run_scoped3A_231 = tpu.sem_alloc : memref<!tpu.dma_semaphore, #tpu.memory_space<semaphore_mem>>
      %dma_start3A_232 = arith.constant 0 : i32
      %dma_start3A_233 = arith.constant 0 : i32
      %dma_start3A_234 = tpu.memref_slice %arg10[%run_scoped3A_15, %dma_start3A_232, %dma_start3A_233] : memref<2x64x128xf32, #tpu.memory_space<vmem>> -> memref<1x64x128xf32, #tpu.memory_space<vmem>>
      %dma_start3A_235 = tpu.memref_squeeze %dma_start3A_234 : memref<1x64x128xf32, #tpu.memory_space<vmem>> -> memref<64x128xf32, #tpu.memory_space<vmem>>
      %dma_start3A_236 = arith.constant 0 : i32
      %dma_start3A_237 = tpu.memref_slice %arg12[%add3A_14, %dma_start3A_236] : memref<10240x128xf32, #tpu.memory_space<vmem_shared>> -> memref<64x128xf32, #tpu.memory_space<vmem_shared>>
      %dma_start3A_238 = arith.constant 0 : i32
      %dma_start3A_239 = tpu.memref_slice %arg12[%add3A_14, %dma_start3A_238] : memref<10240x128xf32, #tpu.memory_space<vmem_shared>> -> memref<64x128xf32, #tpu.memory_space<vmem_shared>>
      %dma_start3A_240 = arith.constant 0 : i32
      %dma_start3A_241 = arith.constant 0 : i32
      %dma_start3A_242 = tpu.memref_slice %arg10[%run_scoped3A_15, %dma_start3A_240, %dma_start3A_241] : memref<2x64x128xf32, #tpu.memory_space<vmem>> -> memref<1x64x128xf32, #tpu.memory_space<vmem>>
      %dma_start3A_243 = tpu.memref_squeeze %dma_start3A_242 : memref<1x64x128xf32, #tpu.memory_space<vmem>> -> memref<64x128xf32, #tpu.memory_space<vmem>>
      tpu.enqueue_dma source(%dma_start3A_243 : memref<64x128xf32, #tpu.memory_space<vmem>>) target(%dma_start3A_239 : memref<64x128xf32, #tpu.memory_space<vmem_shared>>) target_semaphore(%run_scoped3A_231 : memref<!tpu.dma_semaphore, #tpu.memory_space<semaphore_mem>>)
      %dma_wait3A_244 = arith.constant 0 : i32
      %dma_wait3A_245 = arith.constant 0 : i32
      %dma_wait3A_246 = tpu.memref_slice %arg10[%run_scoped3A_15, %dma_wait3A_244, %dma_wait3A_245] : memref<2x64x128xf32, #tpu.memory_space<vmem>> -> memref<1x64x128xf32, #tpu.memory_space<vmem>>
      %dma_wait3A_247 = tpu.memref_squeeze %dma_wait3A_246 : memref<1x64x128xf32, #tpu.memory_space<vmem>> -> memref<64x128xf32, #tpu.memory_space<vmem>>
      %dma_wait3A_248 = arith.constant 0 : i32
      %dma_wait3A_249 = tpu.memref_slice %arg12[%add3A_14, %dma_wait3A_248] : memref<10240x128xf32, #tpu.memory_space<vmem_shared>> -> memref<64x128xf32, #tpu.memory_space<vmem_shared>>
      %dma_wait3A_250 = arith.constant 0 : i32
      %dma_wait3A_251 = tpu.memref_slice %arg12[%add3A_14, %dma_wait3A_250] : memref<10240x128xf32, #tpu.memory_space<vmem_shared>> -> memref<64x128xf32, #tpu.memory_space<vmem_shared>>
      %dma_wait3A_252 = arith.constant 0 : i32
      %dma_wait3A_253 = arith.constant 0 : i32
      %dma_wait3A_254 = tpu.memref_slice %arg10[%run_scoped3A_15, %dma_wait3A_252, %dma_wait3A_253] : memref<2x64x128xf32, #tpu.memory_space<vmem>> -> memref<1x64x128xf32, #tpu.memory_space<vmem>>
      %dma_wait3A_255 = tpu.memref_squeeze %dma_wait3A_254 : memref<1x64x128xf32, #tpu.memory_space<vmem>> -> memref<64x128xf32, #tpu.memory_space<vmem>>
      tpu.wait_dma2 semaphore(%run_scoped3A_231 : memref<!tpu.dma_semaphore, #tpu.memory_space<semaphore_mem>>) src(%dma_wait3A_255 : memref<64x128xf32, #tpu.memory_space<vmem>>) dst(%dma_wait3A_251 : memref<64x128xf32, #tpu.memory_space<vmem_shared>>)
      tpu.yield
    }) : () -> ()
    %mul3A_16 = arith.constant 640 : i32
    %mul3A_17 = arith.muli %arg1, %mul3A_16 : i32
    %add3A_18 = arith.constant 128 : i32
    %add3A_19 = arith.addi %mul3A_17, %add3A_18 : i32
    %run_scoped3A_20 = arith.constant 0 : i32
    "tpu.region"() ({
      %run_scoped3A_231 = tpu.sem_alloc : memref<!tpu.dma_semaphore, #tpu.memory_space<semaphore_mem>>
      %dma_start3A_232 = arith.constant 0 : i32
      %dma_start3A_233 = arith.constant 0 : i32
      %dma_start3A_234 = tpu.memref_slice %arg10[%run_scoped3A_20, %dma_start3A_232, %dma_start3A_233] : memref<2x64x128xf32, #tpu.memory_space<vmem>> -> memref<1x64x128xf32, #tpu.memory_space<vmem>>
      %dma_start3A_235 = tpu.memref_squeeze %dma_start3A_234 : memref<1x64x128xf32, #tpu.memory_space<vmem>> -> memref<64x128xf32, #tpu.memory_space<vmem>>
      %dma_start3A_236 = arith.constant 0 : i32
      %dma_start3A_237 = tpu.memref_slice %arg12[%add3A_19, %dma_start3A_236] : memref<10240x128xf32, #tpu.memory_space<vmem_shared>> -> memref<64x128xf32, #tpu.memory_space<vmem_shared>>
      %dma_start3A_238 = arith.constant 0 : i32
      %dma_start3A_239 = tpu.memref_slice %arg12[%add3A_19, %dma_start3A_238] : memref<10240x128xf32, #tpu.memory_space<vmem_shared>> -> memref<64x128xf32, #tpu.memory_space<vmem_shared>>
      %dma_start3A_240 = arith.constant 0 : i32
      %dma_start3A_241 = arith.constant 0 : i32
      %dma_start3A_242 = tpu.memref_slice %arg10[%run_scoped3A_20, %dma_start3A_240, %dma_start3A_241] : memref<2x64x128xf32, #tpu.memory_space<vmem>> -> memref<1x64x128xf32, #tpu.memory_space<vmem>>
      %dma_start3A_243 = tpu.memref_squeeze %dma_start3A_242 : memref<1x64x128xf32, #tpu.memory_space<vmem>> -> memref<64x128xf32, #tpu.memory_space<vmem>>
      tpu.enqueue_dma source(%dma_start3A_243 : memref<64x128xf32, #tpu.memory_space<vmem>>) target(%dma_start3A_239 : memref<64x128xf32, #tpu.memory_space<vmem_shared>>) target_semaphore(%run_scoped3A_231 : memref<!tpu.dma_semaphore, #tpu.memory_space<semaphore_mem>>)
      %dma_wait3A_244 = arith.constant 0 : i32
      %dma_wait3A_245 = arith.constant 0 : i32
      %dma_wait3A_246 = tpu.memref_slice %arg10[%run_scoped3A_20, %dma_wait3A_244, %dma_wait3A_245] : memref<2x64x128xf32, #tpu.memory_space<vmem>> -> memref<1x64x128xf32, #tpu.memory_space<vmem>>
      %dma_wait3A_247 = tpu.memref_squeeze %dma_wait3A_246 : memref<1x64x128xf32, #tpu.memory_space<vmem>> -> memref<64x128xf32, #tpu.memory_space<vmem>>
      %dma_wait3A_248 = arith.constant 0 : i32
      %dma_wait3A_249 = tpu.memref_slice %arg12[%add3A_19, %dma_wait3A_248] : memref<10240x128xf32, #tpu.memory_space<vmem_shared>> -> memref<64x128xf32, #tpu.memory_space<vmem_shared>>
      %dma_wait3A_250 = arith.constant 0 : i32
      %dma_wait3A_251 = tpu.memref_slice %arg12[%add3A_19, %dma_wait3A_250] : memref<10240x128xf32, #tpu.memory_space<vmem_shared>> -> memref<64x128xf32, #tpu.memory_space<vmem_shared>>
      %dma_wait3A_252 = arith.constant 0 : i32
      %dma_wait3A_253 = arith.constant 0 : i32
      %dma_wait3A_254 = tpu.memref_slice %arg10[%run_scoped3A_20, %dma_wait3A_252, %dma_wait3A_253] : memref<2x64x128xf32, #tpu.memory_space<vmem>> -> memref<1x64x128xf32, #tpu.memory_space<vmem>>
      %dma_wait3A_255 = tpu.memref_squeeze %dma_wait3A_254 : memref<1x64x128xf32, #tpu.memory_space<vmem>> -> memref<64x128xf32, #tpu.memory_space<vmem>>
      tpu.wait_dma2 semaphore(%run_scoped3A_231 : memref<!tpu.dma_semaphore, #tpu.memory_space<semaphore_mem>>) src(%dma_wait3A_255 : memref<64x128xf32, #tpu.memory_space<vmem>>) dst(%dma_wait3A_251 : memref<64x128xf32, #tpu.memory_space<vmem_shared>>)
      tpu.yield
    }) : () -> ()
    %mul3A_21 = arith.constant 640 : i32
    %mul3A_22 = arith.muli %arg1, %mul3A_21 : i32
    %add3A_23 = arith.constant 192 : i32
    %add3A_24 = arith.addi %mul3A_22, %add3A_23 : i32
    %run_scoped3A_25 = arith.constant 0 : i32
    "tpu.region"() ({
      %run_scoped3A_231 = tpu.sem_alloc : memref<!tpu.dma_semaphore, #tpu.memory_space<semaphore_mem>>
      %dma_start3A_232 = arith.constant 0 : i32
      %dma_start3A_233 = arith.constant 0 : i32
      %dma_start3A_234 = tpu.memref_slice %arg10[%run_scoped3A_25, %dma_start3A_232, %dma_start3A_233] : memref<2x64x128xf32, #tpu.memory_space<vmem>> -> memref<1x64x128xf32, #tpu.memory_space<vmem>>
      %dma_start3A_235 = tpu.memref_squeeze %dma_start3A_234 : memref<1x64x128xf32, #tpu.memory_space<vmem>> -> memref<64x128xf32, #tpu.memory_space<vmem>>
      %dma_start3A_236 = arith.constant 0 : i32
      %dma_start3A_237 = tpu.memref_slice %arg12[%add3A_24, %dma_start3A_236] : memref<10240x128xf32, #tpu.memory_space<vmem_shared>> -> memref<64x128xf32, #tpu.memory_space<vmem_shared>>
      %dma_start3A_238 = arith.constant 0 : i32
      %dma_start3A_239 = tpu.memref_slice %arg12[%add3A_24, %dma_start3A_238] : memref<10240x128xf32, #tpu.memory_space<vmem_shared>> -> memref<64x128xf32, #tpu.memory_space<vmem_shared>>
      %dma_start3A_240 = arith.constant 0 : i32
      %dma_start3A_241 = arith.constant 0 : i32
      %dma_start3A_242 = tpu.memref_slice %arg10[%run_scoped3A_25, %dma_start3A_240, %dma_start3A_241] : memref<2x64x128xf32, #tpu.memory_space<vmem>> -> memref<1x64x128xf32, #tpu.memory_space<vmem>>
      %dma_start3A_243 = tpu.memref_squeeze %dma_start3A_242 : memref<1x64x128xf32, #tpu.memory_space<vmem>> -> memref<64x128xf32, #tpu.memory_space<vmem>>
      tpu.enqueue_dma source(%dma_start3A_243 : memref<64x128xf32, #tpu.memory_space<vmem>>) target(%dma_start3A_239 : memref<64x128xf32, #tpu.memory_space<vmem_shared>>) target_semaphore(%run_scoped3A_231 : memref<!tpu.dma_semaphore, #tpu.memory_space<semaphore_mem>>)
      %dma_wait3A_244 = arith.constant 0 : i32
      %dma_wait3A_245 = arith.constant 0 : i32
      %dma_wait3A_246 = tpu.memref_slice %arg10[%run_scoped3A_25, %dma_wait3A_244, %dma_wait3A_245] : memref<2x64x128xf32, #tpu.memory_space<vmem>> -> memref<1x64x128xf32, #tpu.memory_space<vmem>>
      %dma_wait3A_247 = tpu.memref_squeeze %dma_wait3A_246 : memref<1x64x128xf32, #tpu.memory_space<vmem>> -> memref<64x128xf32, #tpu.memory_space<vmem>>
      %dma_wait3A_248 = arith.constant 0 : i32
      %dma_wait3A_249 = tpu.memref_slice %arg12[%add3A_24, %dma_wait3A_248] : memref<10240x128xf32, #tpu.memory_space<vmem_shared>> -> memref<64x128xf32, #tpu.memory_space<vmem_shared>>
      %dma_wait3A_250 = arith.constant 0 : i32
      %dma_wait3A_251 = tpu.memref_slice %arg12[%add3A_24, %dma_wait3A_250] : memref<10240x128xf32, #tpu.memory_space<vmem_shared>> -> memref<64x128xf32, #tpu.memory_space<vmem_shared>>
      %dma_wait3A_252 = arith.constant 0 : i32
      %dma_wait3A_253 = arith.constant 0 : i32
      %dma_wait3A_254 = tpu.memref_slice %arg10[%run_scoped3A_25, %dma_wait3A_252, %dma_wait3A_253] : memref<2x64x128xf32, #tpu.memory_space<vmem>> -> memref<1x64x128xf32, #tpu.memory_space<vmem>>
      %dma_wait3A_255 = tpu.memref_squeeze %dma_wait3A_254 : memref<1x64x128xf32, #tpu.memory_space<vmem>> -> memref<64x128xf32, #tpu.memory_space<vmem>>
      tpu.wait_dma2 semaphore(%run_scoped3A_231 : memref<!tpu.dma_semaphore, #tpu.memory_space<semaphore_mem>>) src(%dma_wait3A_255 : memref<64x128xf32, #tpu.memory_space<vmem>>) dst(%dma_wait3A_251 : memref<64x128xf32, #tpu.memory_space<vmem_shared>>)
      tpu.yield
    }) : () -> ()
    %mul3A_26 = arith.constant 640 : i32
    %mul3A_27 = arith.muli %arg1, %mul3A_26 : i32
    %add3A_28 = arith.constant 256 : i32
    %add3A_29 = arith.addi %mul3A_27, %add3A_28 : i32
    %run_scoped3A_30 = arith.constant 0 : i32
    "tpu.region"() ({
      %run_scoped3A_231 = tpu.sem_alloc : memref<!tpu.dma_semaphore, #tpu.memory_space<semaphore_mem>>
      %dma_start3A_232 = arith.constant 0 : i32
      %dma_start3A_233 = arith.constant 0 : i32
      %dma_start3A_234 = tpu.memref_slice %arg10[%run_scoped3A_30, %dma_start3A_232, %dma_start3A_233] : memref<2x64x128xf32, #tpu.memory_space<vmem>> -> memref<1x64x128xf32, #tpu.memory_space<vmem>>
      %dma_start3A_235 = tpu.memref_squeeze %dma_start3A_234 : memref<1x64x128xf32, #tpu.memory_space<vmem>> -> memref<64x128xf32, #tpu.memory_space<vmem>>
      %dma_start3A_236 = arith.constant 0 : i32
      %dma_start3A_237 = tpu.memref_slice %arg12[%add3A_29, %dma_start3A_236] : memref<10240x128xf32, #tpu.memory_space<vmem_shared>> -> memref<64x128xf32, #tpu.memory_space<vmem_shared>>
      %dma_start3A_238 = arith.constant 0 : i32
      %dma_start3A_239 = tpu.memref_slice %arg12[%add3A_29, %dma_start3A_238] : memref<10240x128xf32, #tpu.memory_space<vmem_shared>> -> memref<64x128xf32, #tpu.memory_space<vmem_shared>>
      %dma_start3A_240 = arith.constant 0 : i32
      %dma_start3A_241 = arith.constant 0 : i32
      %dma_start3A_242 = tpu.memref_slice %arg10[%run_scoped3A_30, %dma_start3A_240, %dma_start3A_241] : memref<2x64x128xf32, #tpu.memory_space<vmem>> -> memref<1x64x128xf32, #tpu.memory_space<vmem>>
      %dma_start3A_243 = tpu.memref_squeeze %dma_start3A_242 : memref<1x64x128xf32, #tpu.memory_space<vmem>> -> memref<64x128xf32, #tpu.memory_space<vmem>>
      tpu.enqueue_dma source(%dma_start3A_243 : memref<64x128xf32, #tpu.memory_space<vmem>>) target(%dma_start3A_239 : memref<64x128xf32, #tpu.memory_space<vmem_shared>>) target_semaphore(%run_scoped3A_231 : memref<!tpu.dma_semaphore, #tpu.memory_space<semaphore_mem>>)
      %dma_wait3A_244 = arith.constant 0 : i32
      %dma_wait3A_245 = arith.constant 0 : i32
      %dma_wait3A_246 = tpu.memref_slice %arg10[%run_scoped3A_30, %dma_wait3A_244, %dma_wait3A_245] : memref<2x64x128xf32, #tpu.memory_space<vmem>> -> memref<1x64x128xf32, #tpu.memory_space<vmem>>
      %dma_wait3A_247 = tpu.memref_squeeze %dma_wait3A_246 : memref<1x64x128xf32, #tpu.memory_space<vmem>> -> memref<64x128xf32, #tpu.memory_space<vmem>>
      %dma_wait3A_248 = arith.constant 0 : i32
      %dma_wait3A_249 = tpu.memref_slice %arg12[%add3A_29, %dma_wait3A_248] : memref<10240x128xf32, #tpu.memory_space<vmem_shared>> -> memref<64x128xf32, #tpu.memory_space<vmem_shared>>
      %dma_wait3A_250 = arith.constant 0 : i32
      %dma_wait3A_251 = tpu.memref_slice %arg12[%add3A_29, %dma_wait3A_250] : memref<10240x128xf32, #tpu.memory_space<vmem_shared>> -> memref<64x128xf32, #tpu.memory_space<vmem_shared>>
      %dma_wait3A_252 = arith.constant 0 : i32
      %dma_wait3A_253 = arith.constant 0 : i32
      %dma_wait3A_254 = tpu.memref_slice %arg10[%run_scoped3A_30, %dma_wait3A_252, %dma_wait3A_253] : memref<2x64x128xf32, #tpu.memory_space<vmem>> -> memref<1x64x128xf32, #tpu.memory_space<vmem>>
      %dma_wait3A_255 = tpu.memref_squeeze %dma_wait3A_254 : memref<1x64x128xf32, #tpu.memory_space<vmem>> -> memref<64x128xf32, #tpu.memory_space<vmem>>
      tpu.wait_dma2 semaphore(%run_scoped3A_231 : memref<!tpu.dma_semaphore, #tpu.memory_space<semaphore_mem>>) src(%dma_wait3A_255 : memref<64x128xf32, #tpu.memory_space<vmem>>) dst(%dma_wait3A_251 : memref<64x128xf32, #tpu.memory_space<vmem_shared>>)
      tpu.yield
    }) : () -> ()
    %mul3A_31 = arith.constant 640 : i32
    %mul3A_32 = arith.muli %arg1, %mul3A_31 : i32
    %add3A_33 = arith.constant 320 : i32
    %add3A_34 = arith.addi %mul3A_32, %add3A_33 : i32
    %run_scoped3A_35 = arith.constant 0 : i32
    "tpu.region"() ({
      %run_scoped3A_231 = tpu.sem_alloc : memref<!tpu.dma_semaphore, #tpu.memory_space<semaphore_mem>>
      %dma_start3A_232 = arith.constant 0 : i32
      %dma_start3A_233 = arith.constant 0 : i32
      %dma_start3A_234 = tpu.memref_slice %arg10[%run_scoped3A_35, %dma_start3A_232, %dma_start3A_233] : memref<2x64x128xf32, #tpu.memory_space<vmem>> -> memref<1x64x128xf32, #tpu.memory_space<vmem>>
      %dma_start3A_235 = tpu.memref_squeeze %dma_start3A_234 : memref<1x64x128xf32, #tpu.memory_space<vmem>> -> memref<64x128xf32, #tpu.memory_space<vmem>>
      %dma_start3A_236 = arith.constant 0 : i32
      %dma_start3A_237 = tpu.memref_slice %arg12[%add3A_34, %dma_start3A_236] : memref<10240x128xf32, #tpu.memory_space<vmem_shared>> -> memref<64x128xf32, #tpu.memory_space<vmem_shared>>
      %dma_start3A_238 = arith.constant 0 : i32
      %dma_start3A_239 = tpu.memref_slice %arg12[%add3A_34, %dma_start3A_238] : memref<10240x128xf32, #tpu.memory_space<vmem_shared>> -> memref<64x128xf32, #tpu.memory_space<vmem_shared>>
      %dma_start3A_240 = arith.constant 0 : i32
      %dma_start3A_241 = arith.constant 0 : i32
      %dma_start3A_242 = tpu.memref_slice %arg10[%run_scoped3A_35, %dma_start3A_240, %dma_start3A_241] : memref<2x64x128xf32, #tpu.memory_space<vmem>> -> memref<1x64x128xf32, #tpu.memory_space<vmem>>
      %dma_start3A_243 = tpu.memref_squeeze %dma_start3A_242 : memref<1x64x128xf32, #tpu.memory_space<vmem>> -> memref<64x128xf32, #tpu.memory_space<vmem>>
      tpu.enqueue_dma source(%dma_start3A_243 : memref<64x128xf32, #tpu.memory_space<vmem>>) target(%dma_start3A_239 : memref<64x128xf32, #tpu.memory_space<vmem_shared>>) target_semaphore(%run_scoped3A_231 : memref<!tpu.dma_semaphore, #tpu.memory_space<semaphore_mem>>)
      %dma_wait3A_244 = arith.constant 0 : i32
      %dma_wait3A_245 = arith.constant 0 : i32
      %dma_wait3A_246 = tpu.memref_slice %arg10[%run_scoped3A_35, %dma_wait3A_244, %dma_wait3A_245] : memref<2x64x128xf32, #tpu.memory_space<vmem>> -> memref<1x64x128xf32, #tpu.memory_space<vmem>>
      %dma_wait3A_247 = tpu.memref_squeeze %dma_wait3A_246 : memref<1x64x128xf32, #tpu.memory_space<vmem>> -> memref<64x128xf32, #tpu.memory_space<vmem>>
      %dma_wait3A_248 = arith.constant 0 : i32
      %dma_wait3A_249 = tpu.memref_slice %arg12[%add3A_34, %dma_wait3A_248] : memref<10240x128xf32, #tpu.memory_space<vmem_shared>> -> memref<64x128xf32, #tpu.memory_space<vmem_shared>>
      %dma_wait3A_250 = arith.constant 0 : i32
      %dma_wait3A_251 = tpu.memref_slice %arg12[%add3A_34, %dma_wait3A_250] : memref<10240x128xf32, #tpu.memory_space<vmem_shared>> -> memref<64x128xf32, #tpu.memory_space<vmem_shared>>
      %dma_wait3A_252 = arith.constant 0 : i32
      %dma_wait3A_253 = arith.constant 0 : i32
      %dma_wait3A_254 = tpu.memref_slice %arg10[%run_scoped3A_35, %dma_wait3A_252, %dma_wait3A_253] : memref<2x64x128xf32, #tpu.memory_space<vmem>> -> memref<1x64x128xf32, #tpu.memory_space<vmem>>
      %dma_wait3A_255 = tpu.memref_squeeze %dma_wait3A_254 : memref<1x64x128xf32, #tpu.memory_space<vmem>> -> memref<64x128xf32, #tpu.memory_space<vmem>>
      tpu.wait_dma2 semaphore(%run_scoped3A_231 : memref<!tpu.dma_semaphore, #tpu.memory_space<semaphore_mem>>) src(%dma_wait3A_255 : memref<64x128xf32, #tpu.memory_space<vmem>>) dst(%dma_wait3A_251 : memref<64x128xf32, #tpu.memory_space<vmem_shared>>)
      tpu.yield
    }) : () -> ()
    %mul3A_36 = arith.constant 640 : i32
    %mul3A_37 = arith.muli %arg1, %mul3A_36 : i32
    %add3A_38 = arith.constant 384 : i32
    %add3A_39 = arith.addi %mul3A_37, %add3A_38 : i32
    %run_scoped3A_40 = arith.constant 0 : i32
    "tpu.region"() ({
      %run_scoped3A_231 = tpu.sem_alloc : memref<!tpu.dma_semaphore, #tpu.memory_space<semaphore_mem>>
      %dma_start3A_232 = arith.constant 0 : i32
      %dma_start3A_233 = arith.constant 0 : i32
      %dma_start3A_234 = tpu.memref_slice %arg10[%run_scoped3A_40, %dma_start3A_232, %dma_start3A_233] : memref<2x64x128xf32, #tpu.memory_space<vmem>> -> memref<1x64x128xf32, #tpu.memory_space<vmem>>
      %dma_start3A_235 = tpu.memref_squeeze %dma_start3A_234 : memref<1x64x128xf32, #tpu.memory_space<vmem>> -> memref<64x128xf32, #tpu.memory_space<vmem>>
      %dma_start3A_236 = arith.constant 0 : i32
      %dma_start3A_237 = tpu.memref_slice %arg12[%add3A_39, %dma_start3A_236] : memref<10240x128xf32, #tpu.memory_space<vmem_shared>> -> memref<64x128xf32, #tpu.memory_space<vmem_shared>>
      %dma_start3A_238 = arith.constant 0 : i32
      %dma_start3A_239 = tpu.memref_slice %arg12[%add3A_39, %dma_start3A_238] : memref<10240x128xf32, #tpu.memory_space<vmem_shared>> -> memref<64x128xf32, #tpu.memory_space<vmem_shared>>
      %dma_start3A_240 = arith.constant 0 : i32
      %dma_start3A_241 = arith.constant 0 : i32
      %dma_start3A_242 = tpu.memref_slice %arg10[%run_scoped3A_40, %dma_start3A_240, %dma_start3A_241] : memref<2x64x128xf32, #tpu.memory_space<vmem>> -> memref<1x64x128xf32, #tpu.memory_space<vmem>>
      %dma_start3A_243 = tpu.memref_squeeze %dma_start3A_242 : memref<1x64x128xf32, #tpu.memory_space<vmem>> -> memref<64x128xf32, #tpu.memory_space<vmem>>
      tpu.enqueue_dma source(%dma_start3A_243 : memref<64x128xf32, #tpu.memory_space<vmem>>) target(%dma_start3A_239 : memref<64x128xf32, #tpu.memory_space<vmem_shared>>) target_semaphore(%run_scoped3A_231 : memref<!tpu.dma_semaphore, #tpu.memory_space<semaphore_mem>>)
      %dma_wait3A_244 = arith.constant 0 : i32
      %dma_wait3A_245 = arith.constant 0 : i32
      %dma_wait3A_246 = tpu.memref_slice %arg10[%run_scoped3A_40, %dma_wait3A_244, %dma_wait3A_245] : memref<2x64x128xf32, #tpu.memory_space<vmem>> -> memref<1x64x128xf32, #tpu.memory_space<vmem>>
      %dma_wait3A_247 = tpu.memref_squeeze %dma_wait3A_246 : memref<1x64x128xf32, #tpu.memory_space<vmem>> -> memref<64x128xf32, #tpu.memory_space<vmem>>
      %dma_wait3A_248 = arith.constant 0 : i32
      %dma_wait3A_249 = tpu.memref_slice %arg12[%add3A_39, %dma_wait3A_248] : memref<10240x128xf32, #tpu.memory_space<vmem_shared>> -> memref<64x128xf32, #tpu.memory_space<vmem_shared>>
      %dma_wait3A_250 = arith.constant 0 : i32
      %dma_wait3A_251 = tpu.memref_slice %arg12[%add3A_39, %dma_wait3A_250] : memref<10240x128xf32, #tpu.memory_space<vmem_shared>> -> memref<64x128xf32, #tpu.memory_space<vmem_shared>>
      %dma_wait3A_252 = arith.constant 0 : i32
      %dma_wait3A_253 = arith.constant 0 : i32
      %dma_wait3A_254 = tpu.memref_slice %arg10[%run_scoped3A_40, %dma_wait3A_252, %dma_wait3A_253] : memref<2x64x128xf32, #tpu.memory_space<vmem>> -> memref<1x64x128xf32, #tpu.memory_space<vmem>>
      %dma_wait3A_255 = tpu.memref_squeeze %dma_wait3A_254 : memref<1x64x128xf32, #tpu.memory_space<vmem>> -> memref<64x128xf32, #tpu.memory_space<vmem>>
      tpu.wait_dma2 semaphore(%run_scoped3A_231 : memref<!tpu.dma_semaphore, #tpu.memory_space<semaphore_mem>>) src(%dma_wait3A_255 : memref<64x128xf32, #tpu.memory_space<vmem>>) dst(%dma_wait3A_251 : memref<64x128xf32, #tpu.memory_space<vmem_shared>>)
      tpu.yield
    }) : () -> ()
    %mul3A_41 = arith.constant 640 : i32
    %mul3A_42 = arith.muli %arg1, %mul3A_41 : i32
    %add3A_43 = arith.constant 448 : i32
    %add3A_44 = arith.addi %mul3A_42, %add3A_43 : i32
    %run_scoped3A_45 = arith.constant 0 : i32
    "tpu.region"() ({
      %run_scoped3A_231 = tpu.sem_alloc : memref<!tpu.dma_semaphore, #tpu.memory_space<semaphore_mem>>
      %dma_start3A_232 = arith.constant 0 : i32
      %dma_start3A_233 = arith.constant 0 : i32
      %dma_start3A_234 = tpu.memref_slice %arg10[%run_scoped3A_45, %dma_start3A_232, %dma_start3A_233] : memref<2x64x128xf32, #tpu.memory_space<vmem>> -> memref<1x64x128xf32, #tpu.memory_space<vmem>>
      %dma_start3A_235 = tpu.memref_squeeze %dma_start3A_234 : memref<1x64x128xf32, #tpu.memory_space<vmem>> -> memref<64x128xf32, #tpu.memory_space<vmem>>
      %dma_start3A_236 = arith.constant 0 : i32
      %dma_start3A_237 = tpu.memref_slice %arg12[%add3A_44, %dma_start3A_236] : memref<10240x128xf32, #tpu.memory_space<vmem_shared>> -> memref<64x128xf32, #tpu.memory_space<vmem_shared>>
      %dma_start3A_238 = arith.constant 0 : i32
      %dma_start3A_239 = tpu.memref_slice %arg12[%add3A_44, %dma_start3A_238] : memref<10240x128xf32, #tpu.memory_space<vmem_shared>> -> memref<64x128xf32, #tpu.memory_space<vmem_shared>>
      %dma_start3A_240 = arith.constant 0 : i32
      %dma_start3A_241 = arith.constant 0 : i32
      %dma_start3A_242 = tpu.memref_slice %arg10[%run_scoped3A_45, %dma_start3A_240, %dma_start3A_241] : memref<2x64x128xf32, #tpu.memory_space<vmem>> -> memref<1x64x128xf32, #tpu.memory_space<vmem>>
      %dma_start3A_243 = tpu.memref_squeeze %dma_start3A_242 : memref<1x64x128xf32, #tpu.memory_space<vmem>> -> memref<64x128xf32, #tpu.memory_space<vmem>>
      tpu.enqueue_dma source(%dma_start3A_243 : memref<64x128xf32, #tpu.memory_space<vmem>>) target(%dma_start3A_239 : memref<64x128xf32, #tpu.memory_space<vmem_shared>>) target_semaphore(%run_scoped3A_231 : memref<!tpu.dma_semaphore, #tpu.memory_space<semaphore_mem>>)
      %dma_wait3A_244 = arith.constant 0 : i32
      %dma_wait3A_245 = arith.constant 0 : i32
      %dma_wait3A_246 = tpu.memref_slice %arg10[%run_scoped3A_45, %dma_wait3A_244, %dma_wait3A_245] : memref<2x64x128xf32, #tpu.memory_space<vmem>> -> memref<1x64x128xf32, #tpu.memory_space<vmem>>
      %dma_wait3A_247 = tpu.memref_squeeze %dma_wait3A_246 : memref<1x64x128xf32, #tpu.memory_space<vmem>> -> memref<64x128xf32, #tpu.memory_space<vmem>>
      %dma_wait3A_248 = arith.constant 0 : i32
      %dma_wait3A_249 = tpu.memref_slice %arg12[%add3A_44, %dma_wait3A_248] : memref<10240x128xf32, #tpu.memory_space<vmem_shared>> -> memref<64x128xf32, #tpu.memory_space<vmem_shared>>
      %dma_wait3A_250 = arith.constant 0 : i32
      %dma_wait3A_251 = tpu.memref_slice %arg12[%add3A_44, %dma_wait3A_250] : memref<10240x128xf32, #tpu.memory_space<vmem_shared>> -> memref<64x128xf32, #tpu.memory_space<vmem_shared>>
      %dma_wait3A_252 = arith.constant 0 : i32
      %dma_wait3A_253 = arith.constant 0 : i32
      %dma_wait3A_254 = tpu.memref_slice %arg10[%run_scoped3A_45, %dma_wait3A_252, %dma_wait3A_253] : memref<2x64x128xf32, #tpu.memory_space<vmem>> -> memref<1x64x128xf32, #tpu.memory_space<vmem>>
      %dma_wait3A_255 = tpu.memref_squeeze %dma_wait3A_254 : memref<1x64x128xf32, #tpu.memory_space<vmem>> -> memref<64x128xf32, #tpu.memory_space<vmem>>
      tpu.wait_dma2 semaphore(%run_scoped3A_231 : memref<!tpu.dma_semaphore, #tpu.memory_space<semaphore_mem>>) src(%dma_wait3A_255 : memref<64x128xf32, #tpu.memory_space<vmem>>) dst(%dma_wait3A_251 : memref<64x128xf32, #tpu.memory_space<vmem_shared>>)
      tpu.yield
    }) : () -> ()
    %mul3A_46 = arith.constant 640 : i32
    %mul3A_47 = arith.muli %arg1, %mul3A_46 : i32
    %add3A_48 = arith.constant 512 : i32
    %add3A_49 = arith.addi %mul3A_47, %add3A_48 : i32
    %run_scoped3A_50 = arith.constant 0 : i32
    "tpu.region"() ({
      %run_scoped3A_231 = tpu.sem_alloc : memref<!tpu.dma_semaphore, #tpu.memory_space<semaphore_mem>>
      %dma_start3A_232 = arith.constant 0 : i32
      %dma_start3A_233 = arith.constant 0 : i32
      %dma_start3A_234 = tpu.memref_slice %arg10[%run_scoped3A_50, %dma_start3A_232, %dma_start3A_233] : memref<2x64x128xf32, #tpu.memory_space<vmem>> -> memref<1x64x128xf32, #tpu.memory_space<vmem>>
      %dma_start3A_235 = tpu.memref_squeeze %dma_start3A_234 : memref<1x64x128xf32, #tpu.memory_space<vmem>> -> memref<64x128xf32, #tpu.memory_space<vmem>>
      %dma_start3A_236 = arith.constant 0 : i32
      %dma_start3A_237 = tpu.memref_slice %arg12[%add3A_49, %dma_start3A_236] : memref<10240x128xf32, #tpu.memory_space<vmem_shared>> -> memref<64x128xf32, #tpu.memory_space<vmem_shared>>
      %dma_start3A_238 = arith.constant 0 : i32
      %dma_start3A_239 = tpu.memref_slice %arg12[%add3A_49, %dma_start3A_238] : memref<10240x128xf32, #tpu.memory_space<vmem_shared>> -> memref<64x128xf32, #tpu.memory_space<vmem_shared>>
      %dma_start3A_240 = arith.constant 0 : i32
      %dma_start3A_241 = arith.constant 0 : i32
      %dma_start3A_242 = tpu.memref_slice %arg10[%run_scoped3A_50, %dma_start3A_240, %dma_start3A_241] : memref<2x64x128xf32, #tpu.memory_space<vmem>> -> memref<1x64x128xf32, #tpu.memory_space<vmem>>
      %dma_start3A_243 = tpu.memref_squeeze %dma_start3A_242 : memref<1x64x128xf32, #tpu.memory_space<vmem>> -> memref<64x128xf32, #tpu.memory_space<vmem>>
      tpu.enqueue_dma source(%dma_start3A_243 : memref<64x128xf32, #tpu.memory_space<vmem>>) target(%dma_start3A_239 : memref<64x128xf32, #tpu.memory_space<vmem_shared>>) target_semaphore(%run_scoped3A_231 : memref<!tpu.dma_semaphore, #tpu.memory_space<semaphore_mem>>)
      %dma_wait3A_244 = arith.constant 0 : i32
      %dma_wait3A_245 = arith.constant 0 : i32
      %dma_wait3A_246 = tpu.memref_slice %arg10[%run_scoped3A_50, %dma_wait3A_244, %dma_wait3A_245] : memref<2x64x128xf32, #tpu.memory_space<vmem>> -> memref<1x64x128xf32, #tpu.memory_space<vmem>>
      %dma_wait3A_247 = tpu.memref_squeeze %dma_wait3A_246 : memref<1x64x128xf32, #tpu.memory_space<vmem>> -> memref<64x128xf32, #tpu.memory_space<vmem>>
      %dma_wait3A_248 = arith.constant 0 : i32
      %dma_wait3A_249 = tpu.memref_slice %arg12[%add3A_49, %dma_wait3A_248] : memref<10240x128xf32, #tpu.memory_space<vmem_shared>> -> memref<64x128xf32, #tpu.memory_space<vmem_shared>>
      %dma_wait3A_250 = arith.constant 0 : i32
      %dma_wait3A_251 = tpu.memref_slice %arg12[%add3A_49, %dma_wait3A_250] : memref<10240x128xf32, #tpu.memory_space<vmem_shared>> -> memref<64x128xf32, #tpu.memory_space<vmem_shared>>
      %dma_wait3A_252 = arith.constant 0 : i32
      %dma_wait3A_253 = arith.constant 0 : i32
      %dma_wait3A_254 = tpu.memref_slice %arg10[%run_scoped3A_50, %dma_wait3A_252, %dma_wait3A_253] : memref<2x64x128xf32, #tpu.memory_space<vmem>> -> memref<1x64x128xf32, #tpu.memory_space<vmem>>
      %dma_wait3A_255 = tpu.memref_squeeze %dma_wait3A_254 : memref<1x64x128xf32, #tpu.memory_space<vmem>> -> memref<64x128xf32, #tpu.memory_space<vmem>>
      tpu.wait_dma2 semaphore(%run_scoped3A_231 : memref<!tpu.dma_semaphore, #tpu.memory_space<semaphore_mem>>) src(%dma_wait3A_255 : memref<64x128xf32, #tpu.memory_space<vmem>>) dst(%dma_wait3A_251 : memref<64x128xf32, #tpu.memory_space<vmem_shared>>)
      tpu.yield
    }) : () -> ()
    %mul3A_51 = arith.constant 640 : i32
    %mul3A_52 = arith.muli %arg1, %mul3A_51 : i32
    %add3A_53 = arith.constant 576 : i32
    %add3A_54 = arith.addi %mul3A_52, %add3A_53 : i32
    %run_scoped3A_55 = arith.constant 0 : i32
    "tpu.region"() ({
      %run_scoped3A_231 = tpu.sem_alloc : memref<!tpu.dma_semaphore, #tpu.memory_space<semaphore_mem>>
      %dma_start3A_232 = arith.constant 0 : i32
      %dma_start3A_233 = arith.constant 0 : i32
      %dma_start3A_234 = tpu.memref_slice %arg10[%run_scoped3A_55, %dma_start3A_232, %dma_start3A_233] : memref<2x64x128xf32, #tpu.memory_space<vmem>> -> memref<1x64x128xf32, #tpu.memory_space<vmem>>
      %dma_start3A_235 = tpu.memref_squeeze %dma_start3A_234 : memref<1x64x128xf32, #tpu.memory_space<vmem>> -> memref<64x128xf32, #tpu.memory_space<vmem>>
      %dma_start3A_236 = arith.constant 0 : i32
      %dma_start3A_237 = tpu.memref_slice %arg12[%add3A_54, %dma_start3A_236] : memref<10240x128xf32, #tpu.memory_space<vmem_shared>> -> memref<64x128xf32, #tpu.memory_space<vmem_shared>>
      %dma_start3A_238 = arith.constant 0 : i32
      %dma_start3A_239 = tpu.memref_slice %arg12[%add3A_54, %dma_start3A_238] : memref<10240x128xf32, #tpu.memory_space<vmem_shared>> -> memref<64x128xf32, #tpu.memory_space<vmem_shared>>
      %dma_start3A_240 = arith.constant 0 : i32
      %dma_start3A_241 = arith.constant 0 : i32
      %dma_start3A_242 = tpu.memref_slice %arg10[%run_scoped3A_55, %dma_start3A_240, %dma_start3A_241] : memref<2x64x128xf32, #tpu.memory_space<vmem>> -> memref<1x64x128xf32, #tpu.memory_space<vmem>>
      %dma_start3A_243 = tpu.memref_squeeze %dma_start3A_242 : memref<1x64x128xf32, #tpu.memory_space<vmem>> -> memref<64x128xf32, #tpu.memory_space<vmem>>
      tpu.enqueue_dma source(%dma_start3A_243 : memref<64x128xf32, #tpu.memory_space<vmem>>) target(%dma_start3A_239 : memref<64x128xf32, #tpu.memory_space<vmem_shared>>) target_semaphore(%run_scoped3A_231 : memref<!tpu.dma_semaphore, #tpu.memory_space<semaphore_mem>>)
      %dma_wait3A_244 = arith.constant 0 : i32
      %dma_wait3A_245 = arith.constant 0 : i32
      %dma_wait3A_246 = tpu.memref_slice %arg10[%run_scoped3A_55, %dma_wait3A_244, %dma_wait3A_245] : memref<2x64x128xf32, #tpu.memory_space<vmem>> -> memref<1x64x128xf32, #tpu.memory_space<vmem>>
      %dma_wait3A_247 = tpu.memref_squeeze %dma_wait3A_246 : memref<1x64x128xf32, #tpu.memory_space<vmem>> -> memref<64x128xf32, #tpu.memory_space<vmem>>
      %dma_wait3A_248 = arith.constant 0 : i32
      %dma_wait3A_249 = tpu.memref_slice %arg12[%add3A_54, %dma_wait3A_248] : memref<10240x128xf32, #tpu.memory_space<vmem_shared>> -> memref<64x128xf32, #tpu.memory_space<vmem_shared>>
      %dma_wait3A_250 = arith.constant 0 : i32
      %dma_wait3A_251 = tpu.memref_slice %arg12[%add3A_54, %dma_wait3A_250] : memref<10240x128xf32, #tpu.memory_space<vmem_shared>> -> memref<64x128xf32, #tpu.memory_space<vmem_shared>>
      %dma_wait3A_252 = arith.constant 0 : i32
      %dma_wait3A_253 = arith.constant 0 : i32
      %dma_wait3A_254 = tpu.memref_slice %arg10[%run_scoped3A_55, %dma_wait3A_252, %dma_wait3A_253] : memref<2x64x128xf32, #tpu.memory_space<vmem>> -> memref<1x64x128xf32, #tpu.memory_space<vmem>>
      %dma_wait3A_255 = tpu.memref_squeeze %dma_wait3A_254 : memref<1x64x128xf32, #tpu.memory_space<vmem>> -> memref<64x128xf32, #tpu.memory_space<vmem>>
      tpu.wait_dma2 semaphore(%run_scoped3A_231 : memref<!tpu.dma_semaphore, #tpu.memory_space<semaphore_mem>>) src(%dma_wait3A_255 : memref<64x128xf32, #tpu.memory_space<vmem>>) dst(%dma_wait3A_251 : memref<64x128xf32, #tpu.memory_space<vmem_shared>>)
      tpu.yield
    }) : () -> ()
    %barrier3A = arith.constant 0 : index
    tpu.barrier barrier_id(%barrier3A)
    %mul3A_56 = arith.constant 80 : i32
    %mul3A_57 = arith.muli %add3A, %mul3A_56 : i32
    "tpu.region"() ({
      %run_scoped3A_231 = tpu.sem_alloc : memref<!tpu.dma_semaphore, #tpu.memory_space<semaphore_mem>>
      %dma_start3A_232 = arith.constant 0 : i32
      %dma_start3A_233 = tpu.memref_slice %arg5[%mul3A_57, %dma_start3A_232] : memref<2560x128xi32, #tpu.memory_space<hbm>> -> memref<80x128xi32, #tpu.memory_space<hbm>>
      %dma_start3A_234 = arith.constant 0 : i32
      %dma_start3A_235 = tpu.memref_slice %arg5[%mul3A_57, %dma_start3A_234] : memref<2560x128xi32, #tpu.memory_space<hbm>> -> memref<80x128xi32, #tpu.memory_space<hbm>>
      tpu.enqueue_dma source(%dma_start3A_235 : memref<80x128xi32, #tpu.memory_space<hbm>>) target(%arg8 : memref<80x128xi32, #tpu.memory_space<vmem>>) target_semaphore(%run_scoped3A_231 : memref<!tpu.dma_semaphore, #tpu.memory_space<semaphore_mem>>)
      %dma_wait3A_236 = arith.constant 0 : i32
      %dma_wait3A_237 = tpu.memref_slice %arg5[%mul3A_57, %dma_wait3A_236] : memref<2560x128xi32, #tpu.memory_space<hbm>> -> memref<80x128xi32, #tpu.memory_space<hbm>>
      %dma_wait3A_238 = arith.constant 0 : i32
      %dma_wait3A_239 = tpu.memref_slice %arg5[%mul3A_57, %dma_wait3A_238] : memref<2560x128xi32, #tpu.memory_space<hbm>> -> memref<80x128xi32, #tpu.memory_space<hbm>>
      tpu.wait_dma2 semaphore(%run_scoped3A_231 : memref<!tpu.dma_semaphore, #tpu.memory_space<semaphore_mem>>) src(%dma_wait3A_239 : memref<80x128xi32, #tpu.memory_space<hbm>>) dst(%arg8 : memref<80x128xi32, #tpu.memory_space<vmem>>)
      tpu.yield
    }) : () -> ()
    %mul3A_58 = arith.constant 160 : i32
    %mul3A_59 = arith.muli %add3A, %mul3A_58 : i32
    %add3A_60 = arith.constant 0 : i32
    %add3A_61 = arith.addi %mul3A_59, %add3A_60 : i32
    %mul3A_62 = arith.constant 64 : i32
    %mul3A_63 = arith.muli %add3A_61, %mul3A_62 : i32
    %mul3A_64 = arith.constant 80 : i32
    %mul3A_65 = arith.muli %add3A, %mul3A_64 : i32
    %add3A_66 = arith.constant 0 : i32
    %add3A_67 = arith.addi %mul3A_65, %add3A_66 : i32
    "tpu.region"() ({
      %run_scoped3A_231 = tpu.sem_alloc : memref<!tpu.dma_semaphore, #tpu.memory_space<semaphore_mem>>
      %dma_start3A_232 = arith.constant 0 : i32
      %dma_start3A_233 = tpu.memref_slice %arg4[%add3A_67, %dma_start3A_232] : memref<2560x128xi32, #tpu.memory_space<hbm>> -> memref<40x128xi32, #tpu.memory_space<hbm>>
      %dma_start3A_234 = arith.constant 0 : i32
      %dma_start3A_235 = tpu.memref_slice %arg4[%add3A_67, %dma_start3A_234] : memref<2560x128xi32, #tpu.memory_space<hbm>> -> memref<40x128xi32, #tpu.memory_space<hbm>>
      tpu.enqueue_dma source(%dma_start3A_235 : memref<40x128xi32, #tpu.memory_space<hbm>>) target(%arg7 : memref<40x128xi32, #tpu.memory_space<vmem>>) target_semaphore(%run_scoped3A_231 : memref<!tpu.dma_semaphore, #tpu.memory_space<semaphore_mem>>)
      %dma_wait3A_236 = arith.constant 0 : i32
      %dma_wait3A_237 = tpu.memref_slice %arg4[%add3A_67, %dma_wait3A_236] : memref<2560x128xi32, #tpu.memory_space<hbm>> -> memref<40x128xi32, #tpu.memory_space<hbm>>
      %dma_wait3A_238 = arith.constant 0 : i32
      %dma_wait3A_239 = tpu.memref_slice %arg4[%add3A_67, %dma_wait3A_238] : memref<2560x128xi32, #tpu.memory_space<hbm>> -> memref<40x128xi32, #tpu.memory_space<hbm>>
      tpu.wait_dma2 semaphore(%run_scoped3A_231 : memref<!tpu.dma_semaphore, #tpu.memory_space<semaphore_mem>>) src(%dma_wait3A_239 : memref<40x128xi32, #tpu.memory_space<hbm>>) dst(%arg7 : memref<40x128xi32, #tpu.memory_space<vmem>>)
      tpu.yield
    }) : () -> ()
    %add3A_68 = arith.constant 0 : i32
    %add3A_69 = arith.addi %mul3A_63, %add3A_68 : i32
    %dma_start3A = arith.constant 0 : i32
    %dma_start3A_70 = arith.constant 0 : i32
    %dma_start3A_71 = arith.constant 0 : i32
    %dma_start3A_72 = arith.constant 0 : i32
    %dma_start3A_73 = tpu.memref_slice %arg10[%dma_start3A_70, %dma_start3A_71, %dma_start3A_72] : memref<2x64x128xf32, #tpu.memory_space<vmem>> -> memref<1x64x128xf32, #tpu.memory_space<vmem>>
    %dma_start3A_74 = tpu.memref_squeeze %dma_start3A_73 : memref<1x64x128xf32, #tpu.memory_space<vmem>> -> memref<64x128xf32, #tpu.memory_space<vmem>>
    %dma_start3A_75 = arith.constant 0 : i32
    %dma_start3A_76 = tpu.memref_slice %arg7[%dma_start3A, %dma_start3A_75] : memref<40x128xi32, #tpu.memory_space<vmem>> -> memref<1x64xi32, #tpu.memory_space<vmem>>
    %dma_start3A_77 = tpu.memref_squeeze %dma_start3A_76 : memref<1x64xi32, #tpu.memory_space<vmem>> -> memref<64xi32, #tpu.memory_space<vmem>>
    %dma_start3A_78 = arith.constant 0 : i32
    %dma_start3A_79 = arith.constant 0 : i32
    %dma_start3A_80 = tpu.memref_slice %arg2[%dma_start3A_78, %dma_start3A_79] : memref<10000x128xf32, #tpu.memory_space<hbm>> -> memref<10000x128xf32, #tpu.memory_space<hbm>>
    tpu.enqueue_indirect_dma source(%dma_start3A_80 : memref<10000x128xf32, #tpu.memory_space<hbm>>) target(%dma_start3A_74 : memref<64x128xf32, #tpu.memory_space<vmem>>) offsets(%dma_start3A_77 : memref<64xi32, #tpu.memory_space<vmem>>) semaphore(%arg13 : memref<!tpu.dma_semaphore, #tpu.memory_space<semaphore_mem>>)
    %dma_start3A_81 = arith.constant 0 : i32
    %dma_start3A_82 = arith.constant 0 : i32
    %dma_start3A_83 = arith.constant 0 : i32
    %dma_start3A_84 = tpu.memref_slice %arg11[%dma_start3A_81, %dma_start3A_82, %dma_start3A_83] : memref<2x64x128xf32, #tpu.memory_space<vmem>> -> memref<1x64x128xf32, #tpu.memory_space<vmem>>
    %dma_start3A_85 = tpu.memref_squeeze %dma_start3A_84 : memref<1x64x128xf32, #tpu.memory_space<vmem>> -> memref<64x128xf32, #tpu.memory_space<vmem>>
    %dma_start3A_86 = arith.constant 0 : i32
    %dma_start3A_87 = tpu.memref_slice %arg3[%add3A_69, %dma_start3A_86] : memref<327680x128xf32, #tpu.memory_space<hbm>> -> memref<64x128xf32, #tpu.memory_space<hbm>>
    %dma_start3A_88 = arith.constant 0 : i32
    %dma_start3A_89 = arith.constant 0 : i32
    %dma_start3A_90 = tpu.memref_slice %arg11[%dma_start3A_81, %dma_start3A_88, %dma_start3A_89] : memref<2x64x128xf32, #tpu.memory_space<vmem>> -> memref<1x64x128xf32, #tpu.memory_space<vmem>>
    %dma_start3A_91 = tpu.memref_squeeze %dma_start3A_90 : memref<1x64x128xf32, #tpu.memory_space<vmem>> -> memref<64x128xf32, #tpu.memory_space<vmem>>
    %dma_start3A_92 = arith.constant 0 : i32
    %dma_start3A_93 = tpu.memref_slice %arg3[%add3A_69, %dma_start3A_92] : memref<327680x128xf32, #tpu.memory_space<hbm>> -> memref<64x128xf32, #tpu.memory_space<hbm>>
    tpu.enqueue_dma source(%dma_start3A_93 : memref<64x128xf32, #tpu.memory_space<hbm>>) target(%dma_start3A_91 : memref<64x128xf32, #tpu.memory_space<vmem>>) target_semaphore(%arg15 : memref<!tpu.dma_semaphore, #tpu.memory_space<semaphore_mem>>)
    %scan3A_94 = arith.constant 0 : i32
    %scan3A_95 = arith.constant 0 : i32
    %scan3A_96 = arith.constant 40 : i32
    %scan3A_97 = arith.addi %scan3A_95, %scan3A_96 : i32
    %scan3A_98 = arith.constant 1 : i32
    scf.for %scan3A_231 = %scan3A_95 to %scan3A_97 step %scan3A_98  : i32 {
      %mul3A_232 = arith.constant 2 : i32
      %mul3A_233 = arith.muli %mul3A_232, %scan3A_231 : i32
      %add3A_234 = arith.constant 0 : i32
      %add3A_235 = arith.addi %mul3A_233, %add3A_234 : i32
      %add3A_236 = arith.constant 1 : i32
      %add3A_237 = arith.addi %add3A_235, %add3A_236 : i32
      %lt3A = arith.constant 80 : i32
      %lt3A_238 = arith.cmpi slt, %add3A_237, %lt3A : i32
      %convert_element_type3A = arith.extui %lt3A_238 : i1 to i32
      %cond3A = arith.constant 0 : i32
      %cond3A_239 = arith.cmpi ne, %convert_element_type3A, %cond3A : i32
      scf.if %cond3A_239 {
        %ge3A = arith.constant 1 : i32
        %ge3A_405 = arith.cmpi sge, %add3A_235, %ge3A : i32
        %convert_element_type3A_406 = arith.extui %ge3A_405 : i1 to i32
        %cond3A_407 = arith.constant 0 : i32
        %cond3A_408 = arith.cmpi ne, %convert_element_type3A_406, %cond3A_407 : i32
        scf.if %cond3A_408 {
          %dma_wait3A_440 = arith.constant 1 : i32
          %dma_wait3A_441 = arith.constant 0 : i32
          %dma_wait3A_442 = arith.constant 0 : i32
          %dma_wait3A_443 = arith.constant 0 : i32
          %dma_wait3A_444 = tpu.memref_slice %arg10[%dma_wait3A_440, %dma_wait3A_442, %dma_wait3A_443] : memref<2x64x128xf32, #tpu.memory_space<vmem>> -> memref<1x64x128xf32, #tpu.memory_space<vmem>>
          %dma_wait3A_445 = tpu.memref_squeeze %dma_wait3A_444 : memref<1x64x128xf32, #tpu.memory_space<vmem>> -> memref<64x128xf32, #tpu.memory_space<vmem>>
          %dma_wait3A_446 = arith.constant 0 : i32
          %dma_wait3A_447 = tpu.memref_slice %arg9[%dma_wait3A_441, %dma_wait3A_446] : memref<2x64xi32, #tpu.memory_space<vmem>> -> memref<1x64xi32, #tpu.memory_space<vmem>>
          %dma_wait3A_448 = tpu.memref_squeeze %dma_wait3A_447 : memref<1x64xi32, #tpu.memory_space<vmem>> -> memref<64xi32, #tpu.memory_space<vmem>>
          %dma_wait3A_449 = arith.constant 0 : i32
          %dma_wait3A_450 = arith.constant 0 : i32
          %dma_wait3A_451 = tpu.memref_slice %arg12[%dma_wait3A_449, %dma_wait3A_450] : memref<10240x128xf32, #tpu.memory_space<vmem_shared>> -> memref<10240x128xf32, #tpu.memory_space<vmem_shared>>
          tpu.wait_indirect_dma semaphore(%arg18 : memref<!tpu.dma_semaphore, #tpu.memory_space<semaphore_mem>>) src(%dma_wait3A_445 : memref<64x128xf32, #tpu.memory_space<vmem>>) dst(%dma_wait3A_451 : memref<10240x128xf32, #tpu.memory_space<vmem_shared>>)
        } else {
        }
        %mul3A_409 = arith.constant 2 : i32
        %mul3A_410 = arith.muli %mul3A_409, %scan3A_231 : i32
        %add3A_411 = arith.constant 1 : i32
        %add3A_412 = arith.addi %mul3A_410, %add3A_411 : i32
        %mul3A_413 = arith.constant 64 : i32
        %mul3A_414 = arith.muli %add3A_412, %mul3A_413 : i32
        %add3A_415 = arith.addi %mul3A_63, %mul3A_414 : i32
        %dma_start3A_416 = arith.constant 1 : i32
        %dma_start3A_417 = arith.constant 0 : i32
        %dma_start3A_418 = arith.constant 0 : i32
        %dma_start3A_419 = tpu.memref_slice %arg10[%dma_start3A_416, %dma_start3A_417, %dma_start3A_418] : memref<2x64x128xf32, #tpu.memory_space<vmem>> -> memref<1x64x128xf32, #tpu.memory_space<vmem>>
        %dma_start3A_420 = tpu.memref_squeeze %dma_start3A_419 : memref<1x64x128xf32, #tpu.memory_space<vmem>> -> memref<64x128xf32, #tpu.memory_space<vmem>>
        %dma_start3A_421 = arith.constant 64 : i32
        %dma_start3A_422 = tpu.memref_slice %arg7[%scan3A_231, %dma_start3A_421] : memref<40x128xi32, #tpu.memory_space<vmem>> -> memref<1x64xi32, #tpu.memory_space<vmem>>
        %dma_start3A_423 = tpu.memref_squeeze %dma_start3A_422 : memref<1x64xi32, #tpu.memory_space<vmem>> -> memref<64xi32, #tpu.memory_space<vmem>>
        %dma_start3A_424 = arith.constant 0 : i32
        %dma_start3A_425 = arith.constant 0 : i32
        %dma_start3A_426 = tpu.memref_slice %arg2[%dma_start3A_424, %dma_start3A_425] : memref<10000x128xf32, #tpu.memory_space<hbm>> -> memref<10000x128xf32, #tpu.memory_space<hbm>>
        tpu.enqueue_indirect_dma source(%dma_start3A_426 : memref<10000x128xf32, #tpu.memory_space<hbm>>) target(%dma_start3A_420 : memref<64x128xf32, #tpu.memory_space<vmem>>) offsets(%dma_start3A_423 : memref<64xi32, #tpu.memory_space<vmem>>) semaphore(%arg14 : memref<!tpu.dma_semaphore, #tpu.memory_space<semaphore_mem>>)
        %dma_start3A_427 = arith.constant 1 : i32
        %dma_start3A_428 = arith.constant 0 : i32
        %dma_start3A_429 = arith.constant 0 : i32
        %dma_start3A_430 = tpu.memref_slice %arg11[%dma_start3A_427, %dma_start3A_428, %dma_start3A_429] : memref<2x64x128xf32, #tpu.memory_space<vmem>> -> memref<1x64x128xf32, #tpu.memory_space<vmem>>
        %dma_start3A_431 = tpu.memref_squeeze %dma_start3A_430 : memref<1x64x128xf32, #tpu.memory_space<vmem>> -> memref<64x128xf32, #tpu.memory_space<vmem>>
        %dma_start3A_432 = arith.constant 0 : i32
        %dma_start3A_433 = tpu.memref_slice %arg3[%add3A_415, %dma_start3A_432] : memref<327680x128xf32, #tpu.memory_space<hbm>> -> memref<64x128xf32, #tpu.memory_space<hbm>>
        %dma_start3A_434 = arith.constant 0 : i32
        %dma_start3A_435 = arith.constant 0 : i32
        %dma_start3A_436 = tpu.memref_slice %arg11[%dma_start3A_427, %dma_start3A_434, %dma_start3A_435] : memref<2x64x128xf32, #tpu.memory_space<vmem>> -> memref<1x64x128xf32, #tpu.memory_space<vmem>>
        %dma_start3A_437 = tpu.memref_squeeze %dma_start3A_436 : memref<1x64x128xf32, #tpu.memory_space<vmem>> -> memref<64x128xf32, #tpu.memory_space<vmem>>
        %dma_start3A_438 = arith.constant 0 : i32
        %dma_start3A_439 = tpu.memref_slice %arg3[%add3A_415, %dma_start3A_438] : memref<327680x128xf32, #tpu.memory_space<hbm>> -> memref<64x128xf32, #tpu.memory_space<hbm>>
        tpu.enqueue_dma source(%dma_start3A_439 : memref<64x128xf32, #tpu.memory_space<hbm>>) target(%dma_start3A_437 : memref<64x128xf32, #tpu.memory_space<vmem>>) target_semaphore(%arg16 : memref<!tpu.dma_semaphore, #tpu.memory_space<semaphore_mem>>)
      } else {
      }
      %dma_wait3A_240 = arith.constant 0 : i32
      %dma_wait3A_241 = arith.constant 0 : i32
      %dma_wait3A_242 = arith.constant 0 : i32
      %dma_wait3A_243 = tpu.memref_slice %arg10[%dma_wait3A_240, %dma_wait3A_241, %dma_wait3A_242] : memref<2x64x128xf32, #tpu.memory_space<vmem>> -> memref<1x64x128xf32, #tpu.memory_space<vmem>>
      %dma_wait3A_244 = tpu.memref_squeeze %dma_wait3A_243 : memref<1x64x128xf32, #tpu.memory_space<vmem>> -> memref<64x128xf32, #tpu.memory_space<vmem>>
      %dma_wait3A_245 = arith.constant 0 : i32
      %dma_wait3A_246 = arith.constant 0 : i32
      %dma_wait3A_247 = tpu.memref_slice %arg2[%dma_wait3A_245, %dma_wait3A_246] : memref<10000x128xf32, #tpu.memory_space<hbm>> -> memref<64x128xf32, #tpu.memory_space<hbm>>
      %dma_wait3A_248 = arith.constant 0 : i32
      %dma_wait3A_249 = arith.constant 0 : i32
      %dma_wait3A_250 = tpu.memref_slice %arg10[%dma_wait3A_240, %dma_wait3A_248, %dma_wait3A_249] : memref<2x64x128xf32, #tpu.memory_space<vmem>> -> memref<1x64x128xf32, #tpu.memory_space<vmem>>
      %dma_wait3A_251 = tpu.memref_squeeze %dma_wait3A_250 : memref<1x64x128xf32, #tpu.memory_space<vmem>> -> memref<64x128xf32, #tpu.memory_space<vmem>>
      %dma_wait3A_252 = arith.constant 0 : i32
      %dma_wait3A_253 = arith.constant 0 : i32
      %dma_wait3A_254 = tpu.memref_slice %arg2[%dma_wait3A_252, %dma_wait3A_253] : memref<10000x128xf32, #tpu.memory_space<hbm>> -> memref<64x128xf32, #tpu.memory_space<hbm>>
      tpu.wait_dma2 semaphore(%arg13 : memref<!tpu.dma_semaphore, #tpu.memory_space<semaphore_mem>>) src(%dma_wait3A_254 : memref<64x128xf32, #tpu.memory_space<hbm>>) dst(%dma_wait3A_251 : memref<64x128xf32, #tpu.memory_space<vmem>>)
      %dma_wait3A_255 = arith.constant 0 : i32
      %dma_wait3A_256 = arith.constant 0 : i32
      %dma_wait3A_257 = arith.constant 0 : i32
      %dma_wait3A_258 = tpu.memref_slice %arg11[%dma_wait3A_255, %dma_wait3A_256, %dma_wait3A_257] : memref<2x64x128xf32, #tpu.memory_space<vmem>> -> memref<1x64x128xf32, #tpu.memory_space<vmem>>
      %dma_wait3A_259 = tpu.memref_squeeze %dma_wait3A_258 : memref<1x64x128xf32, #tpu.memory_space<vmem>> -> memref<64x128xf32, #tpu.memory_space<vmem>>
      %dma_wait3A_260 = arith.constant 0 : i32
      %dma_wait3A_261 = arith.constant 0 : i32
      %dma_wait3A_262 = tpu.memref_slice %arg3[%dma_wait3A_260, %dma_wait3A_261] : memref<327680x128xf32, #tpu.memory_space<hbm>> -> memref<64x128xf32, #tpu.memory_space<hbm>>
      %dma_wait3A_263 = arith.constant 0 : i32
      %dma_wait3A_264 = arith.constant 0 : i32
      %dma_wait3A_265 = tpu.memref_slice %arg11[%dma_wait3A_255, %dma_wait3A_263, %dma_wait3A_264] : memref<2x64x128xf32, #tpu.memory_space<vmem>> -> memref<1x64x128xf32, #tpu.memory_space<vmem>>
      %dma_wait3A_266 = tpu.memref_squeeze %dma_wait3A_265 : memref<1x64x128xf32, #tpu.memory_space<vmem>> -> memref<64x128xf32, #tpu.memory_space<vmem>>
      %dma_wait3A_267 = arith.constant 0 : i32
      %dma_wait3A_268 = arith.constant 0 : i32
      %dma_wait3A_269 = tpu.memref_slice %arg3[%dma_wait3A_267, %dma_wait3A_268] : memref<327680x128xf32, #tpu.memory_space<hbm>> -> memref<64x128xf32, #tpu.memory_space<hbm>>
      tpu.wait_dma2 semaphore(%arg15 : memref<!tpu.dma_semaphore, #tpu.memory_space<semaphore_mem>>) src(%dma_wait3A_269 : memref<64x128xf32, #tpu.memory_space<hbm>>) dst(%dma_wait3A_266 : memref<64x128xf32, #tpu.memory_space<vmem>>)
      %scan3A_270 = arith.constant 0 : i32
      %scan3A_271 = arith.constant 0 : i32
      %scan3A_272 = arith.constant 64 : i32
      %scan3A_273 = arith.addi %scan3A_271, %scan3A_272 : i32
      %scan3A_274 = arith.constant 1 : i32
      scf.for %scan3A_405 = %scan3A_271 to %scan3A_273 step %scan3A_274  : i32 {
        %get3A_406 = arith.constant 0 : i32
        %get3A_407 = arith.index_cast %get3A_406 : i32 to index
        %get3A_408 = arith.index_cast %scan3A_405 : i32 to index
        %get3A_409 = arith.constant 0 : index
        %get3A_410 = tpu.vector_load %arg10[%get3A_407, %get3A_408, %get3A_409] {strides = array<i32>} : memref<2x64x128xf32, #tpu.memory_space<vmem>>, vector<16xf32>,
        %get3A_411 = arith.constant 0 : i32
        %get3A_412 = arith.index_cast %get3A_411 : i32 to index
        %get3A_413 = arith.index_cast %scan3A_405 : i32 to index
        %get3A_414 = arith.constant 0 : index
        %get3A_415 = tpu.vector_load %arg11[%get3A_412, %get3A_413, %get3A_414] {strides = array<i32>} : memref<2x64x128xf32, #tpu.memory_space<vmem>>, vector<16xf32>,
        %mul3A_416 = arith.mulf %get3A_410, %get3A_415 : vector<16xf32>
        %swap3A_417 = arith.constant 0 : i32
        %swap3A_418 = arith.index_cast %swap3A_417 : i32 to index
        %swap3A_419 = arith.index_cast %scan3A_405 : i32 to index
        %swap3A_420 = arith.constant 0 : index
        %swap3A_421 = tpu.vector_load %arg10[%swap3A_418, %swap3A_419, %swap3A_420] {strides = array<i32>} : memref<2x64x128xf32, #tpu.memory_space<vmem>>, vector<16xf32>,
        tpu.vector_store %arg10[%swap3A_418, %swap3A_419, %swap3A_420], %mul3A_416 {strides = array<i32>} : memref<2x64x128xf32, #tpu.memory_space<vmem>>, vector<16xf32>,
        %get3A_422 = arith.constant 0 : i32
        %get3A_423 = arith.index_cast %get3A_422 : i32 to index
        %get3A_424 = arith.index_cast %scan3A_405 : i32 to index
        %get3A_425 = arith.constant 16 : index
        %get3A_426 = tpu.vector_load %arg10[%get3A_423, %get3A_424, %get3A_425] {strides = array<i32>} : memref<2x64x128xf32, #tpu.memory_space<vmem>>, vector<16xf32>,
        %get3A_427 = arith.constant 0 : i32
        %get3A_428 = arith.index_cast %get3A_427 : i32 to index
        %get3A_429 = arith.index_cast %scan3A_405 : i32 to index
        %get3A_430 = arith.constant 16 : index
        %get3A_431 = tpu.vector_load %arg11[%get3A_428, %get3A_429, %get3A_430] {strides = array<i32>} : memref<2x64x128xf32, #tpu.memory_space<vmem>>, vector<16xf32>,
        %mul3A_432 = arith.mulf %get3A_426, %get3A_431 : vector<16xf32>
        %swap3A_433 = arith.constant 0 : i32
        %swap3A_434 = arith.index_cast %swap3A_433 : i32 to index
        %swap3A_435 = arith.index_cast %scan3A_405 : i32 to index
        %swap3A_436 = arith.constant 16 : index
        %swap3A_437 = tpu.vector_load %arg10[%swap3A_434, %swap3A_435, %swap3A_436] {strides = array<i32>} : memref<2x64x128xf32, #tpu.memory_space<vmem>>, vector<16xf32>,
        tpu.vector_store %arg10[%swap3A_434, %swap3A_435, %swap3A_436], %mul3A_432 {strides = array<i32>} : memref<2x64x128xf32, #tpu.memory_space<vmem>>, vector<16xf32>,
        %get3A_438 = arith.constant 0 : i32
        %get3A_439 = arith.index_cast %get3A_438 : i32 to index
        %get3A_440 = arith.index_cast %scan3A_405 : i32 to index
        %get3A_441 = arith.constant 32 : index
        %get3A_442 = tpu.vector_load %arg10[%get3A_439, %get3A_440, %get3A_441] {strides = array<i32>} : memref<2x64x128xf32, #tpu.memory_space<vmem>>, vector<16xf32>,
        %get3A_443 = arith.constant 0 : i32
        %get3A_444 = arith.index_cast %get3A_443 : i32 to index
        %get3A_445 = arith.index_cast %scan3A_405 : i32 to index
        %get3A_446 = arith.constant 32 : index
        %get3A_447 = tpu.vector_load %arg11[%get3A_444, %get3A_445, %get3A_446] {strides = array<i32>} : memref<2x64x128xf32, #tpu.memory_space<vmem>>, vector<16xf32>,
        %mul3A_448 = arith.mulf %get3A_442, %get3A_447 : vector<16xf32>
        %swap3A_449 = arith.constant 0 : i32
        %swap3A_450 = arith.index_cast %swap3A_449 : i32 to index
        %swap3A_451 = arith.index_cast %scan3A_405 : i32 to index
        %swap3A_452 = arith.constant 32 : index
        %swap3A_453 = tpu.vector_load %arg10[%swap3A_450, %swap3A_451, %swap3A_452] {strides = array<i32>} : memref<2x64x128xf32, #tpu.memory_space<vmem>>, vector<16xf32>,
        tpu.vector_store %arg10[%swap3A_450, %swap3A_451, %swap3A_452], %mul3A_448 {strides = array<i32>} : memref<2x64x128xf32, #tpu.memory_space<vmem>>, vector<16xf32>,
        %get3A_454 = arith.constant 0 : i32
        %get3A_455 = arith.index_cast %get3A_454 : i32 to index
        %get3A_456 = arith.index_cast %scan3A_405 : i32 to index
        %get3A_457 = arith.constant 48 : index
        %get3A_458 = tpu.vector_load %arg10[%get3A_455, %get3A_456, %get3A_457] {strides = array<i32>} : memref<2x64x128xf32, #tpu.memory_space<vmem>>, vector<16xf32>,
        %get3A_459 = arith.constant 0 : i32
        %get3A_460 = arith.index_cast %get3A_459 : i32 to index
        %get3A_461 = arith.index_cast %scan3A_405 : i32 to index
        %get3A_462 = arith.constant 48 : index
        %get3A_463 = tpu.vector_load %arg11[%get3A_460, %get3A_461, %get3A_462] {strides = array<i32>} : memref<2x64x128xf32, #tpu.memory_space<vmem>>, vector<16xf32>,
        %mul3A_464 = arith.mulf %get3A_458, %get3A_463 : vector<16xf32>
        %swap3A_465 = arith.constant 0 : i32
        %swap3A_466 = arith.index_cast %swap3A_465 : i32 to index
        %swap3A_467 = arith.index_cast %scan3A_405 : i32 to index
        %swap3A_468 = arith.constant 48 : index
        %swap3A_469 = tpu.vector_load %arg10[%swap3A_466, %swap3A_467, %swap3A_468] {strides = array<i32>} : memref<2x64x128xf32, #tpu.memory_space<vmem>>, vector<16xf32>,
        tpu.vector_store %arg10[%swap3A_466, %swap3A_467, %swap3A_468], %mul3A_464 {strides = array<i32>} : memref<2x64x128xf32, #tpu.memory_space<vmem>>, vector<16xf32>,
        %get3A_470 = arith.constant 0 : i32
        %get3A_471 = arith.index_cast %get3A_470 : i32 to index
        %get3A_472 = arith.index_cast %scan3A_405 : i32 to index
        %get3A_473 = arith.constant 64 : index
        %get3A_474 = tpu.vector_load %arg10[%get3A_471, %get3A_472, %get3A_473] {strides = array<i32>} : memref<2x64x128xf32, #tpu.memory_space<vmem>>, vector<16xf32>,
        %get3A_475 = arith.constant 0 : i32
        %get3A_476 = arith.index_cast %get3A_475 : i32 to index
        %get3A_477 = arith.index_cast %scan3A_405 : i32 to index
        %get3A_478 = arith.constant 64 : index
        %get3A_479 = tpu.vector_load %arg11[%get3A_476, %get3A_477, %get3A_478] {strides = array<i32>} : memref<2x64x128xf32, #tpu.memory_space<vmem>>, vector<16xf32>,
        %mul3A_480 = arith.mulf %get3A_474, %get3A_479 : vector<16xf32>
        %swap3A_481 = arith.constant 0 : i32
        %swap3A_482 = arith.index_cast %swap3A_481 : i32 to index
        %swap3A_483 = arith.index_cast %scan3A_405 : i32 to index
        %swap3A_484 = arith.constant 64 : index
        %swap3A_485 = tpu.vector_load %arg10[%swap3A_482, %swap3A_483, %swap3A_484] {strides = array<i32>} : memref<2x64x128xf32, #tpu.memory_space<vmem>>, vector<16xf32>,
        tpu.vector_store %arg10[%swap3A_482, %swap3A_483, %swap3A_484], %mul3A_480 {strides = array<i32>} : memref<2x64x128xf32, #tpu.memory_space<vmem>>, vector<16xf32>,
        %get3A_486 = arith.constant 0 : i32
        %get3A_487 = arith.index_cast %get3A_486 : i32 to index
        %get3A_488 = arith.index_cast %scan3A_405 : i32 to index
        %get3A_489 = arith.constant 80 : index
        %get3A_490 = tpu.vector_load %arg10[%get3A_487, %get3A_488, %get3A_489] {strides = array<i32>} : memref<2x64x128xf32, #tpu.memory_space<vmem>>, vector<16xf32>,
        %get3A_491 = arith.constant 0 : i32
        %get3A_492 = arith.index_cast %get3A_491 : i32 to index
        %get3A_493 = arith.index_cast %scan3A_405 : i32 to index
        %get3A_494 = arith.constant 80 : index
        %get3A_495 = tpu.vector_load %arg11[%get3A_492, %get3A_493, %get3A_494] {strides = array<i32>} : memref<2x64x128xf32, #tpu.memory_space<vmem>>, vector<16xf32>,
        %mul3A_496 = arith.mulf %get3A_490, %get3A_495 : vector<16xf32>
        %swap3A_497 = arith.constant 0 : i32
        %swap3A_498 = arith.index_cast %swap3A_497 : i32 to index
        %swap3A_499 = arith.index_cast %scan3A_405 : i32 to index
        %swap3A_500 = arith.constant 80 : index
        %swap3A_501 = tpu.vector_load %arg10[%swap3A_498, %swap3A_499, %swap3A_500] {strides = array<i32>} : memref<2x64x128xf32, #tpu.memory_space<vmem>>, vector<16xf32>,
        tpu.vector_store %arg10[%swap3A_498, %swap3A_499, %swap3A_500], %mul3A_496 {strides = array<i32>} : memref<2x64x128xf32, #tpu.memory_space<vmem>>, vector<16xf32>,
        %get3A_502 = arith.constant 0 : i32
        %get3A_503 = arith.index_cast %get3A_502 : i32 to index
        %get3A_504 = arith.index_cast %scan3A_405 : i32 to index
        %get3A_505 = arith.constant 96 : index
        %get3A_506 = tpu.vector_load %arg10[%get3A_503, %get3A_504, %get3A_505] {strides = array<i32>} : memref<2x64x128xf32, #tpu.memory_space<vmem>>, vector<16xf32>,
        %get3A_507 = arith.constant 0 : i32
        %get3A_508 = arith.index_cast %get3A_507 : i32 to index
        %get3A_509 = arith.index_cast %scan3A_405 : i32 to index
        %get3A_510 = arith.constant 96 : index
        %get3A_511 = tpu.vector_load %arg11[%get3A_508, %get3A_509, %get3A_510] {strides = array<i32>} : memref<2x64x128xf32, #tpu.memory_space<vmem>>, vector<16xf32>,
        %mul3A_512 = arith.mulf %get3A_506, %get3A_511 : vector<16xf32>
        %swap3A_513 = arith.constant 0 : i32
        %swap3A_514 = arith.index_cast %swap3A_513 : i32 to index
        %swap3A_515 = arith.index_cast %scan3A_405 : i32 to index
        %swap3A_516 = arith.constant 96 : index
        %swap3A_517 = tpu.vector_load %arg10[%swap3A_514, %swap3A_515, %swap3A_516] {strides = array<i32>} : memref<2x64x128xf32, #tpu.memory_space<vmem>>, vector<16xf32>,
        tpu.vector_store %arg10[%swap3A_514, %swap3A_515, %swap3A_516], %mul3A_512 {strides = array<i32>} : memref<2x64x128xf32, #tpu.memory_space<vmem>>, vector<16xf32>,
        %get3A_518 = arith.constant 0 : i32
        %get3A_519 = arith.index_cast %get3A_518 : i32 to index
        %get3A_520 = arith.index_cast %scan3A_405 : i32 to index
        %get3A_521 = arith.constant 112 : index
        %get3A_522 = tpu.vector_load %arg10[%get3A_519, %get3A_520, %get3A_521] {strides = array<i32>} : memref<2x64x128xf32, #tpu.memory_space<vmem>>, vector<16xf32>,
        %get3A_523 = arith.constant 0 : i32
        %get3A_524 = arith.index_cast %get3A_523 : i32 to index
        %get3A_525 = arith.index_cast %scan3A_405 : i32 to index
        %get3A_526 = arith.constant 112 : index
        %get3A_527 = tpu.vector_load %arg11[%get3A_524, %get3A_525, %get3A_526] {strides = array<i32>} : memref<2x64x128xf32, #tpu.memory_space<vmem>>, vector<16xf32>,
        %mul3A_528 = arith.mulf %get3A_522, %get3A_527 : vector<16xf32>
        %swap3A_529 = arith.constant 0 : i32
        %swap3A_530 = arith.index_cast %swap3A_529 : i32 to index
        %swap3A_531 = arith.index_cast %scan3A_405 : i32 to index
        %swap3A_532 = arith.constant 112 : index
        %swap3A_533 = tpu.vector_load %arg10[%swap3A_530, %swap3A_531, %swap3A_532] {strides = array<i32>} : memref<2x64x128xf32, #tpu.memory_space<vmem>>, vector<16xf32>,
        tpu.vector_store %arg10[%swap3A_530, %swap3A_531, %swap3A_532], %mul3A_528 {strides = array<i32>} : memref<2x64x128xf32, #tpu.memory_space<vmem>>, vector<16xf32>,
      }
      %scan3A_275 = arith.constant 64 : i32
      %add3A_276 = arith.constant 0 : i32
      %add3A_277 = arith.addi %add3A_276, %scan3A_231 : i32
      %get3A = arith.index_cast %add3A_277 : i32 to index
      %get3A_278 = arith.constant 0 : index
      %get3A_279 = tpu.vector_load %arg8[%get3A, %get3A_278] {strides = array<i32>} : memref<80x128xi32, #tpu.memory_space<vmem>>, vector<16xi32>,
      %swap3A = arith.constant 0 : i32
      %swap3A_280 = arith.index_cast %swap3A : i32 to index
      %swap3A_281 = arith.constant 0 : index
      %swap3A_282 = tpu.vector_load %arg9[%swap3A_280, %swap3A_281] {strides = array<i32>} : memref<2x64xi32, #tpu.memory_space<vmem>>, vector<16xi32>,
      tpu.vector_store %arg9[%swap3A_280, %swap3A_281], %get3A_279 {strides = array<i32>} : memref<2x64xi32, #tpu.memory_space<vmem>>, vector<16xi32>,
      %get3A_283 = arith.index_cast %add3A_277 : i32 to index
      %get3A_284 = arith.constant 16 : index
      %get3A_285 = tpu.vector_load %arg8[%get3A_283, %get3A_284] {strides = array<i32>} : memref<80x128xi32, #tpu.memory_space<vmem>>, vector<16xi32>,
      %swap3A_286 = arith.constant 0 : i32
      %swap3A_287 = arith.index_cast %swap3A_286 : i32 to index
      %swap3A_288 = arith.constant 16 : index
      %swap3A_289 = tpu.vector_load %arg9[%swap3A_287, %swap3A_288] {strides = array<i32>} : memref<2x64xi32, #tpu.memory_space<vmem>>, vector<16xi32>,
      tpu.vector_store %arg9[%swap3A_287, %swap3A_288], %get3A_285 {strides = array<i32>} : memref<2x64xi32, #tpu.memory_space<vmem>>, vector<16xi32>,
      %get3A_290 = arith.index_cast %add3A_277 : i32 to index
      %get3A_291 = arith.constant 32 : index
      %get3A_292 = tpu.vector_load %arg8[%get3A_290, %get3A_291] {strides = array<i32>} : memref<80x128xi32, #tpu.memory_space<vmem>>, vector<16xi32>,
      %swap3A_293 = arith.constant 0 : i32
      %swap3A_294 = arith.index_cast %swap3A_293 : i32 to index
      %swap3A_295 = arith.constant 32 : index
      %swap3A_296 = tpu.vector_load %arg9[%swap3A_294, %swap3A_295] {strides = array<i32>} : memref<2x64xi32, #tpu.memory_space<vmem>>, vector<16xi32>,
      tpu.vector_store %arg9[%swap3A_294, %swap3A_295], %get3A_292 {strides = array<i32>} : memref<2x64xi32, #tpu.memory_space<vmem>>, vector<16xi32>,
      %get3A_297 = arith.index_cast %add3A_277 : i32 to index
      %get3A_298 = arith.constant 48 : index
      %get3A_299 = tpu.vector_load %arg8[%get3A_297, %get3A_298] {strides = array<i32>} : memref<80x128xi32, #tpu.memory_space<vmem>>, vector<16xi32>,
      %swap3A_300 = arith.constant 0 : i32
      %swap3A_301 = arith.index_cast %swap3A_300 : i32 to index
      %swap3A_302 = arith.constant 48 : index
      %swap3A_303 = tpu.vector_load %arg9[%swap3A_301, %swap3A_302] {strides = array<i32>} : memref<2x64xi32, #tpu.memory_space<vmem>>, vector<16xi32>,
      tpu.vector_store %arg9[%swap3A_301, %swap3A_302], %get3A_299 {strides = array<i32>} : memref<2x64xi32, #tpu.memory_space<vmem>>, vector<16xi32>,
      %dma_start3A_304 = arith.constant 0 : i32
      %dma_start3A_305 = arith.constant 0 : i32
      %dma_start3A_306 = arith.constant 0 : i32
      %dma_start3A_307 = arith.constant 0 : i32
      %dma_start3A_308 = tpu.memref_slice %arg10[%dma_start3A_304, %dma_start3A_306, %dma_start3A_307] : memref<2x64x128xf32, #tpu.memory_space<vmem>> -> memref<1x64x128xf32, #tpu.memory_space<vmem>>
      %dma_start3A_309 = tpu.memref_squeeze %dma_start3A_308 : memref<1x64x128xf32, #tpu.memory_space<vmem>> -> memref<64x128xf32, #tpu.memory_space<vmem>>
      %dma_start3A_310 = arith.constant 0 : i32
      %dma_start3A_311 = tpu.memref_slice %arg9[%dma_start3A_305, %dma_start3A_310] : memref<2x64xi32, #tpu.memory_space<vmem>> -> memref<1x64xi32, #tpu.memory_space<vmem>>
      %dma_start3A_312 = tpu.memref_squeeze %dma_start3A_311 : memref<1x64xi32, #tpu.memory_space<vmem>> -> memref<64xi32, #tpu.memory_space<vmem>>
      %dma_start3A_313 = arith.constant 0 : i32
      %dma_start3A_314 = arith.constant 0 : i32
      %dma_start3A_315 = tpu.memref_slice %arg12[%dma_start3A_313, %dma_start3A_314] : memref<10240x128xf32, #tpu.memory_space<vmem_shared>> -> memref<10240x128xf32, #tpu.memory_space<vmem_shared>>
      tpu.enqueue_indirect_dma source(%dma_start3A_309 : memref<64x128xf32, #tpu.memory_space<vmem>>) target(%dma_start3A_315 : memref<10240x128xf32, #tpu.memory_space<vmem_shared>>) offsets(%dma_start3A_312 : memref<64xi32, #tpu.memory_space<vmem>>) semaphore(%arg17 : memref<!tpu.dma_semaphore, #tpu.memory_space<semaphore_mem>>) {add = true}
      %mul3A_316 = arith.constant 2 : i32
      %mul3A_317 = arith.muli %mul3A_316, %scan3A_231 : i32
      %add3A_318 = arith.constant 1 : i32
      %add3A_319 = arith.addi %mul3A_317, %add3A_318 : i32
      %add3A_320 = arith.constant 1 : i32
      %add3A_321 = arith.addi %add3A_319, %add3A_320 : i32
      %lt3A_322 = arith.constant 80 : i32
      %lt3A_323 = arith.cmpi slt, %add3A_321, %lt3A_322 : i32
      %convert_element_type3A_324 = arith.extui %lt3A_323 : i1 to i32
      %cond3A_325 = arith.constant 0 : i32
      %cond3A_326 = arith.cmpi ne, %convert_element_type3A_324, %cond3A_325 : i32
      scf.if %cond3A_326 {
        %ge3A = arith.constant 1 : i32
        %ge3A_405 = arith.cmpi sge, %add3A_319, %ge3A : i32
        %convert_element_type3A_406 = arith.extui %ge3A_405 : i1 to i32
        %cond3A_407 = arith.constant 0 : i32
        %cond3A_408 = arith.cmpi ne, %convert_element_type3A_406, %cond3A_407 : i32
        scf.if %cond3A_408 {
          %dma_wait3A_442 = arith.constant 0 : i32
          %dma_wait3A_443 = arith.constant 0 : i32
          %dma_wait3A_444 = arith.constant 0 : i32
          %dma_wait3A_445 = arith.constant 0 : i32
          %dma_wait3A_446 = tpu.memref_slice %arg10[%dma_wait3A_442, %dma_wait3A_444, %dma_wait3A_445] : memref<2x64x128xf32, #tpu.memory_space<vmem>> -> memref<1x64x128xf32, #tpu.memory_space<vmem>>
          %dma_wait3A_447 = tpu.memref_squeeze %dma_wait3A_446 : memref<1x64x128xf32, #tpu.memory_space<vmem>> -> memref<64x128xf32, #tpu.memory_space<vmem>>
          %dma_wait3A_448 = arith.constant 0 : i32
          %dma_wait3A_449 = tpu.memref_slice %arg9[%dma_wait3A_443, %dma_wait3A_448] : memref<2x64xi32, #tpu.memory_space<vmem>> -> memref<1x64xi32, #tpu.memory_space<vmem>>
          %dma_wait3A_450 = tpu.memref_squeeze %dma_wait3A_449 : memref<1x64xi32, #tpu.memory_space<vmem>> -> memref<64xi32, #tpu.memory_space<vmem>>
          %dma_wait3A_451 = arith.constant 0 : i32
          %dma_wait3A_452 = arith.constant 0 : i32
          %dma_wait3A_453 = tpu.memref_slice %arg12[%dma_wait3A_451, %dma_wait3A_452] : memref<10240x128xf32, #tpu.memory_space<vmem_shared>> -> memref<10240x128xf32, #tpu.memory_space<vmem_shared>>
          tpu.wait_indirect_dma semaphore(%arg17 : memref<!tpu.dma_semaphore, #tpu.memory_space<semaphore_mem>>) src(%dma_wait3A_447 : memref<64x128xf32, #tpu.memory_space<vmem>>) dst(%dma_wait3A_453 : memref<10240x128xf32, #tpu.memory_space<vmem_shared>>)
        } else {
        }
        %add3A_409 = arith.constant 1 : i32
        %add3A_410 = arith.addi %scan3A_231, %add3A_409 : i32
        %mul3A_411 = arith.constant 2 : i32
        %mul3A_412 = arith.muli %mul3A_411, %add3A_410 : i32
        %add3A_413 = arith.constant 0 : i32
        %add3A_414 = arith.addi %mul3A_412, %add3A_413 : i32
        %mul3A_415 = arith.constant 64 : i32
        %mul3A_416 = arith.muli %add3A_414, %mul3A_415 : i32
        %add3A_417 = arith.addi %mul3A_63, %mul3A_416 : i32
        %dma_start3A_418 = arith.constant 0 : i32
        %dma_start3A_419 = arith.constant 0 : i32
        %dma_start3A_420 = arith.constant 0 : i32
        %dma_start3A_421 = tpu.memref_slice %arg10[%dma_start3A_418, %dma_start3A_419, %dma_start3A_420] : memref<2x64x128xf32, #tpu.memory_space<vmem>> -> memref<1x64x128xf32, #tpu.memory_space<vmem>>
        %dma_start3A_422 = tpu.memref_squeeze %dma_start3A_421 : memref<1x64x128xf32, #tpu.memory_space<vmem>> -> memref<64x128xf32, #tpu.memory_space<vmem>>
        %dma_start3A_423 = arith.constant 0 : i32
        %dma_start3A_424 = tpu.memref_slice %arg7[%add3A_410, %dma_start3A_423] : memref<40x128xi32, #tpu.memory_space<vmem>> -> memref<1x64xi32, #tpu.memory_space<vmem>>
        %dma_start3A_425 = tpu.memref_squeeze %dma_start3A_424 : memref<1x64xi32, #tpu.memory_space<vmem>> -> memref<64xi32, #tpu.memory_space<vmem>>
        %dma_start3A_426 = arith.constant 0 : i32
        %dma_start3A_427 = arith.constant 0 : i32
        %dma_start3A_428 = tpu.memref_slice %arg2[%dma_start3A_426, %dma_start3A_427] : memref<10000x128xf32, #tpu.memory_space<hbm>> -> memref<10000x128xf32, #tpu.memory_space<hbm>>
        tpu.enqueue_indirect_dma source(%dma_start3A_428 : memref<10000x128xf32, #tpu.memory_space<hbm>>) target(%dma_start3A_422 : memref<64x128xf32, #tpu.memory_space<vmem>>) offsets(%dma_start3A_425 : memref<64xi32, #tpu.memory_space<vmem>>) semaphore(%arg13 : memref<!tpu.dma_semaphore, #tpu.memory_space<semaphore_mem>>)
        %dma_start3A_429 = arith.constant 0 : i32
        %dma_start3A_430 = arith.constant 0 : i32
        %dma_start3A_431 = arith.constant 0 : i32
        %dma_start3A_432 = tpu.memref_slice %arg11[%dma_start3A_429, %dma_start3A_430, %dma_start3A_431] : memref<2x64x128xf32, #tpu.memory_space<vmem>> -> memref<1x64x128xf32, #tpu.memory_space<vmem>>
        %dma_start3A_433 = tpu.memref_squeeze %dma_start3A_432 : memref<1x64x128xf32, #tpu.memory_space<vmem>> -> memref<64x128xf32, #tpu.memory_space<vmem>>
        %dma_start3A_434 = arith.constant 0 : i32
        %dma_start3A_435 = tpu.memref_slice %arg3[%add3A_417, %dma_start3A_434] : memref<327680x128xf32, #tpu.memory_space<hbm>> -> memref<64x128xf32, #tpu.memory_space<hbm>>
        %dma_start3A_436 = arith.constant 0 : i32
        %dma_start3A_437 = arith.constant 0 : i32
        %dma_start3A_438 = tpu.memref_slice %arg11[%dma_start3A_429, %dma_start3A_436, %dma_start3A_437] : memref<2x64x128xf32, #tpu.memory_space<vmem>> -> memref<1x64x128xf32, #tpu.memory_space<vmem>>
        %dma_start3A_439 = tpu.memref_squeeze %dma_start3A_438 : memref<1x64x128xf32, #tpu.memory_space<vmem>> -> memref<64x128xf32, #tpu.memory_space<vmem>>
        %dma_start3A_440 = arith.constant 0 : i32
        %dma_start3A_441 = tpu.memref_slice %arg3[%add3A_417, %dma_start3A_440] : memref<327680x128xf32, #tpu.memory_space<hbm>> -> memref<64x128xf32, #tpu.memory_space<hbm>>
        tpu.enqueue_dma source(%dma_start3A_441 : memref<64x128xf32, #tpu.memory_space<hbm>>) target(%dma_start3A_439 : memref<64x128xf32, #tpu.memory_space<vmem>>) target_semaphore(%arg15 : memref<!tpu.dma_semaphore, #tpu.memory_space<semaphore_mem>>)
      } else {
      }
      %dma_wait3A_327 = arith.constant 1 : i32
      %dma_wait3A_328 = arith.constant 0 : i32
      %dma_wait3A_329 = arith.constant 0 : i32
      %dma_wait3A_330 = tpu.memref_slice %arg10[%dma_wait3A_327, %dma_wait3A_328, %dma_wait3A_329] : memref<2x64x128xf32, #tpu.memory_space<vmem>> -> memref<1x64x128xf32, #tpu.memory_space<vmem>>
      %dma_wait3A_331 = tpu.memref_squeeze %dma_wait3A_330 : memref<1x64x128xf32, #tpu.memory_space<vmem>> -> memref<64x128xf32, #tpu.memory_space<vmem>>
      %dma_wait3A_332 = arith.constant 0 : i32
      %dma_wait3A_333 = arith.constant 0 : i32
      %dma_wait3A_334 = tpu.memref_slice %arg2[%dma_wait3A_332, %dma_wait3A_333] : memref<10000x128xf32, #tpu.memory_space<hbm>> -> memref<64x128xf32, #tpu.memory_space<hbm>>
      %dma_wait3A_335 = arith.constant 0 : i32
      %dma_wait3A_336 = arith.constant 0 : i32
      %dma_wait3A_337 = tpu.memref_slice %arg10[%dma_wait3A_327, %dma_wait3A_335, %dma_wait3A_336] : memref<2x64x128xf32, #tpu.memory_space<vmem>> -> memref<1x64x128xf32, #tpu.memory_space<vmem>>
      %dma_wait3A_338 = tpu.memref_squeeze %dma_wait3A_337 : memref<1x64x128xf32, #tpu.memory_space<vmem>> -> memref<64x128xf32, #tpu.memory_space<vmem>>
      %dma_wait3A_339 = arith.constant 0 : i32
      %dma_wait3A_340 = arith.constant 0 : i32
      %dma_wait3A_341 = tpu.memref_slice %arg2[%dma_wait3A_339, %dma_wait3A_340] : memref<10000x128xf32, #tpu.memory_space<hbm>> -> memref<64x128xf32, #tpu.memory_space<hbm>>
      tpu.wait_dma2 semaphore(%arg14 : memref<!tpu.dma_semaphore, #tpu.memory_space<semaphore_mem>>) src(%dma_wait3A_341 : memref<64x128xf32, #tpu.memory_space<hbm>>) dst(%dma_wait3A_338 : memref<64x128xf32, #tpu.memory_space<vmem>>)
      %dma_wait3A_342 = arith.constant 1 : i32
      %dma_wait3A_343 = arith.constant 0 : i32
      %dma_wait3A_344 = arith.constant 0 : i32
      %dma_wait3A_345 = tpu.memref_slice %arg11[%dma_wait3A_342, %dma_wait3A_343, %dma_wait3A_344] : memref<2x64x128xf32, #tpu.memory_space<vmem>> -> memref<1x64x128xf32, #tpu.memory_space<vmem>>
      %dma_wait3A_346 = tpu.memref_squeeze %dma_wait3A_345 : memref<1x64x128xf32, #tpu.memory_space<vmem>> -> memref<64x128xf32, #tpu.memory_space<vmem>>
      %dma_wait3A_347 = arith.constant 0 : i32
      %dma_wait3A_348 = arith.constant 0 : i32
      %dma_wait3A_349 = tpu.memref_slice %arg3[%dma_wait3A_347, %dma_wait3A_348] : memref<327680x128xf32, #tpu.memory_space<hbm>> -> memref<64x128xf32, #tpu.memory_space<hbm>>
      %dma_wait3A_350 = arith.constant 0 : i32
      %dma_wait3A_351 = arith.constant 0 : i32
      %dma_wait3A_352 = tpu.memref_slice %arg11[%dma_wait3A_342, %dma_wait3A_350, %dma_wait3A_351] : memref<2x64x128xf32, #tpu.memory_space<vmem>> -> memref<1x64x128xf32, #tpu.memory_space<vmem>>
      %dma_wait3A_353 = tpu.memref_squeeze %dma_wait3A_352 : memref<1x64x128xf32, #tpu.memory_space<vmem>> -> memref<64x128xf32, #tpu.memory_space<vmem>>
      %dma_wait3A_354 = arith.constant 0 : i32
      %dma_wait3A_355 = arith.constant 0 : i32
      %dma_wait3A_356 = tpu.memref_slice %arg3[%dma_wait3A_354, %dma_wait3A_355] : memref<327680x128xf32, #tpu.memory_space<hbm>> -> memref<64x128xf32, #tpu.memory_space<hbm>>
      tpu.wait_dma2 semaphore(%arg16 : memref<!tpu.dma_semaphore, #tpu.memory_space<semaphore_mem>>) src(%dma_wait3A_356 : memref<64x128xf32, #tpu.memory_space<hbm>>) dst(%dma_wait3A_353 : memref<64x128xf32, #tpu.memory_space<vmem>>)
      %scan3A_357 = arith.constant 0 : i32
      %scan3A_358 = arith.constant 0 : i32
      %scan3A_359 = arith.constant 64 : i32
      %scan3A_360 = arith.addi %scan3A_358, %scan3A_359 : i32
      %scan3A_361 = arith.constant 1 : i32
      scf.for %scan3A_405 = %scan3A_358 to %scan3A_360 step %scan3A_361  : i32 {
        %get3A_406 = arith.constant 1 : i32
        %get3A_407 = arith.index_cast %get3A_406 : i32 to index
        %get3A_408 = arith.index_cast %scan3A_405 : i32 to index
        %get3A_409 = arith.constant 0 : index
        %get3A_410 = tpu.vector_load %arg10[%get3A_407, %get3A_408, %get3A_409] {strides = array<i32>} : memref<2x64x128xf32, #tpu.memory_space<vmem>>, vector<16xf32>,
        %get3A_411 = arith.constant 1 : i32
        %get3A_412 = arith.index_cast %get3A_411 : i32 to index
        %get3A_413 = arith.index_cast %scan3A_405 : i32 to index
        %get3A_414 = arith.constant 0 : index
        %get3A_415 = tpu.vector_load %arg11[%get3A_412, %get3A_413, %get3A_414] {strides = array<i32>} : memref<2x64x128xf32, #tpu.memory_space<vmem>>, vector<16xf32>,
        %mul3A_416 = arith.mulf %get3A_410, %get3A_415 : vector<16xf32>
        %swap3A_417 = arith.constant 1 : i32
        %swap3A_418 = arith.index_cast %swap3A_417 : i32 to index
        %swap3A_419 = arith.index_cast %scan3A_405 : i32 to index
        %swap3A_420 = arith.constant 0 : index
        %swap3A_421 = tpu.vector_load %arg10[%swap3A_418, %swap3A_419, %swap3A_420] {strides = array<i32>} : memref<2x64x128xf32, #tpu.memory_space<vmem>>, vector<16xf32>,
        tpu.vector_store %arg10[%swap3A_418, %swap3A_419, %swap3A_420], %mul3A_416 {strides = array<i32>} : memref<2x64x128xf32, #tpu.memory_space<vmem>>, vector<16xf32>,
        %get3A_422 = arith.constant 1 : i32
        %get3A_423 = arith.index_cast %get3A_422 : i32 to index
        %get3A_424 = arith.index_cast %scan3A_405 : i32 to index
        %get3A_425 = arith.constant 16 : index
        %get3A_426 = tpu.vector_load %arg10[%get3A_423, %get3A_424, %get3A_425] {strides = array<i32>} : memref<2x64x128xf32, #tpu.memory_space<vmem>>, vector<16xf32>,
        %get3A_427 = arith.constant 1 : i32
        %get3A_428 = arith.index_cast %get3A_427 : i32 to index
        %get3A_429 = arith.index_cast %scan3A_405 : i32 to index
        %get3A_430 = arith.constant 16 : index
        %get3A_431 = tpu.vector_load %arg11[%get3A_428, %get3A_429, %get3A_430] {strides = array<i32>} : memref<2x64x128xf32, #tpu.memory_space<vmem>>, vector<16xf32>,
        %mul3A_432 = arith.mulf %get3A_426, %get3A_431 : vector<16xf32>
        %swap3A_433 = arith.constant 1 : i32
        %swap3A_434 = arith.index_cast %swap3A_433 : i32 to index
        %swap3A_435 = arith.index_cast %scan3A_405 : i32 to index
        %swap3A_436 = arith.constant 16 : index
        %swap3A_437 = tpu.vector_load %arg10[%swap3A_434, %swap3A_435, %swap3A_436] {strides = array<i32>} : memref<2x64x128xf32, #tpu.memory_space<vmem>>, vector<16xf32>,
        tpu.vector_store %arg10[%swap3A_434, %swap3A_435, %swap3A_436], %mul3A_432 {strides = array<i32>} : memref<2x64x128xf32, #tpu.memory_space<vmem>>, vector<16xf32>,
        %get3A_438 = arith.constant 1 : i32
        %get3A_439 = arith.index_cast %get3A_438 : i32 to index
        %get3A_440 = arith.index_cast %scan3A_405 : i32 to index
        %get3A_441 = arith.constant 32 : index
        %get3A_442 = tpu.vector_load %arg10[%get3A_439, %get3A_440, %get3A_441] {strides = array<i32>} : memref<2x64x128xf32, #tpu.memory_space<vmem>>, vector<16xf32>,
        %get3A_443 = arith.constant 1 : i32
        %get3A_444 = arith.index_cast %get3A_443 : i32 to index
        %get3A_445 = arith.index_cast %scan3A_405 : i32 to index
        %get3A_446 = arith.constant 32 : index
        %get3A_447 = tpu.vector_load %arg11[%get3A_444, %get3A_445, %get3A_446] {strides = array<i32>} : memref<2x64x128xf32, #tpu.memory_space<vmem>>, vector<16xf32>,
        %mul3A_448 = arith.mulf %get3A_442, %get3A_447 : vector<16xf32>
        %swap3A_449 = arith.constant 1 : i32
        %swap3A_450 = arith.index_cast %swap3A_449 : i32 to index
        %swap3A_451 = arith.index_cast %scan3A_405 : i32 to index
        %swap3A_452 = arith.constant 32 : index
        %swap3A_453 = tpu.vector_load %arg10[%swap3A_450, %swap3A_451, %swap3A_452] {strides = array<i32>} : memref<2x64x128xf32, #tpu.memory_space<vmem>>, vector<16xf32>,
        tpu.vector_store %arg10[%swap3A_450, %swap3A_451, %swap3A_452], %mul3A_448 {strides = array<i32>} : memref<2x64x128xf32, #tpu.memory_space<vmem>>, vector<16xf32>,
        %get3A_454 = arith.constant 1 : i32
        %get3A_455 = arith.index_cast %get3A_454 : i32 to index
        %get3A_456 = arith.index_cast %scan3A_405 : i32 to index
        %get3A_457 = arith.constant 48 : index
        %get3A_458 = tpu.vector_load %arg10[%get3A_455, %get3A_456, %get3A_457] {strides = array<i32>} : memref<2x64x128xf32, #tpu.memory_space<vmem>>, vector<16xf32>,
        %get3A_459 = arith.constant 1 : i32
        %get3A_460 = arith.index_cast %get3A_459 : i32 to index
        %get3A_461 = arith.index_cast %scan3A_405 : i32 to index
        %get3A_462 = arith.constant 48 : index
        %get3A_463 = tpu.vector_load %arg11[%get3A_460, %get3A_461, %get3A_462] {strides = array<i32>} : memref<2x64x128xf32, #tpu.memory_space<vmem>>, vector<16xf32>,
        %mul3A_464 = arith.mulf %get3A_458, %get3A_463 : vector<16xf32>
        %swap3A_465 = arith.constant 1 : i32
        %swap3A_466 = arith.index_cast %swap3A_465 : i32 to index
        %swap3A_467 = arith.index_cast %scan3A_405 : i32 to index
        %swap3A_468 = arith.constant 48 : index
        %swap3A_469 = tpu.vector_load %arg10[%swap3A_466, %swap3A_467, %swap3A_468] {strides = array<i32>} : memref<2x64x128xf32, #tpu.memory_space<vmem>>, vector<16xf32>,
        tpu.vector_store %arg10[%swap3A_466, %swap3A_467, %swap3A_468], %mul3A_464 {strides = array<i32>} : memref<2x64x128xf32, #tpu.memory_space<vmem>>, vector<16xf32>,
        %get3A_470 = arith.constant 1 : i32
        %get3A_471 = arith.index_cast %get3A_470 : i32 to index
        %get3A_472 = arith.index_cast %scan3A_405 : i32 to index
        %get3A_473 = arith.constant 64 : index
        %get3A_474 = tpu.vector_load %arg10[%get3A_471, %get3A_472, %get3A_473] {strides = array<i32>} : memref<2x64x128xf32, #tpu.memory_space<vmem>>, vector<16xf32>,
        %get3A_475 = arith.constant 1 : i32
        %get3A_476 = arith.index_cast %get3A_475 : i32 to index
        %get3A_477 = arith.index_cast %scan3A_405 : i32 to index
        %get3A_478 = arith.constant 64 : index
        %get3A_479 = tpu.vector_load %arg11[%get3A_476, %get3A_477, %get3A_478] {strides = array<i32>} : memref<2x64x128xf32, #tpu.memory_space<vmem>>, vector<16xf32>,
        %mul3A_480 = arith.mulf %get3A_474, %get3A_479 : vector<16xf32>
        %swap3A_481 = arith.constant 1 : i32
        %swap3A_482 = arith.index_cast %swap3A_481 : i32 to index
        %swap3A_483 = arith.index_cast %scan3A_405 : i32 to index
        %swap3A_484 = arith.constant 64 : index
        %swap3A_485 = tpu.vector_load %arg10[%swap3A_482, %swap3A_483, %swap3A_484] {strides = array<i32>} : memref<2x64x128xf32, #tpu.memory_space<vmem>>, vector<16xf32>,
        tpu.vector_store %arg10[%swap3A_482, %swap3A_483, %swap3A_484], %mul3A_480 {strides = array<i32>} : memref<2x64x128xf32, #tpu.memory_space<vmem>>, vector<16xf32>,
        %get3A_486 = arith.constant 1 : i32
        %get3A_487 = arith.index_cast %get3A_486 : i32 to index
        %get3A_488 = arith.index_cast %scan3A_405 : i32 to index
        %get3A_489 = arith.constant 80 : index
        %get3A_490 = tpu.vector_load %arg10[%get3A_487, %get3A_488, %get3A_489] {strides = array<i32>} : memref<2x64x128xf32, #tpu.memory_space<vmem>>, vector<16xf32>,
        %get3A_491 = arith.constant 1 : i32
        %get3A_492 = arith.index_cast %get3A_491 : i32 to index
        %get3A_493 = arith.index_cast %scan3A_405 : i32 to index
        %get3A_494 = arith.constant 80 : index
        %get3A_495 = tpu.vector_load %arg11[%get3A_492, %get3A_493, %get3A_494] {strides = array<i32>} : memref<2x64x128xf32, #tpu.memory_space<vmem>>, vector<16xf32>,
        %mul3A_496 = arith.mulf %get3A_490, %get3A_495 : vector<16xf32>
        %swap3A_497 = arith.constant 1 : i32
        %swap3A_498 = arith.index_cast %swap3A_497 : i32 to index
        %swap3A_499 = arith.index_cast %scan3A_405 : i32 to index
        %swap3A_500 = arith.constant 80 : index
        %swap3A_501 = tpu.vector_load %arg10[%swap3A_498, %swap3A_499, %swap3A_500] {strides = array<i32>} : memref<2x64x128xf32, #tpu.memory_space<vmem>>, vector<16xf32>,
        tpu.vector_store %arg10[%swap3A_498, %swap3A_499, %swap3A_500], %mul3A_496 {strides = array<i32>} : memref<2x64x128xf32, #tpu.memory_space<vmem>>, vector<16xf32>,
        %get3A_502 = arith.constant 1 : i32
        %get3A_503 = arith.index_cast %get3A_502 : i32 to index
        %get3A_504 = arith.index_cast %scan3A_405 : i32 to index
        %get3A_505 = arith.constant 96 : index
        %get3A_506 = tpu.vector_load %arg10[%get3A_503, %get3A_504, %get3A_505] {strides = array<i32>} : memref<2x64x128xf32, #tpu.memory_space<vmem>>, vector<16xf32>,
        %get3A_507 = arith.constant 1 : i32
        %get3A_508 = arith.index_cast %get3A_507 : i32 to index
        %get3A_509 = arith.index_cast %scan3A_405 : i32 to index
        %get3A_510 = arith.constant 96 : index
        %get3A_511 = tpu.vector_load %arg11[%get3A_508, %get3A_509, %get3A_510] {strides = array<i32>} : memref<2x64x128xf32, #tpu.memory_space<vmem>>, vector<16xf32>,
        %mul3A_512 = arith.mulf %get3A_506, %get3A_511 : vector<16xf32>
        %swap3A_513 = arith.constant 1 : i32
        %swap3A_514 = arith.index_cast %swap3A_513 : i32 to index
        %swap3A_515 = arith.index_cast %scan3A_405 : i32 to index
        %swap3A_516 = arith.constant 96 : index
        %swap3A_517 = tpu.vector_load %arg10[%swap3A_514, %swap3A_515, %swap3A_516] {strides = array<i32>} : memref<2x64x128xf32, #tpu.memory_space<vmem>>, vector<16xf32>,
        tpu.vector_store %arg10[%swap3A_514, %swap3A_515, %swap3A_516], %mul3A_512 {strides = array<i32>} : memref<2x64x128xf32, #tpu.memory_space<vmem>>, vector<16xf32>,
        %get3A_518 = arith.constant 1 : i32
        %get3A_519 = arith.index_cast %get3A_518 : i32 to index
        %get3A_520 = arith.index_cast %scan3A_405 : i32 to index
        %get3A_521 = arith.constant 112 : index
        %get3A_522 = tpu.vector_load %arg10[%get3A_519, %get3A_520, %get3A_521] {strides = array<i32>} : memref<2x64x128xf32, #tpu.memory_space<vmem>>, vector<16xf32>,
        %get3A_523 = arith.constant 1 : i32
        %get3A_524 = arith.index_cast %get3A_523 : i32 to index
        %get3A_525 = arith.index_cast %scan3A_405 : i32 to index
        %get3A_526 = arith.constant 112 : index
        %get3A_527 = tpu.vector_load %arg11[%get3A_524, %get3A_525, %get3A_526] {strides = array<i32>} : memref<2x64x128xf32, #tpu.memory_space<vmem>>, vector<16xf32>,
        %mul3A_528 = arith.mulf %get3A_522, %get3A_527 : vector<16xf32>
        %swap3A_529 = arith.constant 1 : i32
        %swap3A_530 = arith.index_cast %swap3A_529 : i32 to index
        %swap3A_531 = arith.index_cast %scan3A_405 : i32 to index
        %swap3A_532 = arith.constant 112 : index
        %swap3A_533 = tpu.vector_load %arg10[%swap3A_530, %swap3A_531, %swap3A_532] {strides = array<i32>} : memref<2x64x128xf32, #tpu.memory_space<vmem>>, vector<16xf32>,
        tpu.vector_store %arg10[%swap3A_530, %swap3A_531, %swap3A_532], %mul3A_528 {strides = array<i32>} : memref<2x64x128xf32, #tpu.memory_space<vmem>>, vector<16xf32>,
      }
      %scan3A_362 = arith.constant 64 : i32
      %add3A_363 = arith.constant 0 : i32
      %add3A_364 = arith.addi %add3A_363, %scan3A_231 : i32
      %get3A_365 = arith.index_cast %add3A_364 : i32 to index
      %get3A_366 = arith.constant 64 : index
      %get3A_367 = tpu.vector_load %arg8[%get3A_365, %get3A_366] {strides = array<i32>} : memref<80x128xi32, #tpu.memory_space<vmem>>, vector<16xi32>,
      %swap3A_368 = arith.constant 1 : i32
      %swap3A_369 = arith.index_cast %swap3A_368 : i32 to index
      %swap3A_370 = arith.constant 0 : index
      %swap3A_371 = tpu.vector_load %arg9[%swap3A_369, %swap3A_370] {strides = array<i32>} : memref<2x64xi32, #tpu.memory_space<vmem>>, vector<16xi32>,
      tpu.vector_store %arg9[%swap3A_369, %swap3A_370], %get3A_367 {strides = array<i32>} : memref<2x64xi32, #tpu.memory_space<vmem>>, vector<16xi32>,
      %get3A_372 = arith.index_cast %add3A_364 : i32 to index
      %get3A_373 = arith.constant 80 : index
      %get3A_374 = tpu.vector_load %arg8[%get3A_372, %get3A_373] {strides = array<i32>} : memref<80x128xi32, #tpu.memory_space<vmem>>, vector<16xi32>,
      %swap3A_375 = arith.constant 1 : i32
      %swap3A_376 = arith.index_cast %swap3A_375 : i32 to index
      %swap3A_377 = arith.constant 16 : index
      %swap3A_378 = tpu.vector_load %arg9[%swap3A_376, %swap3A_377] {strides = array<i32>} : memref<2x64xi32, #tpu.memory_space<vmem>>, vector<16xi32>,
      tpu.vector_store %arg9[%swap3A_376, %swap3A_377], %get3A_374 {strides = array<i32>} : memref<2x64xi32, #tpu.memory_space<vmem>>, vector<16xi32>,
      %get3A_379 = arith.index_cast %add3A_364 : i32 to index
      %get3A_380 = arith.constant 96 : index
      %get3A_381 = tpu.vector_load %arg8[%get3A_379, %get3A_380] {strides = array<i32>} : memref<80x128xi32, #tpu.memory_space<vmem>>, vector<16xi32>,
      %swap3A_382 = arith.constant 1 : i32
      %swap3A_383 = arith.index_cast %swap3A_382 : i32 to index
      %swap3A_384 = arith.constant 32 : index
      %swap3A_385 = tpu.vector_load %arg9[%swap3A_383, %swap3A_384] {strides = array<i32>} : memref<2x64xi32, #tpu.memory_space<vmem>>, vector<16xi32>,
      tpu.vector_store %arg9[%swap3A_383, %swap3A_384], %get3A_381 {strides = array<i32>} : memref<2x64xi32, #tpu.memory_space<vmem>>, vector<16xi32>,
      %get3A_386 = arith.index_cast %add3A_364 : i32 to index
      %get3A_387 = arith.constant 112 : index
      %get3A_388 = tpu.vector_load %arg8[%get3A_386, %get3A_387] {strides = array<i32>} : memref<80x128xi32, #tpu.memory_space<vmem>>, vector<16xi32>,
      %swap3A_389 = arith.constant 1 : i32
      %swap3A_390 = arith.index_cast %swap3A_389 : i32 to index
      %swap3A_391 = arith.constant 48 : index
      %swap3A_392 = tpu.vector_load %arg9[%swap3A_390, %swap3A_391] {strides = array<i32>} : memref<2x64xi32, #tpu.memory_space<vmem>>, vector<16xi32>,
      tpu.vector_store %arg9[%swap3A_390, %swap3A_391], %get3A_388 {strides = array<i32>} : memref<2x64xi32, #tpu.memory_space<vmem>>, vector<16xi32>,
      %dma_start3A_393 = arith.constant 1 : i32
      %dma_start3A_394 = arith.constant 1 : i32
      %dma_start3A_395 = arith.constant 0 : i32
      %dma_start3A_396 = arith.constant 0 : i32
      %dma_start3A_397 = tpu.memref_slice %arg10[%dma_start3A_393, %dma_start3A_395, %dma_start3A_396] : memref<2x64x128xf32, #tpu.memory_space<vmem>> -> memref<1x64x128xf32, #tpu.memory_space<vmem>>
      %dma_start3A_398 = tpu.memref_squeeze %dma_start3A_397 : memref<1x64x128xf32, #tpu.memory_space<vmem>> -> memref<64x128xf32, #tpu.memory_space<vmem>>
      %dma_start3A_399 = arith.constant 0 : i32
      %dma_start3A_400 = tpu.memref_slice %arg9[%dma_start3A_394, %dma_start3A_399] : memref<2x64xi32, #tpu.memory_space<vmem>> -> memref<1x64xi32, #tpu.memory_space<vmem>>
      %dma_start3A_401 = tpu.memref_squeeze %dma_start3A_400 : memref<1x64xi32, #tpu.memory_space<vmem>> -> memref<64xi32, #tpu.memory_space<vmem>>
      %dma_start3A_402 = arith.constant 0 : i32
      %dma_start3A_403 = arith.constant 0 : i32
      %dma_start3A_404 = tpu.memref_slice %arg12[%dma_start3A_402, %dma_start3A_403] : memref<10240x128xf32, #tpu.memory_space<vmem_shared>> -> memref<10240x128xf32, #tpu.memory_space<vmem_shared>>
      tpu.enqueue_indirect_dma source(%dma_start3A_398 : memref<64x128xf32, #tpu.memory_space<vmem>>) target(%dma_start3A_404 : memref<10240x128xf32, #tpu.memory_space<vmem_shared>>) offsets(%dma_start3A_401 : memref<64xi32, #tpu.memory_space<vmem>>) semaphore(%arg18 : memref<!tpu.dma_semaphore, #tpu.memory_space<semaphore_mem>>) {add = true}
    }
    %scan3A_99 = arith.constant 40 : i32
    %dma_wait3A = arith.constant 0 : i32
    %dma_wait3A_100 = arith.constant 0 : i32
    %dma_wait3A_101 = arith.constant 0 : i32
    %dma_wait3A_102 = arith.constant 0 : i32
    %dma_wait3A_103 = tpu.memref_slice %arg10[%dma_wait3A, %dma_wait3A_101, %dma_wait3A_102] : memref<2x64x128xf32, #tpu.memory_space<vmem>> -> memref<1x64x128xf32, #tpu.memory_space<vmem>>
    %dma_wait3A_104 = tpu.memref_squeeze %dma_wait3A_103 : memref<1x64x128xf32, #tpu.memory_space<vmem>> -> memref<64x128xf32, #tpu.memory_space<vmem>>
    %dma_wait3A_105 = arith.constant 0 : i32
    %dma_wait3A_106 = tpu.memref_slice %arg9[%dma_wait3A_100, %dma_wait3A_105] : memref<2x64xi32, #tpu.memory_space<vmem>> -> memref<1x64xi32, #tpu.memory_space<vmem>>
    %dma_wait3A_107 = tpu.memref_squeeze %dma_wait3A_106 : memref<1x64xi32, #tpu.memory_space<vmem>> -> memref<64xi32, #tpu.memory_space<vmem>>
    %dma_wait3A_108 = arith.constant 0 : i32
    %dma_wait3A_109 = arith.constant 0 : i32
    %dma_wait3A_110 = tpu.memref_slice %arg12[%dma_wait3A_108, %dma_wait3A_109] : memref<10240x128xf32, #tpu.memory_space<vmem_shared>> -> memref<10240x128xf32, #tpu.memory_space<vmem_shared>>
    tpu.wait_indirect_dma semaphore(%arg17 : memref<!tpu.dma_semaphore, #tpu.memory_space<semaphore_mem>>) src(%dma_wait3A_104 : memref<64x128xf32, #tpu.memory_space<vmem>>) dst(%dma_wait3A_110 : memref<10240x128xf32, #tpu.memory_space<vmem_shared>>)
    %dma_wait3A_111 = arith.constant 1 : i32
    %dma_wait3A_112 = arith.constant 0 : i32
    %dma_wait3A_113 = arith.constant 0 : i32
    %dma_wait3A_114 = arith.constant 0 : i32
    %dma_wait3A_115 = tpu.memref_slice %arg10[%dma_wait3A_111, %dma_wait3A_113, %dma_wait3A_114] : memref<2x64x128xf32, #tpu.memory_space<vmem>> -> memref<1x64x128xf32, #tpu.memory_space<vmem>>
    %dma_wait3A_116 = tpu.memref_squeeze %dma_wait3A_115 : memref<1x64x128xf32, #tpu.memory_space<vmem>> -> memref<64x128xf32, #tpu.memory_space<vmem>>
    %dma_wait3A_117 = arith.constant 0 : i32
    %dma_wait3A_118 = tpu.memref_slice %arg9[%dma_wait3A_112, %dma_wait3A_117] : memref<2x64xi32, #tpu.memory_space<vmem>> -> memref<1x64xi32, #tpu.memory_space<vmem>>
    %dma_wait3A_119 = tpu.memref_squeeze %dma_wait3A_118 : memref<1x64xi32, #tpu.memory_space<vmem>> -> memref<64xi32, #tpu.memory_space<vmem>>
    %dma_wait3A_120 = arith.constant 0 : i32
    %dma_wait3A_121 = arith.constant 0 : i32
    %dma_wait3A_122 = tpu.memref_slice %arg12[%dma_wait3A_120, %dma_wait3A_121] : memref<10240x128xf32, #tpu.memory_space<vmem_shared>> -> memref<10240x128xf32, #tpu.memory_space<vmem_shared>>
    tpu.wait_indirect_dma semaphore(%arg18 : memref<!tpu.dma_semaphore, #tpu.memory_space<semaphore_mem>>) src(%dma_wait3A_116 : memref<64x128xf32, #tpu.memory_space<vmem>>) dst(%dma_wait3A_122 : memref<10240x128xf32, #tpu.memory_space<vmem_shared>>)
    %mul3A_123 = arith.constant 160 : i32
    %mul3A_124 = arith.muli %add3A, %mul3A_123 : i32
    %add3A_125 = arith.constant 80 : i32
    %add3A_126 = arith.addi %mul3A_124, %add3A_125 : i32
    %mul3A_127 = arith.constant 64 : i32
    %mul3A_128 = arith.muli %add3A_126, %mul3A_127 : i32
    %mul3A_129 = arith.constant 80 : i32
    %mul3A_130 = arith.muli %add3A, %mul3A_129 : i32
    %add3A_131 = arith.constant 40 : i32
    %add3A_132 = arith.addi %mul3A_130, %add3A_131 : i32
    "tpu.region"() ({
      %run_scoped3A_231 = tpu.sem_alloc : memref<!tpu.dma_semaphore, #tpu.memory_space<semaphore_mem>>
      %dma_start3A_232 = arith.constant 0 : i32
      %dma_start3A_233 = tpu.memref_slice %arg4[%add3A_132, %dma_start3A_232] : memref<2560x128xi32, #tpu.memory_space<hbm>> -> memref<40x128xi32, #tpu.memory_space<hbm>>
      %dma_start3A_234 = arith.constant 0 : i32
      %dma_start3A_235 = tpu.memref_slice %arg4[%add3A_132, %dma_start3A_234] : memref<2560x128xi32, #tpu.memory_space<hbm>> -> memref<40x128xi32, #tpu.memory_space<hbm>>
      tpu.enqueue_dma source(%dma_start3A_235 : memref<40x128xi32, #tpu.memory_space<hbm>>) target(%arg7 : memref<40x128xi32, #tpu.memory_space<vmem>>) target_semaphore(%run_scoped3A_231 : memref<!tpu.dma_semaphore, #tpu.memory_space<semaphore_mem>>)
      %dma_wait3A_236 = arith.constant 0 : i32
      %dma_wait3A_237 = tpu.memref_slice %arg4[%add3A_132, %dma_wait3A_236] : memref<2560x128xi32, #tpu.memory_space<hbm>> -> memref<40x128xi32, #tpu.memory_space<hbm>>
      %dma_wait3A_238 = arith.constant 0 : i32
      %dma_wait3A_239 = tpu.memref_slice %arg4[%add3A_132, %dma_wait3A_238] : memref<2560x128xi32, #tpu.memory_space<hbm>> -> memref<40x128xi32, #tpu.memory_space<hbm>>
      tpu.wait_dma2 semaphore(%run_scoped3A_231 : memref<!tpu.dma_semaphore, #tpu.memory_space<semaphore_mem>>) src(%dma_wait3A_239 : memref<40x128xi32, #tpu.memory_space<hbm>>) dst(%arg7 : memref<40x128xi32, #tpu.memory_space<vmem>>)
      tpu.yield
    }) : () -> ()
    %add3A_133 = arith.constant 0 : i32
    %add3A_134 = arith.addi %mul3A_128, %add3A_133 : i32
    %dma_start3A_135 = arith.constant 0 : i32
    %dma_start3A_136 = arith.constant 0 : i32
    %dma_start3A_137 = arith.constant 0 : i32
    %dma_start3A_138 = arith.constant 0 : i32
    %dma_start3A_139 = tpu.memref_slice %arg10[%dma_start3A_136, %dma_start3A_137, %dma_start3A_138] : memref<2x64x128xf32, #tpu.memory_space<vmem>> -> memref<1x64x128xf32, #tpu.memory_space<vmem>>
    %dma_start3A_140 = tpu.memref_squeeze %dma_start3A_139 : memref<1x64x128xf32, #tpu.memory_space<vmem>> -> memref<64x128xf32, #tpu.memory_space<vmem>>
    %dma_start3A_141 = arith.constant 0 : i32
    %dma_start3A_142 = tpu.memref_slice %arg7[%dma_start3A_135, %dma_start3A_141] : memref<40x128xi32, #tpu.memory_space<vmem>> -> memref<1x64xi32, #tpu.memory_space<vmem>>
    %dma_start3A_143 = tpu.memref_squeeze %dma_start3A_142 : memref<1x64xi32, #tpu.memory_space<vmem>> -> memref<64xi32, #tpu.memory_space<vmem>>
    %dma_start3A_144 = arith.constant 0 : i32
    %dma_start3A_145 = arith.constant 0 : i32
    %dma_start3A_146 = tpu.memref_slice %arg2[%dma_start3A_144, %dma_start3A_145] : memref<10000x128xf32, #tpu.memory_space<hbm>> -> memref<10000x128xf32, #tpu.memory_space<hbm>>
    tpu.enqueue_indirect_dma source(%dma_start3A_146 : memref<10000x128xf32, #tpu.memory_space<hbm>>) target(%dma_start3A_140 : memref<64x128xf32, #tpu.memory_space<vmem>>) offsets(%dma_start3A_143 : memref<64xi32, #tpu.memory_space<vmem>>) semaphore(%arg13 : memref<!tpu.dma_semaphore, #tpu.memory_space<semaphore_mem>>)
    %dma_start3A_147 = arith.constant 0 : i32
    %dma_start3A_148 = arith.constant 0 : i32
    %dma_start3A_149 = arith.constant 0 : i32
    %dma_start3A_150 = tpu.memref_slice %arg11[%dma_start3A_147, %dma_start3A_148, %dma_start3A_149] : memref<2x64x128xf32, #tpu.memory_space<vmem>> -> memref<1x64x128xf32, #tpu.memory_space<vmem>>
    %dma_start3A_151 = tpu.memref_squeeze %dma_start3A_150 : memref<1x64x128xf32, #tpu.memory_space<vmem>> -> memref<64x128xf32, #tpu.memory_space<vmem>>
    %dma_start3A_152 = arith.constant 0 : i32
    %dma_start3A_153 = tpu.memref_slice %arg3[%add3A_134, %dma_start3A_152] : memref<327680x128xf32, #tpu.memory_space<hbm>> -> memref<64x128xf32, #tpu.memory_space<hbm>>
    %dma_start3A_154 = arith.constant 0 : i32
    %dma_start3A_155 = arith.constant 0 : i32
    %dma_start3A_156 = tpu.memref_slice %arg11[%dma_start3A_147, %dma_start3A_154, %dma_start3A_155] : memref<2x64x128xf32, #tpu.memory_space<vmem>> -> memref<1x64x128xf32, #tpu.memory_space<vmem>>
    %dma_start3A_157 = tpu.memref_squeeze %dma_start3A_156 : memref<1x64x128xf32, #tpu.memory_space<vmem>> -> memref<64x128xf32, #tpu.memory_space<vmem>>
    %dma_start3A_158 = arith.constant 0 : i32
    %dma_start3A_159 = tpu.memref_slice %arg3[%add3A_134, %dma_start3A_158] : memref<327680x128xf32, #tpu.memory_space<hbm>> -> memref<64x128xf32, #tpu.memory_space<hbm>>
    tpu.enqueue_dma source(%dma_start3A_159 : memref<64x128xf32, #tpu.memory_space<hbm>>) target(%dma_start3A_157 : memref<64x128xf32, #tpu.memory_space<vmem>>) target_semaphore(%arg15 : memref<!tpu.dma_semaphore, #tpu.memory_space<semaphore_mem>>)
    %scan3A_160 = arith.constant 0 : i32
    %scan3A_161 = arith.constant 0 : i32
    %scan3A_162 = arith.constant 40 : i32
    %scan3A_163 = arith.addi %scan3A_161, %scan3A_162 : i32
    %scan3A_164 = arith.constant 1 : i32
    scf.for %scan3A_231 = %scan3A_161 to %scan3A_163 step %scan3A_164  : i32 {
      %mul3A_232 = arith.constant 2 : i32
      %mul3A_233 = arith.muli %mul3A_232, %scan3A_231 : i32
      %add3A_234 = arith.constant 0 : i32
      %add3A_235 = arith.addi %mul3A_233, %add3A_234 : i32
      %add3A_236 = arith.constant 1 : i32
      %add3A_237 = arith.addi %add3A_235, %add3A_236 : i32
      %lt3A = arith.constant 80 : i32
      %lt3A_238 = arith.cmpi slt, %add3A_237, %lt3A : i32
      %convert_element_type3A = arith.extui %lt3A_238 : i1 to i32
      %cond3A = arith.constant 0 : i32
      %cond3A_239 = arith.cmpi ne, %convert_element_type3A, %cond3A : i32
      scf.if %cond3A_239 {
        %ge3A = arith.constant 1 : i32
        %ge3A_405 = arith.cmpi sge, %add3A_235, %ge3A : i32
        %convert_element_type3A_406 = arith.extui %ge3A_405 : i1 to i32
        %cond3A_407 = arith.constant 0 : i32
        %cond3A_408 = arith.cmpi ne, %convert_element_type3A_406, %cond3A_407 : i32
        scf.if %cond3A_408 {
          %dma_wait3A_440 = arith.constant 1 : i32
          %dma_wait3A_441 = arith.constant 0 : i32
          %dma_wait3A_442 = arith.constant 0 : i32
          %dma_wait3A_443 = arith.constant 0 : i32
          %dma_wait3A_444 = tpu.memref_slice %arg10[%dma_wait3A_440, %dma_wait3A_442, %dma_wait3A_443] : memref<2x64x128xf32, #tpu.memory_space<vmem>> -> memref<1x64x128xf32, #tpu.memory_space<vmem>>
          %dma_wait3A_445 = tpu.memref_squeeze %dma_wait3A_444 : memref<1x64x128xf32, #tpu.memory_space<vmem>> -> memref<64x128xf32, #tpu.memory_space<vmem>>
          %dma_wait3A_446 = arith.constant 0 : i32
          %dma_wait3A_447 = tpu.memref_slice %arg9[%dma_wait3A_441, %dma_wait3A_446] : memref<2x64xi32, #tpu.memory_space<vmem>> -> memref<1x64xi32, #tpu.memory_space<vmem>>
          %dma_wait3A_448 = tpu.memref_squeeze %dma_wait3A_447 : memref<1x64xi32, #tpu.memory_space<vmem>> -> memref<64xi32, #tpu.memory_space<vmem>>
          %dma_wait3A_449 = arith.constant 0 : i32
          %dma_wait3A_450 = arith.constant 0 : i32
          %dma_wait3A_451 = tpu.memref_slice %arg12[%dma_wait3A_449, %dma_wait3A_450] : memref<10240x128xf32, #tpu.memory_space<vmem_shared>> -> memref<10240x128xf32, #tpu.memory_space<vmem_shared>>
          tpu.wait_indirect_dma semaphore(%arg18 : memref<!tpu.dma_semaphore, #tpu.memory_space<semaphore_mem>>) src(%dma_wait3A_445 : memref<64x128xf32, #tpu.memory_space<vmem>>) dst(%dma_wait3A_451 : memref<10240x128xf32, #tpu.memory_space<vmem_shared>>)
        } else {
        }
        %mul3A_409 = arith.constant 2 : i32
        %mul3A_410 = arith.muli %mul3A_409, %scan3A_231 : i32
        %add3A_411 = arith.constant 1 : i32
        %add3A_412 = arith.addi %mul3A_410, %add3A_411 : i32
        %mul3A_413 = arith.constant 64 : i32
        %mul3A_414 = arith.muli %add3A_412, %mul3A_413 : i32
        %add3A_415 = arith.addi %mul3A_128, %mul3A_414 : i32
        %dma_start3A_416 = arith.constant 1 : i32
        %dma_start3A_417 = arith.constant 0 : i32
        %dma_start3A_418 = arith.constant 0 : i32
        %dma_start3A_419 = tpu.memref_slice %arg10[%dma_start3A_416, %dma_start3A_417, %dma_start3A_418] : memref<2x64x128xf32, #tpu.memory_space<vmem>> -> memref<1x64x128xf32, #tpu.memory_space<vmem>>
        %dma_start3A_420 = tpu.memref_squeeze %dma_start3A_419 : memref<1x64x128xf32, #tpu.memory_space<vmem>> -> memref<64x128xf32, #tpu.memory_space<vmem>>
        %dma_start3A_421 = arith.constant 64 : i32
        %dma_start3A_422 = tpu.memref_slice %arg7[%scan3A_231, %dma_start3A_421] : memref<40x128xi32, #tpu.memory_space<vmem>> -> memref<1x64xi32, #tpu.memory_space<vmem>>
        %dma_start3A_423 = tpu.memref_squeeze %dma_start3A_422 : memref<1x64xi32, #tpu.memory_space<vmem>> -> memref<64xi32, #tpu.memory_space<vmem>>
        %dma_start3A_424 = arith.constant 0 : i32
        %dma_start3A_425 = arith.constant 0 : i32
        %dma_start3A_426 = tpu.memref_slice %arg2[%dma_start3A_424, %dma_start3A_425] : memref<10000x128xf32, #tpu.memory_space<hbm>> -> memref<10000x128xf32, #tpu.memory_space<hbm>>
        tpu.enqueue_indirect_dma source(%dma_start3A_426 : memref<10000x128xf32, #tpu.memory_space<hbm>>) target(%dma_start3A_420 : memref<64x128xf32, #tpu.memory_space<vmem>>) offsets(%dma_start3A_423 : memref<64xi32, #tpu.memory_space<vmem>>) semaphore(%arg14 : memref<!tpu.dma_semaphore, #tpu.memory_space<semaphore_mem>>)
        %dma_start3A_427 = arith.constant 1 : i32
        %dma_start3A_428 = arith.constant 0 : i32
        %dma_start3A_429 = arith.constant 0 : i32
        %dma_start3A_430 = tpu.memref_slice %arg11[%dma_start3A_427, %dma_start3A_428, %dma_start3A_429] : memref<2x64x128xf32, #tpu.memory_space<vmem>> -> memref<1x64x128xf32, #tpu.memory_space<vmem>>
        %dma_start3A_431 = tpu.memref_squeeze %dma_start3A_430 : memref<1x64x128xf32, #tpu.memory_space<vmem>> -> memref<64x128xf32, #tpu.memory_space<vmem>>
        %dma_start3A_432 = arith.constant 0 : i32
        %dma_start3A_433 = tpu.memref_slice %arg3[%add3A_415, %dma_start3A_432] : memref<327680x128xf32, #tpu.memory_space<hbm>> -> memref<64x128xf32, #tpu.memory_space<hbm>>
        %dma_start3A_434 = arith.constant 0 : i32
        %dma_start3A_435 = arith.constant 0 : i32
        %dma_start3A_436 = tpu.memref_slice %arg11[%dma_start3A_427, %dma_start3A_434, %dma_start3A_435] : memref<2x64x128xf32, #tpu.memory_space<vmem>> -> memref<1x64x128xf32, #tpu.memory_space<vmem>>
        %dma_start3A_437 = tpu.memref_squeeze %dma_start3A_436 : memref<1x64x128xf32, #tpu.memory_space<vmem>> -> memref<64x128xf32, #tpu.memory_space<vmem>>
        %dma_start3A_438 = arith.constant 0 : i32
        %dma_start3A_439 = tpu.memref_slice %arg3[%add3A_415, %dma_start3A_438] : memref<327680x128xf32, #tpu.memory_space<hbm>> -> memref<64x128xf32, #tpu.memory_space<hbm>>
        tpu.enqueue_dma source(%dma_start3A_439 : memref<64x128xf32, #tpu.memory_space<hbm>>) target(%dma_start3A_437 : memref<64x128xf32, #tpu.memory_space<vmem>>) target_semaphore(%arg16 : memref<!tpu.dma_semaphore, #tpu.memory_space<semaphore_mem>>)
      } else {
      }
      %dma_wait3A_240 = arith.constant 0 : i32
      %dma_wait3A_241 = arith.constant 0 : i32
      %dma_wait3A_242 = arith.constant 0 : i32
      %dma_wait3A_243 = tpu.memref_slice %arg10[%dma_wait3A_240, %dma_wait3A_241, %dma_wait3A_242] : memref<2x64x128xf32, #tpu.memory_space<vmem>> -> memref<1x64x128xf32, #tpu.memory_space<vmem>>
      %dma_wait3A_244 = tpu.memref_squeeze %dma_wait3A_243 : memref<1x64x128xf32, #tpu.memory_space<vmem>> -> memref<64x128xf32, #tpu.memory_space<vmem>>
      %dma_wait3A_245 = arith.constant 0 : i32
      %dma_wait3A_246 = arith.constant 0 : i32
      %dma_wait3A_247 = tpu.memref_slice %arg2[%dma_wait3A_245, %dma_wait3A_246] : memref<10000x128xf32, #tpu.memory_space<hbm>> -> memref<64x128xf32, #tpu.memory_space<hbm>>
      %dma_wait3A_248 = arith.constant 0 : i32
      %dma_wait3A_249 = arith.constant 0 : i32
      %dma_wait3A_250 = tpu.memref_slice %arg10[%dma_wait3A_240, %dma_wait3A_248, %dma_wait3A_249] : memref<2x64x128xf32, #tpu.memory_space<vmem>> -> memref<1x64x128xf32, #tpu.memory_space<vmem>>
      %dma_wait3A_251 = tpu.memref_squeeze %dma_wait3A_250 : memref<1x64x128xf32, #tpu.memory_space<vmem>> -> memref<64x128xf32, #tpu.memory_space<vmem>>
      %dma_wait3A_252 = arith.constant 0 : i32
      %dma_wait3A_253 = arith.constant 0 : i32
      %dma_wait3A_254 = tpu.memref_slice %arg2[%dma_wait3A_252, %dma_wait3A_253] : memref<10000x128xf32, #tpu.memory_space<hbm>> -> memref<64x128xf32, #tpu.memory_space<hbm>>
      tpu.wait_dma2 semaphore(%arg13 : memref<!tpu.dma_semaphore, #tpu.memory_space<semaphore_mem>>) src(%dma_wait3A_254 : memref<64x128xf32, #tpu.memory_space<hbm>>) dst(%dma_wait3A_251 : memref<64x128xf32, #tpu.memory_space<vmem>>)
      %dma_wait3A_255 = arith.constant 0 : i32
      %dma_wait3A_256 = arith.constant 0 : i32
      %dma_wait3A_257 = arith.constant 0 : i32
      %dma_wait3A_258 = tpu.memref_slice %arg11[%dma_wait3A_255, %dma_wait3A_256, %dma_wait3A_257] : memref<2x64x128xf32, #tpu.memory_space<vmem>> -> memref<1x64x128xf32, #tpu.memory_space<vmem>>
      %dma_wait3A_259 = tpu.memref_squeeze %dma_wait3A_258 : memref<1x64x128xf32, #tpu.memory_space<vmem>> -> memref<64x128xf32, #tpu.memory_space<vmem>>
      %dma_wait3A_260 = arith.constant 0 : i32
      %dma_wait3A_261 = arith.constant 0 : i32
      %dma_wait3A_262 = tpu.memref_slice %arg3[%dma_wait3A_260, %dma_wait3A_261] : memref<327680x128xf32, #tpu.memory_space<hbm>> -> memref<64x128xf32, #tpu.memory_space<hbm>>
      %dma_wait3A_263 = arith.constant 0 : i32
      %dma_wait3A_264 = arith.constant 0 : i32
      %dma_wait3A_265 = tpu.memref_slice %arg11[%dma_wait3A_255, %dma_wait3A_263, %dma_wait3A_264] : memref<2x64x128xf32, #tpu.memory_space<vmem>> -> memref<1x64x128xf32, #tpu.memory_space<vmem>>
      %dma_wait3A_266 = tpu.memref_squeeze %dma_wait3A_265 : memref<1x64x128xf32, #tpu.memory_space<vmem>> -> memref<64x128xf32, #tpu.memory_space<vmem>>
      %dma_wait3A_267 = arith.constant 0 : i32
      %dma_wait3A_268 = arith.constant 0 : i32
      %dma_wait3A_269 = tpu.memref_slice %arg3[%dma_wait3A_267, %dma_wait3A_268] : memref<327680x128xf32, #tpu.memory_space<hbm>> -> memref<64x128xf32, #tpu.memory_space<hbm>>
      tpu.wait_dma2 semaphore(%arg15 : memref<!tpu.dma_semaphore, #tpu.memory_space<semaphore_mem>>) src(%dma_wait3A_269 : memref<64x128xf32, #tpu.memory_space<hbm>>) dst(%dma_wait3A_266 : memref<64x128xf32, #tpu.memory_space<vmem>>)
      %scan3A_270 = arith.constant 0 : i32
      %scan3A_271 = arith.constant 0 : i32
      %scan3A_272 = arith.constant 64 : i32
      %scan3A_273 = arith.addi %scan3A_271, %scan3A_272 : i32
      %scan3A_274 = arith.constant 1 : i32
      scf.for %scan3A_405 = %scan3A_271 to %scan3A_273 step %scan3A_274  : i32 {
        %get3A_406 = arith.constant 0 : i32
        %get3A_407 = arith.index_cast %get3A_406 : i32 to index
        %get3A_408 = arith.index_cast %scan3A_405 : i32 to index
        %get3A_409 = arith.constant 0 : index
        %get3A_410 = tpu.vector_load %arg10[%get3A_407, %get3A_408, %get3A_409] {strides = array<i32>} : memref<2x64x128xf32, #tpu.memory_space<vmem>>, vector<16xf32>,
        %get3A_411 = arith.constant 0 : i32
        %get3A_412 = arith.index_cast %get3A_411 : i32 to index
        %get3A_413 = arith.index_cast %scan3A_405 : i32 to index
        %get3A_414 = arith.constant 0 : index
        %get3A_415 = tpu.vector_load %arg11[%get3A_412, %get3A_413, %get3A_414] {strides = array<i32>} : memref<2x64x128xf32, #tpu.memory_space<vmem>>, vector<16xf32>,
        %mul3A_416 = arith.mulf %get3A_410, %get3A_415 : vector<16xf32>
        %swap3A_417 = arith.constant 0 : i32
        %swap3A_418 = arith.index_cast %swap3A_417 : i32 to index
        %swap3A_419 = arith.index_cast %scan3A_405 : i32 to index
        %swap3A_420 = arith.constant 0 : index
        %swap3A_421 = tpu.vector_load %arg10[%swap3A_418, %swap3A_419, %swap3A_420] {strides = array<i32>} : memref<2x64x128xf32, #tpu.memory_space<vmem>>, vector<16xf32>,
        tpu.vector_store %arg10[%swap3A_418, %swap3A_419, %swap3A_420], %mul3A_416 {strides = array<i32>} : memref<2x64x128xf32, #tpu.memory_space<vmem>>, vector<16xf32>,
        %get3A_422 = arith.constant 0 : i32
        %get3A_423 = arith.index_cast %get3A_422 : i32 to index
        %get3A_424 = arith.index_cast %scan3A_405 : i32 to index
        %get3A_425 = arith.constant 16 : index
        %get3A_426 = tpu.vector_load %arg10[%get3A_423, %get3A_424, %get3A_425] {strides = array<i32>} : memref<2x64x128xf32, #tpu.memory_space<vmem>>, vector<16xf32>,
        %get3A_427 = arith.constant 0 : i32
        %get3A_428 = arith.index_cast %get3A_427 : i32 to index
        %get3A_429 = arith.index_cast %scan3A_405 : i32 to index
        %get3A_430 = arith.constant 16 : index
        %get3A_431 = tpu.vector_load %arg11[%get3A_428, %get3A_429, %get3A_430] {strides = array<i32>} : memref<2x64x128xf32, #tpu.memory_space<vmem>>, vector<16xf32>,
        %mul3A_432 = arith.mulf %get3A_426, %get3A_431 : vector<16xf32>
        %swap3A_433 = arith.constant 0 : i32
        %swap3A_434 = arith.index_cast %swap3A_433 : i32 to index
        %swap3A_435 = arith.index_cast %scan3A_405 : i32 to index
        %swap3A_436 = arith.constant 16 : index
        %swap3A_437 = tpu.vector_load %arg10[%swap3A_434, %swap3A_435, %swap3A_436] {strides = array<i32>} : memref<2x64x128xf32, #tpu.memory_space<vmem>>, vector<16xf32>,
        tpu.vector_store %arg10[%swap3A_434, %swap3A_435, %swap3A_436], %mul3A_432 {strides = array<i32>} : memref<2x64x128xf32, #tpu.memory_space<vmem>>, vector<16xf32>,
        %get3A_438 = arith.constant 0 : i32
        %get3A_439 = arith.index_cast %get3A_438 : i32 to index
        %get3A_440 = arith.index_cast %scan3A_405 : i32 to index
        %get3A_441 = arith.constant 32 : index
        %get3A_442 = tpu.vector_load %arg10[%get3A_439, %get3A_440, %get3A_441] {strides = array<i32>} : memref<2x64x128xf32, #tpu.memory_space<vmem>>, vector<16xf32>,
        %get3A_443 = arith.constant 0 : i32
        %get3A_444 = arith.index_cast %get3A_443 : i32 to index
        %get3A_445 = arith.index_cast %scan3A_405 : i32 to index
        %get3A_446 = arith.constant 32 : index
        %get3A_447 = tpu.vector_load %arg11[%get3A_444, %get3A_445, %get3A_446] {strides = array<i32>} : memref<2x64x128xf32, #tpu.memory_space<vmem>>, vector<16xf32>,
        %mul3A_448 = arith.mulf %get3A_442, %get3A_447 : vector<16xf32>
        %swap3A_449 = arith.constant 0 : i32
        %swap3A_450 = arith.index_cast %swap3A_449 : i32 to index
        %swap3A_451 = arith.index_cast %scan3A_405 : i32 to index
        %swap3A_452 = arith.constant 32 : index
        %swap3A_453 = tpu.vector_load %arg10[%swap3A_450, %swap3A_451, %swap3A_452] {strides = array<i32>} : memref<2x64x128xf32, #tpu.memory_space<vmem>>, vector<16xf32>,
        tpu.vector_store %arg10[%swap3A_450, %swap3A_451, %swap3A_452], %mul3A_448 {strides = array<i32>} : memref<2x64x128xf32, #tpu.memory_space<vmem>>, vector<16xf32>,
        %get3A_454 = arith.constant 0 : i32
        %get3A_455 = arith.index_cast %get3A_454 : i32 to index
        %get3A_456 = arith.index_cast %scan3A_405 : i32 to index
        %get3A_457 = arith.constant 48 : index
        %get3A_458 = tpu.vector_load %arg10[%get3A_455, %get3A_456, %get3A_457] {strides = array<i32>} : memref<2x64x128xf32, #tpu.memory_space<vmem>>, vector<16xf32>,
        %get3A_459 = arith.constant 0 : i32
        %get3A_460 = arith.index_cast %get3A_459 : i32 to index
        %get3A_461 = arith.index_cast %scan3A_405 : i32 to index
        %get3A_462 = arith.constant 48 : index
        %get3A_463 = tpu.vector_load %arg11[%get3A_460, %get3A_461, %get3A_462] {strides = array<i32>} : memref<2x64x128xf32, #tpu.memory_space<vmem>>, vector<16xf32>,
        %mul3A_464 = arith.mulf %get3A_458, %get3A_463 : vector<16xf32>
        %swap3A_465 = arith.constant 0 : i32
        %swap3A_466 = arith.index_cast %swap3A_465 : i32 to index
        %swap3A_467 = arith.index_cast %scan3A_405 : i32 to index
        %swap3A_468 = arith.constant 48 : index
        %swap3A_469 = tpu.vector_load %arg10[%swap3A_466, %swap3A_467, %swap3A_468] {strides = array<i32>} : memref<2x64x128xf32, #tpu.memory_space<vmem>>, vector<16xf32>,
        tpu.vector_store %arg10[%swap3A_466, %swap3A_467, %swap3A_468], %mul3A_464 {strides = array<i32>} : memref<2x64x128xf32, #tpu.memory_space<vmem>>, vector<16xf32>,
        %get3A_470 = arith.constant 0 : i32
        %get3A_471 = arith.index_cast %get3A_470 : i32 to index
        %get3A_472 = arith.index_cast %scan3A_405 : i32 to index
        %get3A_473 = arith.constant 64 : index
        %get3A_474 = tpu.vector_load %arg10[%get3A_471, %get3A_472, %get3A_473] {strides = array<i32>} : memref<2x64x128xf32, #tpu.memory_space<vmem>>, vector<16xf32>,
        %get3A_475 = arith.constant 0 : i32
        %get3A_476 = arith.index_cast %get3A_475 : i32 to index
        %get3A_477 = arith.index_cast %scan3A_405 : i32 to index
        %get3A_478 = arith.constant 64 : index
        %get3A_479 = tpu.vector_load %arg11[%get3A_476, %get3A_477, %get3A_478] {strides = array<i32>} : memref<2x64x128xf32, #tpu.memory_space<vmem>>, vector<16xf32>,
        %mul3A_480 = arith.mulf %get3A_474, %get3A_479 : vector<16xf32>
        %swap3A_481 = arith.constant 0 : i32
        %swap3A_482 = arith.index_cast %swap3A_481 : i32 to index
        %swap3A_483 = arith.index_cast %scan3A_405 : i32 to index
        %swap3A_484 = arith.constant 64 : index
        %swap3A_485 = tpu.vector_load %arg10[%swap3A_482, %swap3A_483, %swap3A_484] {strides = array<i32>} : memref<2x64x128xf32, #tpu.memory_space<vmem>>, vector<16xf32>,
        tpu.vector_store %arg10[%swap3A_482, %swap3A_483, %swap3A_484], %mul3A_480 {strides = array<i32>} : memref<2x64x128xf32, #tpu.memory_space<vmem>>, vector<16xf32>,
        %get3A_486 = arith.constant 0 : i32
        %get3A_487 = arith.index_cast %get3A_486 : i32 to index
        %get3A_488 = arith.index_cast %scan3A_405 : i32 to index
        %get3A_489 = arith.constant 80 : index
        %get3A_490 = tpu.vector_load %arg10[%get3A_487, %get3A_488, %get3A_489] {strides = array<i32>} : memref<2x64x128xf32, #tpu.memory_space<vmem>>, vector<16xf32>,
        %get3A_491 = arith.constant 0 : i32
        %get3A_492 = arith.index_cast %get3A_491 : i32 to index
        %get3A_493 = arith.index_cast %scan3A_405 : i32 to index
        %get3A_494 = arith.constant 80 : index
        %get3A_495 = tpu.vector_load %arg11[%get3A_492, %get3A_493, %get3A_494] {strides = array<i32>} : memref<2x64x128xf32, #tpu.memory_space<vmem>>, vector<16xf32>,
        %mul3A_496 = arith.mulf %get3A_490, %get3A_495 : vector<16xf32>
        %swap3A_497 = arith.constant 0 : i32
        %swap3A_498 = arith.index_cast %swap3A_497 : i32 to index
        %swap3A_499 = arith.index_cast %scan3A_405 : i32 to index
        %swap3A_500 = arith.constant 80 : index
        %swap3A_501 = tpu.vector_load %arg10[%swap3A_498, %swap3A_499, %swap3A_500] {strides = array<i32>} : memref<2x64x128xf32, #tpu.memory_space<vmem>>, vector<16xf32>,
        tpu.vector_store %arg10[%swap3A_498, %swap3A_499, %swap3A_500], %mul3A_496 {strides = array<i32>} : memref<2x64x128xf32, #tpu.memory_space<vmem>>, vector<16xf32>,
        %get3A_502 = arith.constant 0 : i32
        %get3A_503 = arith.index_cast %get3A_502 : i32 to index
        %get3A_504 = arith.index_cast %scan3A_405 : i32 to index
        %get3A_505 = arith.constant 96 : index
        %get3A_506 = tpu.vector_load %arg10[%get3A_503, %get3A_504, %get3A_505] {strides = array<i32>} : memref<2x64x128xf32, #tpu.memory_space<vmem>>, vector<16xf32>,
        %get3A_507 = arith.constant 0 : i32
        %get3A_508 = arith.index_cast %get3A_507 : i32 to index
        %get3A_509 = arith.index_cast %scan3A_405 : i32 to index
        %get3A_510 = arith.constant 96 : index
        %get3A_511 = tpu.vector_load %arg11[%get3A_508, %get3A_509, %get3A_510] {strides = array<i32>} : memref<2x64x128xf32, #tpu.memory_space<vmem>>, vector<16xf32>,
        %mul3A_512 = arith.mulf %get3A_506, %get3A_511 : vector<16xf32>
        %swap3A_513 = arith.constant 0 : i32
        %swap3A_514 = arith.index_cast %swap3A_513 : i32 to index
        %swap3A_515 = arith.index_cast %scan3A_405 : i32 to index
        %swap3A_516 = arith.constant 96 : index
        %swap3A_517 = tpu.vector_load %arg10[%swap3A_514, %swap3A_515, %swap3A_516] {strides = array<i32>} : memref<2x64x128xf32, #tpu.memory_space<vmem>>, vector<16xf32>,
        tpu.vector_store %arg10[%swap3A_514, %swap3A_515, %swap3A_516], %mul3A_512 {strides = array<i32>} : memref<2x64x128xf32, #tpu.memory_space<vmem>>, vector<16xf32>,
        %get3A_518 = arith.constant 0 : i32
        %get3A_519 = arith.index_cast %get3A_518 : i32 to index
        %get3A_520 = arith.index_cast %scan3A_405 : i32 to index
        %get3A_521 = arith.constant 112 : index
        %get3A_522 = tpu.vector_load %arg10[%get3A_519, %get3A_520, %get3A_521] {strides = array<i32>} : memref<2x64x128xf32, #tpu.memory_space<vmem>>, vector<16xf32>,
        %get3A_523 = arith.constant 0 : i32
        %get3A_524 = arith.index_cast %get3A_523 : i32 to index
        %get3A_525 = arith.index_cast %scan3A_405 : i32 to index
        %get3A_526 = arith.constant 112 : index
        %get3A_527 = tpu.vector_load %arg11[%get3A_524, %get3A_525, %get3A_526] {strides = array<i32>} : memref<2x64x128xf32, #tpu.memory_space<vmem>>, vector<16xf32>,
        %mul3A_528 = arith.mulf %get3A_522, %get3A_527 : vector<16xf32>
        %swap3A_529 = arith.constant 0 : i32
        %swap3A_530 = arith.index_cast %swap3A_529 : i32 to index
        %swap3A_531 = arith.index_cast %scan3A_405 : i32 to index
        %swap3A_532 = arith.constant 112 : index
        %swap3A_533 = tpu.vector_load %arg10[%swap3A_530, %swap3A_531, %swap3A_532] {strides = array<i32>} : memref<2x64x128xf32, #tpu.memory_space<vmem>>, vector<16xf32>,
        tpu.vector_store %arg10[%swap3A_530, %swap3A_531, %swap3A_532], %mul3A_528 {strides = array<i32>} : memref<2x64x128xf32, #tpu.memory_space<vmem>>, vector<16xf32>,
      }
      %scan3A_275 = arith.constant 64 : i32
      %add3A_276 = arith.constant 40 : i32
      %add3A_277 = arith.addi %add3A_276, %scan3A_231 : i32
      %get3A = arith.index_cast %add3A_277 : i32 to index
      %get3A_278 = arith.constant 0 : index
      %get3A_279 = tpu.vector_load %arg8[%get3A, %get3A_278] {strides = array<i32>} : memref<80x128xi32, #tpu.memory_space<vmem>>, vector<16xi32>,
      %swap3A = arith.constant 0 : i32
      %swap3A_280 = arith.index_cast %swap3A : i32 to index
      %swap3A_281 = arith.constant 0 : index
      %swap3A_282 = tpu.vector_load %arg9[%swap3A_280, %swap3A_281] {strides = array<i32>} : memref<2x64xi32, #tpu.memory_space<vmem>>, vector<16xi32>,
      tpu.vector_store %arg9[%swap3A_280, %swap3A_281], %get3A_279 {strides = array<i32>} : memref<2x64xi32, #tpu.memory_space<vmem>>, vector<16xi32>,
      %get3A_283 = arith.index_cast %add3A_277 : i32 to index
      %get3A_284 = arith.constant 16 : index
      %get3A_285 = tpu.vector_load %arg8[%get3A_283, %get3A_284] {strides = array<i32>} : memref<80x128xi32, #tpu.memory_space<vmem>>, vector<16xi32>,
      %swap3A_286 = arith.constant 0 : i32
      %swap3A_287 = arith.index_cast %swap3A_286 : i32 to index
      %swap3A_288 = arith.constant 16 : index
      %swap3A_289 = tpu.vector_load %arg9[%swap3A_287, %swap3A_288] {strides = array<i32>} : memref<2x64xi32, #tpu.memory_space<vmem>>, vector<16xi32>,
      tpu.vector_store %arg9[%swap3A_287, %swap3A_288], %get3A_285 {strides = array<i32>} : memref<2x64xi32, #tpu.memory_space<vmem>>, vector<16xi32>,
      %get3A_290 = arith.index_cast %add3A_277 : i32 to index
      %get3A_291 = arith.constant 32 : index
      %get3A_292 = tpu.vector_load %arg8[%get3A_290, %get3A_291] {strides = array<i32>} : memref<80x128xi32, #tpu.memory_space<vmem>>, vector<16xi32>,
      %swap3A_293 = arith.constant 0 : i32
      %swap3A_294 = arith.index_cast %swap3A_293 : i32 to index
      %swap3A_295 = arith.constant 32 : index
      %swap3A_296 = tpu.vector_load %arg9[%swap3A_294, %swap3A_295] {strides = array<i32>} : memref<2x64xi32, #tpu.memory_space<vmem>>, vector<16xi32>,
      tpu.vector_store %arg9[%swap3A_294, %swap3A_295], %get3A_292 {strides = array<i32>} : memref<2x64xi32, #tpu.memory_space<vmem>>, vector<16xi32>,
      %get3A_297 = arith.index_cast %add3A_277 : i32 to index
      %get3A_298 = arith.constant 48 : index
      %get3A_299 = tpu.vector_load %arg8[%get3A_297, %get3A_298] {strides = array<i32>} : memref<80x128xi32, #tpu.memory_space<vmem>>, vector<16xi32>,
      %swap3A_300 = arith.constant 0 : i32
      %swap3A_301 = arith.index_cast %swap3A_300 : i32 to index
      %swap3A_302 = arith.constant 48 : index
      %swap3A_303 = tpu.vector_load %arg9[%swap3A_301, %swap3A_302] {strides = array<i32>} : memref<2x64xi32, #tpu.memory_space<vmem>>, vector<16xi32>,
      tpu.vector_store %arg9[%swap3A_301, %swap3A_302], %get3A_299 {strides = array<i32>} : memref<2x64xi32, #tpu.memory_space<vmem>>, vector<16xi32>,
      %dma_start3A_304 = arith.constant 0 : i32
      %dma_start3A_305 = arith.constant 0 : i32
      %dma_start3A_306 = arith.constant 0 : i32
      %dma_start3A_307 = arith.constant 0 : i32
      %dma_start3A_308 = tpu.memref_slice %arg10[%dma_start3A_304, %dma_start3A_306, %dma_start3A_307] : memref<2x64x128xf32, #tpu.memory_space<vmem>> -> memref<1x64x128xf32, #tpu.memory_space<vmem>>
      %dma_start3A_309 = tpu.memref_squeeze %dma_start3A_308 : memref<1x64x128xf32, #tpu.memory_space<vmem>> -> memref<64x128xf32, #tpu.memory_space<vmem>>
      %dma_start3A_310 = arith.constant 0 : i32
      %dma_start3A_311 = tpu.memref_slice %arg9[%dma_start3A_305, %dma_start3A_310] : memref<2x64xi32, #tpu.memory_space<vmem>> -> memref<1x64xi32, #tpu.memory_space<vmem>>
      %dma_start3A_312 = tpu.memref_squeeze %dma_start3A_311 : memref<1x64xi32, #tpu.memory_space<vmem>> -> memref<64xi32, #tpu.memory_space<vmem>>
      %dma_start3A_313 = arith.constant 0 : i32
      %dma_start3A_314 = arith.constant 0 : i32
      %dma_start3A_315 = tpu.memref_slice %arg12[%dma_start3A_313, %dma_start3A_314] : memref<10240x128xf32, #tpu.memory_space<vmem_shared>> -> memref<10240x128xf32, #tpu.memory_space<vmem_shared>>
      tpu.enqueue_indirect_dma source(%dma_start3A_309 : memref<64x128xf32, #tpu.memory_space<vmem>>) target(%dma_start3A_315 : memref<10240x128xf32, #tpu.memory_space<vmem_shared>>) offsets(%dma_start3A_312 : memref<64xi32, #tpu.memory_space<vmem>>) semaphore(%arg17 : memref<!tpu.dma_semaphore, #tpu.memory_space<semaphore_mem>>) {add = true}
      %mul3A_316 = arith.constant 2 : i32
      %mul3A_317 = arith.muli %mul3A_316, %scan3A_231 : i32
      %add3A_318 = arith.constant 1 : i32
      %add3A_319 = arith.addi %mul3A_317, %add3A_318 : i32
      %add3A_320 = arith.constant 1 : i32
      %add3A_321 = arith.addi %add3A_319, %add3A_320 : i32
      %lt3A_322 = arith.constant 80 : i32
      %lt3A_323 = arith.cmpi slt, %add3A_321, %lt3A_322 : i32
      %convert_element_type3A_324 = arith.extui %lt3A_323 : i1 to i32
      %cond3A_325 = arith.constant 0 : i32
      %cond3A_326 = arith.cmpi ne, %convert_element_type3A_324, %cond3A_325 : i32
      scf.if %cond3A_326 {
        %ge3A = arith.constant 1 : i32
        %ge3A_405 = arith.cmpi sge, %add3A_319, %ge3A : i32
        %convert_element_type3A_406 = arith.extui %ge3A_405 : i1 to i32
        %cond3A_407 = arith.constant 0 : i32
        %cond3A_408 = arith.cmpi ne, %convert_element_type3A_406, %cond3A_407 : i32
        scf.if %cond3A_408 {
          %dma_wait3A_442 = arith.constant 0 : i32
          %dma_wait3A_443 = arith.constant 0 : i32
          %dma_wait3A_444 = arith.constant 0 : i32
          %dma_wait3A_445 = arith.constant 0 : i32
          %dma_wait3A_446 = tpu.memref_slice %arg10[%dma_wait3A_442, %dma_wait3A_444, %dma_wait3A_445] : memref<2x64x128xf32, #tpu.memory_space<vmem>> -> memref<1x64x128xf32, #tpu.memory_space<vmem>>
          %dma_wait3A_447 = tpu.memref_squeeze %dma_wait3A_446 : memref<1x64x128xf32, #tpu.memory_space<vmem>> -> memref<64x128xf32, #tpu.memory_space<vmem>>
          %dma_wait3A_448 = arith.constant 0 : i32
          %dma_wait3A_449 = tpu.memref_slice %arg9[%dma_wait3A_443, %dma_wait3A_448] : memref<2x64xi32, #tpu.memory_space<vmem>> -> memref<1x64xi32, #tpu.memory_space<vmem>>
          %dma_wait3A_450 = tpu.memref_squeeze %dma_wait3A_449 : memref<1x64xi32, #tpu.memory_space<vmem>> -> memref<64xi32, #tpu.memory_space<vmem>>
          %dma_wait3A_451 = arith.constant 0 : i32
          %dma_wait3A_452 = arith.constant 0 : i32
          %dma_wait3A_453 = tpu.memref_slice %arg12[%dma_wait3A_451, %dma_wait3A_452] : memref<10240x128xf32, #tpu.memory_space<vmem_shared>> -> memref<10240x128xf32, #tpu.memory_space<vmem_shared>>
          tpu.wait_indirect_dma semaphore(%arg17 : memref<!tpu.dma_semaphore, #tpu.memory_space<semaphore_mem>>) src(%dma_wait3A_447 : memref<64x128xf32, #tpu.memory_space<vmem>>) dst(%dma_wait3A_453 : memref<10240x128xf32, #tpu.memory_space<vmem_shared>>)
        } else {
        }
        %add3A_409 = arith.constant 1 : i32
        %add3A_410 = arith.addi %scan3A_231, %add3A_409 : i32
        %mul3A_411 = arith.constant 2 : i32
        %mul3A_412 = arith.muli %mul3A_411, %add3A_410 : i32
        %add3A_413 = arith.constant 0 : i32
        %add3A_414 = arith.addi %mul3A_412, %add3A_413 : i32
        %mul3A_415 = arith.constant 64 : i32
        %mul3A_416 = arith.muli %add3A_414, %mul3A_415 : i32
        %add3A_417 = arith.addi %mul3A_128, %mul3A_416 : i32
        %dma_start3A_418 = arith.constant 0 : i32
        %dma_start3A_419 = arith.constant 0 : i32
        %dma_start3A_420 = arith.constant 0 : i32
        %dma_start3A_421 = tpu.memref_slice %arg10[%dma_start3A_418, %dma_start3A_419, %dma_start3A_420] : memref<2x64x128xf32, #tpu.memory_space<vmem>> -> memref<1x64x128xf32, #tpu.memory_space<vmem>>
        %dma_start3A_422 = tpu.memref_squeeze %dma_start3A_421 : memref<1x64x128xf32, #tpu.memory_space<vmem>> -> memref<64x128xf32, #tpu.memory_space<vmem>>
        %dma_start3A_423 = arith.constant 0 : i32
        %dma_start3A_424 = tpu.memref_slice %arg7[%add3A_410, %dma_start3A_423] : memref<40x128xi32, #tpu.memory_space<vmem>> -> memref<1x64xi32, #tpu.memory_space<vmem>>
        %dma_start3A_425 = tpu.memref_squeeze %dma_start3A_424 : memref<1x64xi32, #tpu.memory_space<vmem>> -> memref<64xi32, #tpu.memory_space<vmem>>
        %dma_start3A_426 = arith.constant 0 : i32
        %dma_start3A_427 = arith.constant 0 : i32
        %dma_start3A_428 = tpu.memref_slice %arg2[%dma_start3A_426, %dma_start3A_427] : memref<10000x128xf32, #tpu.memory_space<hbm>> -> memref<10000x128xf32, #tpu.memory_space<hbm>>
        tpu.enqueue_indirect_dma source(%dma_start3A_428 : memref<10000x128xf32, #tpu.memory_space<hbm>>) target(%dma_start3A_422 : memref<64x128xf32, #tpu.memory_space<vmem>>) offsets(%dma_start3A_425 : memref<64xi32, #tpu.memory_space<vmem>>) semaphore(%arg13 : memref<!tpu.dma_semaphore, #tpu.memory_space<semaphore_mem>>)
        %dma_start3A_429 = arith.constant 0 : i32
        %dma_start3A_430 = arith.constant 0 : i32
        %dma_start3A_431 = arith.constant 0 : i32
        %dma_start3A_432 = tpu.memref_slice %arg11[%dma_start3A_429, %dma_start3A_430, %dma_start3A_431] : memref<2x64x128xf32, #tpu.memory_space<vmem>> -> memref<1x64x128xf32, #tpu.memory_space<vmem>>
        %dma_start3A_433 = tpu.memref_squeeze %dma_start3A_432 : memref<1x64x128xf32, #tpu.memory_space<vmem>> -> memref<64x128xf32, #tpu.memory_space<vmem>>
        %dma_start3A_434 = arith.constant 0 : i32
        %dma_start3A_435 = tpu.memref_slice %arg3[%add3A_417, %dma_start3A_434] : memref<327680x128xf32, #tpu.memory_space<hbm>> -> memref<64x128xf32, #tpu.memory_space<hbm>>
        %dma_start3A_436 = arith.constant 0 : i32
        %dma_start3A_437 = arith.constant 0 : i32
        %dma_start3A_438 = tpu.memref_slice %arg11[%dma_start3A_429, %dma_start3A_436, %dma_start3A_437] : memref<2x64x128xf32, #tpu.memory_space<vmem>> -> memref<1x64x128xf32, #tpu.memory_space<vmem>>
        %dma_start3A_439 = tpu.memref_squeeze %dma_start3A_438 : memref<1x64x128xf32, #tpu.memory_space<vmem>> -> memref<64x128xf32, #tpu.memory_space<vmem>>
        %dma_start3A_440 = arith.constant 0 : i32
        %dma_start3A_441 = tpu.memref_slice %arg3[%add3A_417, %dma_start3A_440] : memref<327680x128xf32, #tpu.memory_space<hbm>> -> memref<64x128xf32, #tpu.memory_space<hbm>>
        tpu.enqueue_dma source(%dma_start3A_441 : memref<64x128xf32, #tpu.memory_space<hbm>>) target(%dma_start3A_439 : memref<64x128xf32, #tpu.memory_space<vmem>>) target_semaphore(%arg15 : memref<!tpu.dma_semaphore, #tpu.memory_space<semaphore_mem>>)
      } else {
      }
      %dma_wait3A_327 = arith.constant 1 : i32
      %dma_wait3A_328 = arith.constant 0 : i32
      %dma_wait3A_329 = arith.constant 0 : i32
      %dma_wait3A_330 = tpu.memref_slice %arg10[%dma_wait3A_327, %dma_wait3A_328, %dma_wait3A_329] : memref<2x64x128xf32, #tpu.memory_space<vmem>> -> memref<1x64x128xf32, #tpu.memory_space<vmem>>
      %dma_wait3A_331 = tpu.memref_squeeze %dma_wait3A_330 : memref<1x64x128xf32, #tpu.memory_space<vmem>> -> memref<64x128xf32, #tpu.memory_space<vmem>>
      %dma_wait3A_332 = arith.constant 0 : i32
      %dma_wait3A_333 = arith.constant 0 : i32
      %dma_wait3A_334 = tpu.memref_slice %arg2[%dma_wait3A_332, %dma_wait3A_333] : memref<10000x128xf32, #tpu.memory_space<hbm>> -> memref<64x128xf32, #tpu.memory_space<hbm>>
      %dma_wait3A_335 = arith.constant 0 : i32
      %dma_wait3A_336 = arith.constant 0 : i32
      %dma_wait3A_337 = tpu.memref_slice %arg10[%dma_wait3A_327, %dma_wait3A_335, %dma_wait3A_336] : memref<2x64x128xf32, #tpu.memory_space<vmem>> -> memref<1x64x128xf32, #tpu.memory_space<vmem>>
      %dma_wait3A_338 = tpu.memref_squeeze %dma_wait3A_337 : memref<1x64x128xf32, #tpu.memory_space<vmem>> -> memref<64x128xf32, #tpu.memory_space<vmem>>
      %dma_wait3A_339 = arith.constant 0 : i32
      %dma_wait3A_340 = arith.constant 0 : i32
      %dma_wait3A_341 = tpu.memref_slice %arg2[%dma_wait3A_339, %dma_wait3A_340] : memref<10000x128xf32, #tpu.memory_space<hbm>> -> memref<64x128xf32, #tpu.memory_space<hbm>>
      tpu.wait_dma2 semaphore(%arg14 : memref<!tpu.dma_semaphore, #tpu.memory_space<semaphore_mem>>) src(%dma_wait3A_341 : memref<64x128xf32, #tpu.memory_space<hbm>>) dst(%dma_wait3A_338 : memref<64x128xf32, #tpu.memory_space<vmem>>)
      %dma_wait3A_342 = arith.constant 1 : i32
      %dma_wait3A_343 = arith.constant 0 : i32
      %dma_wait3A_344 = arith.constant 0 : i32
      %dma_wait3A_345 = tpu.memref_slice %arg11[%dma_wait3A_342, %dma_wait3A_343, %dma_wait3A_344] : memref<2x64x128xf32, #tpu.memory_space<vmem>> -> memref<1x64x128xf32, #tpu.memory_space<vmem>>
      %dma_wait3A_346 = tpu.memref_squeeze %dma_wait3A_345 : memref<1x64x128xf32, #tpu.memory_space<vmem>> -> memref<64x128xf32, #tpu.memory_space<vmem>>
      %dma_wait3A_347 = arith.constant 0 : i32
      %dma_wait3A_348 = arith.constant 0 : i32
      %dma_wait3A_349 = tpu.memref_slice %arg3[%dma_wait3A_347, %dma_wait3A_348] : memref<327680x128xf32, #tpu.memory_space<hbm>> -> memref<64x128xf32, #tpu.memory_space<hbm>>
      %dma_wait3A_350 = arith.constant 0 : i32
      %dma_wait3A_351 = arith.constant 0 : i32
      %dma_wait3A_352 = tpu.memref_slice %arg11[%dma_wait3A_342, %dma_wait3A_350, %dma_wait3A_351] : memref<2x64x128xf32, #tpu.memory_space<vmem>> -> memref<1x64x128xf32, #tpu.memory_space<vmem>>
      %dma_wait3A_353 = tpu.memref_squeeze %dma_wait3A_352 : memref<1x64x128xf32, #tpu.memory_space<vmem>> -> memref<64x128xf32, #tpu.memory_space<vmem>>
      %dma_wait3A_354 = arith.constant 0 : i32
      %dma_wait3A_355 = arith.constant 0 : i32
      %dma_wait3A_356 = tpu.memref_slice %arg3[%dma_wait3A_354, %dma_wait3A_355] : memref<327680x128xf32, #tpu.memory_space<hbm>> -> memref<64x128xf32, #tpu.memory_space<hbm>>
      tpu.wait_dma2 semaphore(%arg16 : memref<!tpu.dma_semaphore, #tpu.memory_space<semaphore_mem>>) src(%dma_wait3A_356 : memref<64x128xf32, #tpu.memory_space<hbm>>) dst(%dma_wait3A_353 : memref<64x128xf32, #tpu.memory_space<vmem>>)
      %scan3A_357 = arith.constant 0 : i32
      %scan3A_358 = arith.constant 0 : i32
      %scan3A_359 = arith.constant 64 : i32
      %scan3A_360 = arith.addi %scan3A_358, %scan3A_359 : i32
      %scan3A_361 = arith.constant 1 : i32
      scf.for %scan3A_405 = %scan3A_358 to %scan3A_360 step %scan3A_361  : i32 {
        %get3A_406 = arith.constant 1 : i32
        %get3A_407 = arith.index_cast %get3A_406 : i32 to index
        %get3A_408 = arith.index_cast %scan3A_405 : i32 to index
        %get3A_409 = arith.constant 0 : index
        %get3A_410 = tpu.vector_load %arg10[%get3A_407, %get3A_408, %get3A_409] {strides = array<i32>} : memref<2x64x128xf32, #tpu.memory_space<vmem>>, vector<16xf32>,
        %get3A_411 = arith.constant 1 : i32
        %get3A_412 = arith.index_cast %get3A_411 : i32 to index
        %get3A_413 = arith.index_cast %scan3A_405 : i32 to index
        %get3A_414 = arith.constant 0 : index
        %get3A_415 = tpu.vector_load %arg11[%get3A_412, %get3A_413, %get3A_414] {strides = array<i32>} : memref<2x64x128xf32, #tpu.memory_space<vmem>>, vector<16xf32>,
        %mul3A_416 = arith.mulf %get3A_410, %get3A_415 : vector<16xf32>
        %swap3A_417 = arith.constant 1 : i32
        %swap3A_418 = arith.index_cast %swap3A_417 : i32 to index
        %swap3A_419 = arith.index_cast %scan3A_405 : i32 to index
        %swap3A_420 = arith.constant 0 : index
        %swap3A_421 = tpu.vector_load %arg10[%swap3A_418, %swap3A_419, %swap3A_420] {strides = array<i32>} : memref<2x64x128xf32, #tpu.memory_space<vmem>>, vector<16xf32>,
        tpu.vector_store %arg10[%swap3A_418, %swap3A_419, %swap3A_420], %mul3A_416 {strides = array<i32>} : memref<2x64x128xf32, #tpu.memory_space<vmem>>, vector<16xf32>,
        %get3A_422 = arith.constant 1 : i32
        %get3A_423 = arith.index_cast %get3A_422 : i32 to index
        %get3A_424 = arith.index_cast %scan3A_405 : i32 to index
        %get3A_425 = arith.constant 16 : index
        %get3A_426 = tpu.vector_load %arg10[%get3A_423, %get3A_424, %get3A_425] {strides = array<i32>} : memref<2x64x128xf32, #tpu.memory_space<vmem>>, vector<16xf32>,
        %get3A_427 = arith.constant 1 : i32
        %get3A_428 = arith.index_cast %get3A_427 : i32 to index
        %get3A_429 = arith.index_cast %scan3A_405 : i32 to index
        %get3A_430 = arith.constant 16 : index
        %get3A_431 = tpu.vector_load %arg11[%get3A_428, %get3A_429, %get3A_430] {strides = array<i32>} : memref<2x64x128xf32, #tpu.memory_space<vmem>>, vector<16xf32>,
        %mul3A_432 = arith.mulf %get3A_426, %get3A_431 : vector<16xf32>
        %swap3A_433 = arith.constant 1 : i32
        %swap3A_434 = arith.index_cast %swap3A_433 : i32 to index
        %swap3A_435 = arith.index_cast %scan3A_405 : i32 to index
        %swap3A_436 = arith.constant 16 : index
        %swap3A_437 = tpu.vector_load %arg10[%swap3A_434, %swap3A_435, %swap3A_436] {strides = array<i32>} : memref<2x64x128xf32, #tpu.memory_space<vmem>>, vector<16xf32>,
        tpu.vector_store %arg10[%swap3A_434, %swap3A_435, %swap3A_436], %mul3A_432 {strides = array<i32>} : memref<2x64x128xf32, #tpu.memory_space<vmem>>, vector<16xf32>,
        %get3A_438 = arith.constant 1 : i32
        %get3A_439 = arith.index_cast %get3A_438 : i32 to index
        %get3A_440 = arith.index_cast %scan3A_405 : i32 to index
        %get3A_441 = arith.constant 32 : index
        %get3A_442 = tpu.vector_load %arg10[%get3A_439, %get3A_440, %get3A_441] {strides = array<i32>} : memref<2x64x128xf32, #tpu.memory_space<vmem>>, vector<16xf32>,
        %get3A_443 = arith.constant 1 : i32
        %get3A_444 = arith.index_cast %get3A_443 : i32 to index
        %get3A_445 = arith.index_cast %scan3A_405 : i32 to index
        %get3A_446 = arith.constant 32 : index
        %get3A_447 = tpu.vector_load %arg11[%get3A_444, %get3A_445, %get3A_446] {strides = array<i32>} : memref<2x64x128xf32, #tpu.memory_space<vmem>>, vector<16xf32>,
        %mul3A_448 = arith.mulf %get3A_442, %get3A_447 : vector<16xf32>
        %swap3A_449 = arith.constant 1 : i32
        %swap3A_450 = arith.index_cast %swap3A_449 : i32 to index
        %swap3A_451 = arith.index_cast %scan3A_405 : i32 to index
        %swap3A_452 = arith.constant 32 : index
        %swap3A_453 = tpu.vector_load %arg10[%swap3A_450, %swap3A_451, %swap3A_452] {strides = array<i32>} : memref<2x64x128xf32, #tpu.memory_space<vmem>>, vector<16xf32>,
        tpu.vector_store %arg10[%swap3A_450, %swap3A_451, %swap3A_452], %mul3A_448 {strides = array<i32>} : memref<2x64x128xf32, #tpu.memory_space<vmem>>, vector<16xf32>,
        %get3A_454 = arith.constant 1 : i32
        %get3A_455 = arith.index_cast %get3A_454 : i32 to index
        %get3A_456 = arith.index_cast %scan3A_405 : i32 to index
        %get3A_457 = arith.constant 48 : index
        %get3A_458 = tpu.vector_load %arg10[%get3A_455, %get3A_456, %get3A_457] {strides = array<i32>} : memref<2x64x128xf32, #tpu.memory_space<vmem>>, vector<16xf32>,
        %get3A_459 = arith.constant 1 : i32
        %get3A_460 = arith.index_cast %get3A_459 : i32 to index
        %get3A_461 = arith.index_cast %scan3A_405 : i32 to index
        %get3A_462 = arith.constant 48 : index
        %get3A_463 = tpu.vector_load %arg11[%get3A_460, %get3A_461, %get3A_462] {strides = array<i32>} : memref<2x64x128xf32, #tpu.memory_space<vmem>>, vector<16xf32>,
        %mul3A_464 = arith.mulf %get3A_458, %get3A_463 : vector<16xf32>
        %swap3A_465 = arith.constant 1 : i32
        %swap3A_466 = arith.index_cast %swap3A_465 : i32 to index
        %swap3A_467 = arith.index_cast %scan3A_405 : i32 to index
        %swap3A_468 = arith.constant 48 : index
        %swap3A_469 = tpu.vector_load %arg10[%swap3A_466, %swap3A_467, %swap3A_468] {strides = array<i32>} : memref<2x64x128xf32, #tpu.memory_space<vmem>>, vector<16xf32>,
        tpu.vector_store %arg10[%swap3A_466, %swap3A_467, %swap3A_468], %mul3A_464 {strides = array<i32>} : memref<2x64x128xf32, #tpu.memory_space<vmem>>, vector<16xf32>,
        %get3A_470 = arith.constant 1 : i32
        %get3A_471 = arith.index_cast %get3A_470 : i32 to index
        %get3A_472 = arith.index_cast %scan3A_405 : i32 to index
        %get3A_473 = arith.constant 64 : index
        %get3A_474 = tpu.vector_load %arg10[%get3A_471, %get3A_472, %get3A_473] {strides = array<i32>} : memref<2x64x128xf32, #tpu.memory_space<vmem>>, vector<16xf32>,
        %get3A_475 = arith.constant 1 : i32
        %get3A_476 = arith.index_cast %get3A_475 : i32 to index
        %get3A_477 = arith.index_cast %scan3A_405 : i32 to index
        %get3A_478 = arith.constant 64 : index
        %get3A_479 = tpu.vector_load %arg11[%get3A_476, %get3A_477, %get3A_478] {strides = array<i32>} : memref<2x64x128xf32, #tpu.memory_space<vmem>>, vector<16xf32>,
        %mul3A_480 = arith.mulf %get3A_474, %get3A_479 : vector<16xf32>
        %swap3A_481 = arith.constant 1 : i32
        %swap3A_482 = arith.index_cast %swap3A_481 : i32 to index
        %swap3A_483 = arith.index_cast %scan3A_405 : i32 to index
        %swap3A_484 = arith.constant 64 : index
        %swap3A_485 = tpu.vector_load %arg10[%swap3A_482, %swap3A_483, %swap3A_484] {strides = array<i32>} : memref<2x64x128xf32, #tpu.memory_space<vmem>>, vector<16xf32>,
        tpu.vector_store %arg10[%swap3A_482, %swap3A_483, %swap3A_484], %mul3A_480 {strides = array<i32>} : memref<2x64x128xf32, #tpu.memory_space<vmem>>, vector<16xf32>,
        %get3A_486 = arith.constant 1 : i32
        %get3A_487 = arith.index_cast %get3A_486 : i32 to index
        %get3A_488 = arith.index_cast %scan3A_405 : i32 to index
        %get3A_489 = arith.constant 80 : index
        %get3A_490 = tpu.vector_load %arg10[%get3A_487, %get3A_488, %get3A_489] {strides = array<i32>} : memref<2x64x128xf32, #tpu.memory_space<vmem>>, vector<16xf32>,
        %get3A_491 = arith.constant 1 : i32
        %get3A_492 = arith.index_cast %get3A_491 : i32 to index
        %get3A_493 = arith.index_cast %scan3A_405 : i32 to index
        %get3A_494 = arith.constant 80 : index
        %get3A_495 = tpu.vector_load %arg11[%get3A_492, %get3A_493, %get3A_494] {strides = array<i32>} : memref<2x64x128xf32, #tpu.memory_space<vmem>>, vector<16xf32>,
        %mul3A_496 = arith.mulf %get3A_490, %get3A_495 : vector<16xf32>
        %swap3A_497 = arith.constant 1 : i32
        %swap3A_498 = arith.index_cast %swap3A_497 : i32 to index
        %swap3A_499 = arith.index_cast %scan3A_405 : i32 to index
        %swap3A_500 = arith.constant 80 : index
        %swap3A_501 = tpu.vector_load %arg10[%swap3A_498, %swap3A_499, %swap3A_500] {strides = array<i32>} : memref<2x64x128xf32, #tpu.memory_space<vmem>>, vector<16xf32>,
        tpu.vector_store %arg10[%swap3A_498, %swap3A_499, %swap3A_500], %mul3A_496 {strides = array<i32>} : memref<2x64x128xf32, #tpu.memory_space<vmem>>, vector<16xf32>,
        %get3A_502 = arith.constant 1 : i32
        %get3A_503 = arith.index_cast %get3A_502 : i32 to index
        %get3A_504 = arith.index_cast %scan3A_405 : i32 to index
        %get3A_505 = arith.constant 96 : index
        %get3A_506 = tpu.vector_load %arg10[%get3A_503, %get3A_504, %get3A_505] {strides = array<i32>} : memref<2x64x128xf32, #tpu.memory_space<vmem>>, vector<16xf32>,
        %get3A_507 = arith.constant 1 : i32
        %get3A_508 = arith.index_cast %get3A_507 : i32 to index
        %get3A_509 = arith.index_cast %scan3A_405 : i32 to index
        %get3A_510 = arith.constant 96 : index
        %get3A_511 = tpu.vector_load %arg11[%get3A_508, %get3A_509, %get3A_510] {strides = array<i32>} : memref<2x64x128xf32, #tpu.memory_space<vmem>>, vector<16xf32>,
        %mul3A_512 = arith.mulf %get3A_506, %get3A_511 : vector<16xf32>
        %swap3A_513 = arith.constant 1 : i32
        %swap3A_514 = arith.index_cast %swap3A_513 : i32 to index
        %swap3A_515 = arith.index_cast %scan3A_405 : i32 to index
        %swap3A_516 = arith.constant 96 : index
        %swap3A_517 = tpu.vector_load %arg10[%swap3A_514, %swap3A_515, %swap3A_516] {strides = array<i32>} : memref<2x64x128xf32, #tpu.memory_space<vmem>>, vector<16xf32>,
        tpu.vector_store %arg10[%swap3A_514, %swap3A_515, %swap3A_516], %mul3A_512 {strides = array<i32>} : memref<2x64x128xf32, #tpu.memory_space<vmem>>, vector<16xf32>,
        %get3A_518 = arith.constant 1 : i32
        %get3A_519 = arith.index_cast %get3A_518 : i32 to index
        %get3A_520 = arith.index_cast %scan3A_405 : i32 to index
        %get3A_521 = arith.constant 112 : index
        %get3A_522 = tpu.vector_load %arg10[%get3A_519, %get3A_520, %get3A_521] {strides = array<i32>} : memref<2x64x128xf32, #tpu.memory_space<vmem>>, vector<16xf32>,
        %get3A_523 = arith.constant 1 : i32
        %get3A_524 = arith.index_cast %get3A_523 : i32 to index
        %get3A_525 = arith.index_cast %scan3A_405 : i32 to index
        %get3A_526 = arith.constant 112 : index
        %get3A_527 = tpu.vector_load %arg11[%get3A_524, %get3A_525, %get3A_526] {strides = array<i32>} : memref<2x64x128xf32, #tpu.memory_space<vmem>>, vector<16xf32>,
        %mul3A_528 = arith.mulf %get3A_522, %get3A_527 : vector<16xf32>
        %swap3A_529 = arith.constant 1 : i32
        %swap3A_530 = arith.index_cast %swap3A_529 : i32 to index
        %swap3A_531 = arith.index_cast %scan3A_405 : i32 to index
        %swap3A_532 = arith.constant 112 : index
        %swap3A_533 = tpu.vector_load %arg10[%swap3A_530, %swap3A_531, %swap3A_532] {strides = array<i32>} : memref<2x64x128xf32, #tpu.memory_space<vmem>>, vector<16xf32>,
        tpu.vector_store %arg10[%swap3A_530, %swap3A_531, %swap3A_532], %mul3A_528 {strides = array<i32>} : memref<2x64x128xf32, #tpu.memory_space<vmem>>, vector<16xf32>,
      }
      %scan3A_362 = arith.constant 64 : i32
      %add3A_363 = arith.constant 40 : i32
      %add3A_364 = arith.addi %add3A_363, %scan3A_231 : i32
      %get3A_365 = arith.index_cast %add3A_364 : i32 to index
      %get3A_366 = arith.constant 64 : index
      %get3A_367 = tpu.vector_load %arg8[%get3A_365, %get3A_366] {strides = array<i32>} : memref<80x128xi32, #tpu.memory_space<vmem>>, vector<16xi32>,
      %swap3A_368 = arith.constant 1 : i32
      %swap3A_369 = arith.index_cast %swap3A_368 : i32 to index
      %swap3A_370 = arith.constant 0 : index
      %swap3A_371 = tpu.vector_load %arg9[%swap3A_369, %swap3A_370] {strides = array<i32>} : memref<2x64xi32, #tpu.memory_space<vmem>>, vector<16xi32>,
      tpu.vector_store %arg9[%swap3A_369, %swap3A_370], %get3A_367 {strides = array<i32>} : memref<2x64xi32, #tpu.memory_space<vmem>>, vector<16xi32>,
      %get3A_372 = arith.index_cast %add3A_364 : i32 to index
      %get3A_373 = arith.constant 80 : index
      %get3A_374 = tpu.vector_load %arg8[%get3A_372, %get3A_373] {strides = array<i32>} : memref<80x128xi32, #tpu.memory_space<vmem>>, vector<16xi32>,
      %swap3A_375 = arith.constant 1 : i32
      %swap3A_376 = arith.index_cast %swap3A_375 : i32 to index
      %swap3A_377 = arith.constant 16 : index
      %swap3A_378 = tpu.vector_load %arg9[%swap3A_376, %swap3A_377] {strides = array<i32>} : memref<2x64xi32, #tpu.memory_space<vmem>>, vector<16xi32>,
      tpu.vector_store %arg9[%swap3A_376, %swap3A_377], %get3A_374 {strides = array<i32>} : memref<2x64xi32, #tpu.memory_space<vmem>>, vector<16xi32>,
      %get3A_379 = arith.index_cast %add3A_364 : i32 to index
      %get3A_380 = arith.constant 96 : index
      %get3A_381 = tpu.vector_load %arg8[%get3A_379, %get3A_380] {strides = array<i32>} : memref<80x128xi32, #tpu.memory_space<vmem>>, vector<16xi32>,
      %swap3A_382 = arith.constant 1 : i32
      %swap3A_383 = arith.index_cast %swap3A_382 : i32 to index
      %swap3A_384 = arith.constant 32 : index
      %swap3A_385 = tpu.vector_load %arg9[%swap3A_383, %swap3A_384] {strides = array<i32>} : memref<2x64xi32, #tpu.memory_space<vmem>>, vector<16xi32>,
      tpu.vector_store %arg9[%swap3A_383, %swap3A_384], %get3A_381 {strides = array<i32>} : memref<2x64xi32, #tpu.memory_space<vmem>>, vector<16xi32>,
      %get3A_386 = arith.index_cast %add3A_364 : i32 to index
      %get3A_387 = arith.constant 112 : index
      %get3A_388 = tpu.vector_load %arg8[%get3A_386, %get3A_387] {strides = array<i32>} : memref<80x128xi32, #tpu.memory_space<vmem>>, vector<16xi32>,
      %swap3A_389 = arith.constant 1 : i32
      %swap3A_390 = arith.index_cast %swap3A_389 : i32 to index
      %swap3A_391 = arith.constant 48 : index
      %swap3A_392 = tpu.vector_load %arg9[%swap3A_390, %swap3A_391] {strides = array<i32>} : memref<2x64xi32, #tpu.memory_space<vmem>>, vector<16xi32>,
      tpu.vector_store %arg9[%swap3A_390, %swap3A_391], %get3A_388 {strides = array<i32>} : memref<2x64xi32, #tpu.memory_space<vmem>>, vector<16xi32>,
      %dma_start3A_393 = arith.constant 1 : i32
      %dma_start3A_394 = arith.constant 1 : i32
      %dma_start3A_395 = arith.constant 0 : i32
      %dma_start3A_396 = arith.constant 0 : i32
      %dma_start3A_397 = tpu.memref_slice %arg10[%dma_start3A_393, %dma_start3A_395, %dma_start3A_396] : memref<2x64x128xf32, #tpu.memory_space<vmem>> -> memref<1x64x128xf32, #tpu.memory_space<vmem>>
      %dma_start3A_398 = tpu.memref_squeeze %dma_start3A_397 : memref<1x64x128xf32, #tpu.memory_space<vmem>> -> memref<64x128xf32, #tpu.memory_space<vmem>>
      %dma_start3A_399 = arith.constant 0 : i32
      %dma_start3A_400 = tpu.memref_slice %arg9[%dma_start3A_394, %dma_start3A_399] : memref<2x64xi32, #tpu.memory_space<vmem>> -> memref<1x64xi32, #tpu.memory_space<vmem>>
      %dma_start3A_401 = tpu.memref_squeeze %dma_start3A_400 : memref<1x64xi32, #tpu.memory_space<vmem>> -> memref<64xi32, #tpu.memory_space<vmem>>
      %dma_start3A_402 = arith.constant 0 : i32
      %dma_start3A_403 = arith.constant 0 : i32
      %dma_start3A_404 = tpu.memref_slice %arg12[%dma_start3A_402, %dma_start3A_403] : memref<10240x128xf32, #tpu.memory_space<vmem_shared>> -> memref<10240x128xf32, #tpu.memory_space<vmem_shared>>
      tpu.enqueue_indirect_dma source(%dma_start3A_398 : memref<64x128xf32, #tpu.memory_space<vmem>>) target(%dma_start3A_404 : memref<10240x128xf32, #tpu.memory_space<vmem_shared>>) offsets(%dma_start3A_401 : memref<64xi32, #tpu.memory_space<vmem>>) semaphore(%arg18 : memref<!tpu.dma_semaphore, #tpu.memory_space<semaphore_mem>>) {add = true}
    }
    %scan3A_165 = arith.constant 40 : i32
    %dma_wait3A_166 = arith.constant 0 : i32
    %dma_wait3A_167 = arith.constant 0 : i32
    %dma_wait3A_168 = arith.constant 0 : i32
    %dma_wait3A_169 = arith.constant 0 : i32
    %dma_wait3A_170 = tpu.memref_slice %arg10[%dma_wait3A_166, %dma_wait3A_168, %dma_wait3A_169] : memref<2x64x128xf32, #tpu.memory_space<vmem>> -> memref<1x64x128xf32, #tpu.memory_space<vmem>>
    %dma_wait3A_171 = tpu.memref_squeeze %dma_wait3A_170 : memref<1x64x128xf32, #tpu.memory_space<vmem>> -> memref<64x128xf32, #tpu.memory_space<vmem>>
    %dma_wait3A_172 = arith.constant 0 : i32
    %dma_wait3A_173 = tpu.memref_slice %arg9[%dma_wait3A_167, %dma_wait3A_172] : memref<2x64xi32, #tpu.memory_space<vmem>> -> memref<1x64xi32, #tpu.memory_space<vmem>>
    %dma_wait3A_174 = tpu.memref_squeeze %dma_wait3A_173 : memref<1x64xi32, #tpu.memory_space<vmem>> -> memref<64xi32, #tpu.memory_space<vmem>>
    %dma_wait3A_175 = arith.constant 0 : i32
    %dma_wait3A_176 = arith.constant 0 : i32
    %dma_wait3A_177 = tpu.memref_slice %arg12[%dma_wait3A_175, %dma_wait3A_176] : memref<10240x128xf32, #tpu.memory_space<vmem_shared>> -> memref<10240x128xf32, #tpu.memory_space<vmem_shared>>
    tpu.wait_indirect_dma semaphore(%arg17 : memref<!tpu.dma_semaphore, #tpu.memory_space<semaphore_mem>>) src(%dma_wait3A_171 : memref<64x128xf32, #tpu.memory_space<vmem>>) dst(%dma_wait3A_177 : memref<10240x128xf32, #tpu.memory_space<vmem_shared>>)
    %dma_wait3A_178 = arith.constant 1 : i32
    %dma_wait3A_179 = arith.constant 0 : i32
    %dma_wait3A_180 = arith.constant 0 : i32
    %dma_wait3A_181 = arith.constant 0 : i32
    %dma_wait3A_182 = tpu.memref_slice %arg10[%dma_wait3A_178, %dma_wait3A_180, %dma_wait3A_181] : memref<2x64x128xf32, #tpu.memory_space<vmem>> -> memref<1x64x128xf32, #tpu.memory_space<vmem>>
    %dma_wait3A_183 = tpu.memref_squeeze %dma_wait3A_182 : memref<1x64x128xf32, #tpu.memory_space<vmem>> -> memref<64x128xf32, #tpu.memory_space<vmem>>
    %dma_wait3A_184 = arith.constant 0 : i32
    %dma_wait3A_185 = tpu.memref_slice %arg9[%dma_wait3A_179, %dma_wait3A_184] : memref<2x64xi32, #tpu.memory_space<vmem>> -> memref<1x64xi32, #tpu.memory_space<vmem>>
    %dma_wait3A_186 = tpu.memref_squeeze %dma_wait3A_185 : memref<1x64xi32, #tpu.memory_space<vmem>> -> memref<64xi32, #tpu.memory_space<vmem>>
    %dma_wait3A_187 = arith.constant 0 : i32
    %dma_wait3A_188 = arith.constant 0 : i32
    %dma_wait3A_189 = tpu.memref_slice %arg12[%dma_wait3A_187, %dma_wait3A_188] : memref<10240x128xf32, #tpu.memory_space<vmem_shared>> -> memref<10240x128xf32, #tpu.memory_space<vmem_shared>>
    tpu.wait_indirect_dma semaphore(%arg18 : memref<!tpu.dma_semaphore, #tpu.memory_space<semaphore_mem>>) src(%dma_wait3A_183 : memref<64x128xf32, #tpu.memory_space<vmem>>) dst(%dma_wait3A_189 : memref<10240x128xf32, #tpu.memory_space<vmem_shared>>)
    %barrier3A_190 = arith.constant 0 : index
    tpu.barrier barrier_id(%barrier3A_190)
    %mul3A_191 = arith.constant 640 : i32
    %mul3A_192 = arith.muli %arg1, %mul3A_191 : i32
    %add3A_193 = arith.constant 0 : i32
    %add3A_194 = arith.addi %mul3A_192, %add3A_193 : i32
    "tpu.region"() ({
      %run_scoped3A_231 = tpu.sem_alloc : memref<!tpu.dma_semaphore, #tpu.memory_space<semaphore_mem>>
      %dma_start3A_232 = arith.constant 0 : i32
      %dma_start3A_233 = tpu.memref_slice %arg6[%arg0, %add3A_194, %dma_start3A_232] : memref<2x10240x128xf32, #tpu.memory_space<hbm>> -> memref<1x64x128xf32, #tpu.memory_space<hbm>>
      %dma_start3A_234 = tpu.memref_squeeze %dma_start3A_233 : memref<1x64x128xf32, #tpu.memory_space<hbm>> -> memref<64x128xf32, #tpu.memory_space<hbm>>
      %dma_start3A_235 = arith.constant 0 : i32
      %dma_start3A_236 = tpu.memref_slice %arg12[%add3A_194, %dma_start3A_235] : memref<10240x128xf32, #tpu.memory_space<vmem_shared>> -> memref<64x128xf32, #tpu.memory_space<vmem_shared>>
      tpu.enqueue_dma source(%dma_start3A_236 : memref<64x128xf32, #tpu.memory_space<vmem_shared>>) target(%dma_start3A_234 : memref<64x128xf32, #tpu.memory_space<hbm>>) target_semaphore(%run_scoped3A_231 : memref<!tpu.dma_semaphore, #tpu.memory_space<semaphore_mem>>)
      %dma_wait3A_237 = arith.constant 0 : i32
      %dma_wait3A_238 = tpu.memref_slice %arg6[%arg0, %add3A_194, %dma_wait3A_237] : memref<2x10240x128xf32, #tpu.memory_space<hbm>> -> memref<1x64x128xf32, #tpu.memory_space<hbm>>
      %dma_wait3A_239 = tpu.memref_squeeze %dma_wait3A_238 : memref<1x64x128xf32, #tpu.memory_space<hbm>> -> memref<64x128xf32, #tpu.memory_space<hbm>>
      %dma_wait3A_240 = arith.constant 0 : i32
      %dma_wait3A_241 = tpu.memref_slice %arg12[%add3A_194, %dma_wait3A_240] : memref<10240x128xf32, #tpu.memory_space<vmem_shared>> -> memref<64x128xf32, #tpu.memory_space<vmem_shared>>
      tpu.wait_dma2 semaphore(%run_scoped3A_231 : memref<!tpu.dma_semaphore, #tpu.memory_space<semaphore_mem>>) src(%dma_wait3A_241 : memref<64x128xf32, #tpu.memory_space<vmem_shared>>) dst(%dma_wait3A_239 : memref<64x128xf32, #tpu.memory_space<hbm>>)
      tpu.yield
    }) : () -> ()
    %mul3A_195 = arith.constant 640 : i32
    %mul3A_196 = arith.muli %arg1, %mul3A_195 : i32
    %add3A_197 = arith.constant 64 : i32
    %add3A_198 = arith.addi %mul3A_196, %add3A_197 : i32
    "tpu.region"() ({
      %run_scoped3A_231 = tpu.sem_alloc : memref<!tpu.dma_semaphore, #tpu.memory_space<semaphore_mem>>
      %dma_start3A_232 = arith.constant 0 : i32
      %dma_start3A_233 = tpu.memref_slice %arg6[%arg0, %add3A_198, %dma_start3A_232] : memref<2x10240x128xf32, #tpu.memory_space<hbm>> -> memref<1x64x128xf32, #tpu.memory_space<hbm>>
      %dma_start3A_234 = tpu.memref_squeeze %dma_start3A_233 : memref<1x64x128xf32, #tpu.memory_space<hbm>> -> memref<64x128xf32, #tpu.memory_space<hbm>>
      %dma_start3A_235 = arith.constant 0 : i32
      %dma_start3A_236 = tpu.memref_slice %arg12[%add3A_198, %dma_start3A_235] : memref<10240x128xf32, #tpu.memory_space<vmem_shared>> -> memref<64x128xf32, #tpu.memory_space<vmem_shared>>
      tpu.enqueue_dma source(%dma_start3A_236 : memref<64x128xf32, #tpu.memory_space<vmem_shared>>) target(%dma_start3A_234 : memref<64x128xf32, #tpu.memory_space<hbm>>) target_semaphore(%run_scoped3A_231 : memref<!tpu.dma_semaphore, #tpu.memory_space<semaphore_mem>>)
      %dma_wait3A_237 = arith.constant 0 : i32
      %dma_wait3A_238 = tpu.memref_slice %arg6[%arg0, %add3A_198, %dma_wait3A_237] : memref<2x10240x128xf32, #tpu.memory_space<hbm>> -> memref<1x64x128xf32, #tpu.memory_space<hbm>>
      %dma_wait3A_239 = tpu.memref_squeeze %dma_wait3A_238 : memref<1x64x128xf32, #tpu.memory_space<hbm>> -> memref<64x128xf32, #tpu.memory_space<hbm>>
      %dma_wait3A_240 = arith.constant 0 : i32
      %dma_wait3A_241 = tpu.memref_slice %arg12[%add3A_198, %dma_wait3A_240] : memref<10240x128xf32, #tpu.memory_space<vmem_shared>> -> memref<64x128xf32, #tpu.memory_space<vmem_shared>>
      tpu.wait_dma2 semaphore(%run_scoped3A_231 : memref<!tpu.dma_semaphore, #tpu.memory_space<semaphore_mem>>) src(%dma_wait3A_241 : memref<64x128xf32, #tpu.memory_space<vmem_shared>>) dst(%dma_wait3A_239 : memref<64x128xf32, #tpu.memory_space<hbm>>)
      tpu.yield
    }) : () -> ()
    %mul3A_199 = arith.constant 640 : i32
    %mul3A_200 = arith.muli %arg1, %mul3A_199 : i32
    %add3A_201 = arith.constant 128 : i32
    %add3A_202 = arith.addi %mul3A_200, %add3A_201 : i32
    "tpu.region"() ({
      %run_scoped3A_231 = tpu.sem_alloc : memref<!tpu.dma_semaphore, #tpu.memory_space<semaphore_mem>>
      %dma_start3A_232 = arith.constant 0 : i32
      %dma_start3A_233 = tpu.memref_slice %arg6[%arg0, %add3A_202, %dma_start3A_232] : memref<2x10240x128xf32, #tpu.memory_space<hbm>> -> memref<1x64x128xf32, #tpu.memory_space<hbm>>
      %dma_start3A_234 = tpu.memref_squeeze %dma_start3A_233 : memref<1x64x128xf32, #tpu.memory_space<hbm>> -> memref<64x128xf32, #tpu.memory_space<hbm>>
      %dma_start3A_235 = arith.constant 0 : i32
      %dma_start3A_236 = tpu.memref_slice %arg12[%add3A_202, %dma_start3A_235] : memref<10240x128xf32, #tpu.memory_space<vmem_shared>> -> memref<64x128xf32, #tpu.memory_space<vmem_shared>>
      tpu.enqueue_dma source(%dma_start3A_236 : memref<64x128xf32, #tpu.memory_space<vmem_shared>>) target(%dma_start3A_234 : memref<64x128xf32, #tpu.memory_space<hbm>>) target_semaphore(%run_scoped3A_231 : memref<!tpu.dma_semaphore, #tpu.memory_space<semaphore_mem>>)
      %dma_wait3A_237 = arith.constant 0 : i32
      %dma_wait3A_238 = tpu.memref_slice %arg6[%arg0, %add3A_202, %dma_wait3A_237] : memref<2x10240x128xf32, #tpu.memory_space<hbm>> -> memref<1x64x128xf32, #tpu.memory_space<hbm>>
      %dma_wait3A_239 = tpu.memref_squeeze %dma_wait3A_238 : memref<1x64x128xf32, #tpu.memory_space<hbm>> -> memref<64x128xf32, #tpu.memory_space<hbm>>
      %dma_wait3A_240 = arith.constant 0 : i32
      %dma_wait3A_241 = tpu.memref_slice %arg12[%add3A_202, %dma_wait3A_240] : memref<10240x128xf32, #tpu.memory_space<vmem_shared>> -> memref<64x128xf32, #tpu.memory_space<vmem_shared>>
      tpu.wait_dma2 semaphore(%run_scoped3A_231 : memref<!tpu.dma_semaphore, #tpu.memory_space<semaphore_mem>>) src(%dma_wait3A_241 : memref<64x128xf32, #tpu.memory_space<vmem_shared>>) dst(%dma_wait3A_239 : memref<64x128xf32, #tpu.memory_space<hbm>>)
      tpu.yield
    }) : () -> ()
    %mul3A_203 = arith.constant 640 : i32
    %mul3A_204 = arith.muli %arg1, %mul3A_203 : i32
    %add3A_205 = arith.constant 192 : i32
    %add3A_206 = arith.addi %mul3A_204, %add3A_205 : i32
    "tpu.region"() ({
      %run_scoped3A_231 = tpu.sem_alloc : memref<!tpu.dma_semaphore, #tpu.memory_space<semaphore_mem>>
      %dma_start3A_232 = arith.constant 0 : i32
      %dma_start3A_233 = tpu.memref_slice %arg6[%arg0, %add3A_206, %dma_start3A_232] : memref<2x10240x128xf32, #tpu.memory_space<hbm>> -> memref<1x64x128xf32, #tpu.memory_space<hbm>>
      %dma_start3A_234 = tpu.memref_squeeze %dma_start3A_233 : memref<1x64x128xf32, #tpu.memory_space<hbm>> -> memref<64x128xf32, #tpu.memory_space<hbm>>
      %dma_start3A_235 = arith.constant 0 : i32
      %dma_start3A_236 = tpu.memref_slice %arg12[%add3A_206, %dma_start3A_235] : memref<10240x128xf32, #tpu.memory_space<vmem_shared>> -> memref<64x128xf32, #tpu.memory_space<vmem_shared>>
      tpu.enqueue_dma source(%dma_start3A_236 : memref<64x128xf32, #tpu.memory_space<vmem_shared>>) target(%dma_start3A_234 : memref<64x128xf32, #tpu.memory_space<hbm>>) target_semaphore(%run_scoped3A_231 : memref<!tpu.dma_semaphore, #tpu.memory_space<semaphore_mem>>)
      %dma_wait3A_237 = arith.constant 0 : i32
      %dma_wait3A_238 = tpu.memref_slice %arg6[%arg0, %add3A_206, %dma_wait3A_237] : memref<2x10240x128xf32, #tpu.memory_space<hbm>> -> memref<1x64x128xf32, #tpu.memory_space<hbm>>
      %dma_wait3A_239 = tpu.memref_squeeze %dma_wait3A_238 : memref<1x64x128xf32, #tpu.memory_space<hbm>> -> memref<64x128xf32, #tpu.memory_space<hbm>>
      %dma_wait3A_240 = arith.constant 0 : i32
      %dma_wait3A_241 = tpu.memref_slice %arg12[%add3A_206, %dma_wait3A_240] : memref<10240x128xf32, #tpu.memory_space<vmem_shared>> -> memref<64x128xf32, #tpu.memory_space<vmem_shared>>
      tpu.wait_dma2 semaphore(%run_scoped3A_231 : memref<!tpu.dma_semaphore, #tpu.memory_space<semaphore_mem>>) src(%dma_wait3A_241 : memref<64x128xf32, #tpu.memory_space<vmem_shared>>) dst(%dma_wait3A_239 : memref<64x128xf32, #tpu.memory_space<hbm>>)
      tpu.yield
    }) : () -> ()
    %mul3A_207 = arith.constant 640 : i32
    %mul3A_208 = arith.muli %arg1, %mul3A_207 : i32
    %add3A_209 = arith.constant 256 : i32
    %add3A_210 = arith.addi %mul3A_208, %add3A_209 : i32
    "tpu.region"() ({
      %run_scoped3A_231 = tpu.sem_alloc : memref<!tpu.dma_semaphore, #tpu.memory_space<semaphore_mem>>
      %dma_start3A_232 = arith.constant 0 : i32
      %dma_start3A_233 = tpu.memref_slice %arg6[%arg0, %add3A_210, %dma_start3A_232] : memref<2x10240x128xf32, #tpu.memory_space<hbm>> -> memref<1x64x128xf32, #tpu.memory_space<hbm>>
      %dma_start3A_234 = tpu.memref_squeeze %dma_start3A_233 : memref<1x64x128xf32, #tpu.memory_space<hbm>> -> memref<64x128xf32, #tpu.memory_space<hbm>>
      %dma_start3A_235 = arith.constant 0 : i32
      %dma_start3A_236 = tpu.memref_slice %arg12[%add3A_210, %dma_start3A_235] : memref<10240x128xf32, #tpu.memory_space<vmem_shared>> -> memref<64x128xf32, #tpu.memory_space<vmem_shared>>
      tpu.enqueue_dma source(%dma_start3A_236 : memref<64x128xf32, #tpu.memory_space<vmem_shared>>) target(%dma_start3A_234 : memref<64x128xf32, #tpu.memory_space<hbm>>) target_semaphore(%run_scoped3A_231 : memref<!tpu.dma_semaphore, #tpu.memory_space<semaphore_mem>>)
      %dma_wait3A_237 = arith.constant 0 : i32
      %dma_wait3A_238 = tpu.memref_slice %arg6[%arg0, %add3A_210, %dma_wait3A_237] : memref<2x10240x128xf32, #tpu.memory_space<hbm>> -> memref<1x64x128xf32, #tpu.memory_space<hbm>>
      %dma_wait3A_239 = tpu.memref_squeeze %dma_wait3A_238 : memref<1x64x128xf32, #tpu.memory_space<hbm>> -> memref<64x128xf32, #tpu.memory_space<hbm>>
      %dma_wait3A_240 = arith.constant 0 : i32
      %dma_wait3A_241 = tpu.memref_slice %arg12[%add3A_210, %dma_wait3A_240] : memref<10240x128xf32, #tpu.memory_space<vmem_shared>> -> memref<64x128xf32, #tpu.memory_space<vmem_shared>>
      tpu.wait_dma2 semaphore(%run_scoped3A_231 : memref<!tpu.dma_semaphore, #tpu.memory_space<semaphore_mem>>) src(%dma_wait3A_241 : memref<64x128xf32, #tpu.memory_space<vmem_shared>>) dst(%dma_wait3A_239 : memref<64x128xf32, #tpu.memory_space<hbm>>)
      tpu.yield
    }) : () -> ()
    %mul3A_211 = arith.constant 640 : i32
    %mul3A_212 = arith.muli %arg1, %mul3A_211 : i32
    %add3A_213 = arith.constant 320 : i32
    %add3A_214 = arith.addi %mul3A_212, %add3A_213 : i32
    "tpu.region"() ({
      %run_scoped3A_231 = tpu.sem_alloc : memref<!tpu.dma_semaphore, #tpu.memory_space<semaphore_mem>>
      %dma_start3A_232 = arith.constant 0 : i32
      %dma_start3A_233 = tpu.memref_slice %arg6[%arg0, %add3A_214, %dma_start3A_232] : memref<2x10240x128xf32, #tpu.memory_space<hbm>> -> memref<1x64x128xf32, #tpu.memory_space<hbm>>
      %dma_start3A_234 = tpu.memref_squeeze %dma_start3A_233 : memref<1x64x128xf32, #tpu.memory_space<hbm>> -> memref<64x128xf32, #tpu.memory_space<hbm>>
      %dma_start3A_235 = arith.constant 0 : i32
      %dma_start3A_236 = tpu.memref_slice %arg12[%add3A_214, %dma_start3A_235] : memref<10240x128xf32, #tpu.memory_space<vmem_shared>> -> memref<64x128xf32, #tpu.memory_space<vmem_shared>>
      tpu.enqueue_dma source(%dma_start3A_236 : memref<64x128xf32, #tpu.memory_space<vmem_shared>>) target(%dma_start3A_234 : memref<64x128xf32, #tpu.memory_space<hbm>>) target_semaphore(%run_scoped3A_231 : memref<!tpu.dma_semaphore, #tpu.memory_space<semaphore_mem>>)
      %dma_wait3A_237 = arith.constant 0 : i32
      %dma_wait3A_238 = tpu.memref_slice %arg6[%arg0, %add3A_214, %dma_wait3A_237] : memref<2x10240x128xf32, #tpu.memory_space<hbm>> -> memref<1x64x128xf32, #tpu.memory_space<hbm>>
      %dma_wait3A_239 = tpu.memref_squeeze %dma_wait3A_238 : memref<1x64x128xf32, #tpu.memory_space<hbm>> -> memref<64x128xf32, #tpu.memory_space<hbm>>
      %dma_wait3A_240 = arith.constant 0 : i32
      %dma_wait3A_241 = tpu.memref_slice %arg12[%add3A_214, %dma_wait3A_240] : memref<10240x128xf32, #tpu.memory_space<vmem_shared>> -> memref<64x128xf32, #tpu.memory_space<vmem_shared>>
      tpu.wait_dma2 semaphore(%run_scoped3A_231 : memref<!tpu.dma_semaphore, #tpu.memory_space<semaphore_mem>>) src(%dma_wait3A_241 : memref<64x128xf32, #tpu.memory_space<vmem_shared>>) dst(%dma_wait3A_239 : memref<64x128xf32, #tpu.memory_space<hbm>>)
      tpu.yield
    }) : () -> ()
    %mul3A_215 = arith.constant 640 : i32
    %mul3A_216 = arith.muli %arg1, %mul3A_215 : i32
    %add3A_217 = arith.constant 384 : i32
    %add3A_218 = arith.addi %mul3A_216, %add3A_217 : i32
    "tpu.region"() ({
      %run_scoped3A_231 = tpu.sem_alloc : memref<!tpu.dma_semaphore, #tpu.memory_space<semaphore_mem>>
      %dma_start3A_232 = arith.constant 0 : i32
      %dma_start3A_233 = tpu.memref_slice %arg6[%arg0, %add3A_218, %dma_start3A_232] : memref<2x10240x128xf32, #tpu.memory_space<hbm>> -> memref<1x64x128xf32, #tpu.memory_space<hbm>>
      %dma_start3A_234 = tpu.memref_squeeze %dma_start3A_233 : memref<1x64x128xf32, #tpu.memory_space<hbm>> -> memref<64x128xf32, #tpu.memory_space<hbm>>
      %dma_start3A_235 = arith.constant 0 : i32
      %dma_start3A_236 = tpu.memref_slice %arg12[%add3A_218, %dma_start3A_235] : memref<10240x128xf32, #tpu.memory_space<vmem_shared>> -> memref<64x128xf32, #tpu.memory_space<vmem_shared>>
      tpu.enqueue_dma source(%dma_start3A_236 : memref<64x128xf32, #tpu.memory_space<vmem_shared>>) target(%dma_start3A_234 : memref<64x128xf32, #tpu.memory_space<hbm>>) target_semaphore(%run_scoped3A_231 : memref<!tpu.dma_semaphore, #tpu.memory_space<semaphore_mem>>)
      %dma_wait3A_237 = arith.constant 0 : i32
      %dma_wait3A_238 = tpu.memref_slice %arg6[%arg0, %add3A_218, %dma_wait3A_237] : memref<2x10240x128xf32, #tpu.memory_space<hbm>> -> memref<1x64x128xf32, #tpu.memory_space<hbm>>
      %dma_wait3A_239 = tpu.memref_squeeze %dma_wait3A_238 : memref<1x64x128xf32, #tpu.memory_space<hbm>> -> memref<64x128xf32, #tpu.memory_space<hbm>>
      %dma_wait3A_240 = arith.constant 0 : i32
      %dma_wait3A_241 = tpu.memref_slice %arg12[%add3A_218, %dma_wait3A_240] : memref<10240x128xf32, #tpu.memory_space<vmem_shared>> -> memref<64x128xf32, #tpu.memory_space<vmem_shared>>
      tpu.wait_dma2 semaphore(%run_scoped3A_231 : memref<!tpu.dma_semaphore, #tpu.memory_space<semaphore_mem>>) src(%dma_wait3A_241 : memref<64x128xf32, #tpu.memory_space<vmem_shared>>) dst(%dma_wait3A_239 : memref<64x128xf32, #tpu.memory_space<hbm>>)
      tpu.yield
    }) : () -> ()
    %mul3A_219 = arith.constant 640 : i32
    %mul3A_220 = arith.muli %arg1, %mul3A_219 : i32
    %add3A_221 = arith.constant 448 : i32
    %add3A_222 = arith.addi %mul3A_220, %add3A_221 : i32
    "tpu.region"() ({
      %run_scoped3A_231 = tpu.sem_alloc : memref<!tpu.dma_semaphore, #tpu.memory_space<semaphore_mem>>
      %dma_start3A_232 = arith.constant 0 : i32
      %dma_start3A_233 = tpu.memref_slice %arg6[%arg0, %add3A_222, %dma_start3A_232] : memref<2x10240x128xf32, #tpu.memory_space<hbm>> -> memref<1x64x128xf32, #tpu.memory_space<hbm>>
      %dma_start3A_234 = tpu.memref_squeeze %dma_start3A_233 : memref<1x64x128xf32, #tpu.memory_space<hbm>> -> memref<64x128xf32, #tpu.memory_space<hbm>>
      %dma_start3A_235 = arith.constant 0 : i32
      %dma_start3A_236 = tpu.memref_slice %arg12[%add3A_222, %dma_start3A_235] : memref<10240x128xf32, #tpu.memory_space<vmem_shared>> -> memref<64x128xf32, #tpu.memory_space<vmem_shared>>
      tpu.enqueue_dma source(%dma_start3A_236 : memref<64x128xf32, #tpu.memory_space<vmem_shared>>) target(%dma_start3A_234 : memref<64x128xf32, #tpu.memory_space<hbm>>) target_semaphore(%run_scoped3A_231 : memref<!tpu.dma_semaphore, #tpu.memory_space<semaphore_mem>>)
      %dma_wait3A_237 = arith.constant 0 : i32
      %dma_wait3A_238 = tpu.memref_slice %arg6[%arg0, %add3A_222, %dma_wait3A_237] : memref<2x10240x128xf32, #tpu.memory_space<hbm>> -> memref<1x64x128xf32, #tpu.memory_space<hbm>>
      %dma_wait3A_239 = tpu.memref_squeeze %dma_wait3A_238 : memref<1x64x128xf32, #tpu.memory_space<hbm>> -> memref<64x128xf32, #tpu.memory_space<hbm>>
      %dma_wait3A_240 = arith.constant 0 : i32
      %dma_wait3A_241 = tpu.memref_slice %arg12[%add3A_222, %dma_wait3A_240] : memref<10240x128xf32, #tpu.memory_space<vmem_shared>> -> memref<64x128xf32, #tpu.memory_space<vmem_shared>>
      tpu.wait_dma2 semaphore(%run_scoped3A_231 : memref<!tpu.dma_semaphore, #tpu.memory_space<semaphore_mem>>) src(%dma_wait3A_241 : memref<64x128xf32, #tpu.memory_space<vmem_shared>>) dst(%dma_wait3A_239 : memref<64x128xf32, #tpu.memory_space<hbm>>)
      tpu.yield
    }) : () -> ()
    %mul3A_223 = arith.constant 640 : i32
    %mul3A_224 = arith.muli %arg1, %mul3A_223 : i32
    %add3A_225 = arith.constant 512 : i32
    %add3A_226 = arith.addi %mul3A_224, %add3A_225 : i32
    "tpu.region"() ({
      %run_scoped3A_231 = tpu.sem_alloc : memref<!tpu.dma_semaphore, #tpu.memory_space<semaphore_mem>>
      %dma_start3A_232 = arith.constant 0 : i32
      %dma_start3A_233 = tpu.memref_slice %arg6[%arg0, %add3A_226, %dma_start3A_232] : memref<2x10240x128xf32, #tpu.memory_space<hbm>> -> memref<1x64x128xf32, #tpu.memory_space<hbm>>
      %dma_start3A_234 = tpu.memref_squeeze %dma_start3A_233 : memref<1x64x128xf32, #tpu.memory_space<hbm>> -> memref<64x128xf32, #tpu.memory_space<hbm>>
      %dma_start3A_235 = arith.constant 0 : i32
      %dma_start3A_236 = tpu.memref_slice %arg12[%add3A_226, %dma_start3A_235] : memref<10240x128xf32, #tpu.memory_space<vmem_shared>> -> memref<64x128xf32, #tpu.memory_space<vmem_shared>>
      tpu.enqueue_dma source(%dma_start3A_236 : memref<64x128xf32, #tpu.memory_space<vmem_shared>>) target(%dma_start3A_234 : memref<64x128xf32, #tpu.memory_space<hbm>>) target_semaphore(%run_scoped3A_231 : memref<!tpu.dma_semaphore, #tpu.memory_space<semaphore_mem>>)
      %dma_wait3A_237 = arith.constant 0 : i32
      %dma_wait3A_238 = tpu.memref_slice %arg6[%arg0, %add3A_226, %dma_wait3A_237] : memref<2x10240x128xf32, #tpu.memory_space<hbm>> -> memref<1x64x128xf32, #tpu.memory_space<hbm>>
      %dma_wait3A_239 = tpu.memref_squeeze %dma_wait3A_238 : memref<1x64x128xf32, #tpu.memory_space<hbm>> -> memref<64x128xf32, #tpu.memory_space<hbm>>
      %dma_wait3A_240 = arith.constant 0 : i32
      %dma_wait3A_241 = tpu.memref_slice %arg12[%add3A_226, %dma_wait3A_240] : memref<10240x128xf32, #tpu.memory_space<vmem_shared>> -> memref<64x128xf32, #tpu.memory_space<vmem_shared>>
      tpu.wait_dma2 semaphore(%run_scoped3A_231 : memref<!tpu.dma_semaphore, #tpu.memory_space<semaphore_mem>>) src(%dma_wait3A_241 : memref<64x128xf32, #tpu.memory_space<vmem_shared>>) dst(%dma_wait3A_239 : memref<64x128xf32, #tpu.memory_space<hbm>>)
      tpu.yield
    }) : () -> ()
    %mul3A_227 = arith.constant 640 : i32
    %mul3A_228 = arith.muli %arg1, %mul3A_227 : i32
    %add3A_229 = arith.constant 576 : i32
    %add3A_230 = arith.addi %mul3A_228, %add3A_229 : i32
    "tpu.region"() ({
      %run_scoped3A_231 = tpu.sem_alloc : memref<!tpu.dma_semaphore, #tpu.memory_space<semaphore_mem>>
      %dma_start3A_232 = arith.constant 0 : i32
      %dma_start3A_233 = tpu.memref_slice %arg6[%arg0, %add3A_230, %dma_start3A_232] : memref<2x10240x128xf32, #tpu.memory_space<hbm>> -> memref<1x64x128xf32, #tpu.memory_space<hbm>>
      %dma_start3A_234 = tpu.memref_squeeze %dma_start3A_233 : memref<1x64x128xf32, #tpu.memory_space<hbm>> -> memref<64x128xf32, #tpu.memory_space<hbm>>
      %dma_start3A_235 = arith.constant 0 : i32
      %dma_start3A_236 = tpu.memref_slice %arg12[%add3A_230, %dma_start3A_235] : memref<10240x128xf32, #tpu.memory_space<vmem_shared>> -> memref<64x128xf32, #tpu.memory_space<vmem_shared>>
      tpu.enqueue_dma source(%dma_start3A_236 : memref<64x128xf32, #tpu.memory_space<vmem_shared>>) target(%dma_start3A_234 : memref<64x128xf32, #tpu.memory_space<hbm>>) target_semaphore(%run_scoped3A_231 : memref<!tpu.dma_semaphore, #tpu.memory_space<semaphore_mem>>)
      %dma_wait3A_237 = arith.constant 0 : i32
      %dma_wait3A_238 = tpu.memref_slice %arg6[%arg0, %add3A_230, %dma_wait3A_237] : memref<2x10240x128xf32, #tpu.memory_space<hbm>> -> memref<1x64x128xf32, #tpu.memory_space<hbm>>
      %dma_wait3A_239 = tpu.memref_squeeze %dma_wait3A_238 : memref<1x64x128xf32, #tpu.memory_space<hbm>> -> memref<64x128xf32, #tpu.memory_space<hbm>>
      %dma_wait3A_240 = arith.constant 0 : i32
      %dma_wait3A_241 = tpu.memref_slice %arg12[%add3A_230, %dma_wait3A_240] : memref<10240x128xf32, #tpu.memory_space<vmem_shared>> -> memref<64x128xf32, #tpu.memory_space<vmem_shared>>
      tpu.wait_dma2 semaphore(%run_scoped3A_231 : memref<!tpu.dma_semaphore, #tpu.memory_space<semaphore_mem>>) src(%dma_wait3A_241 : memref<64x128xf32, #tpu.memory_space<vmem_shared>>) dst(%dma_wait3A_239 : memref<64x128xf32, #tpu.memory_space<hbm>>)
      tpu.yield
    }) : () -> ()
    return
  }
}

module attributes {stable_mosaic.version = 14 : i64} {
  func.func @_ln_body(%arg0: i32, %arg1: memref<2000x128xf32, #tpu.memory_space<vmem>>, %arg2: memref<1x128xf32, #tpu.memory_space<vmem>>, %arg3: memref<1x128xf32, #tpu.memory_space<vmem>>, %arg4: memref<2000x128xf32, #tpu.memory_space<vmem>>) attributes {dimension_semantics = [#tpu.dimension_semantics<arbitrary>], iteration_bounds = array<i64: 5>, scalar_prefetch = 0 : i64, scratch_operands = 0 : i64, tpu.core_type = #tpu.core_type<tc>, window_params = [{transform_indices = @transform_0, window_bounds = array<i64: 2000, 128>}, {pipeline_mode = #tpu.pipeline_mode<synchronous>, transform_indices = @transform_1, window_bounds = array<i64: 1, 128>}, {pipeline_mode = #tpu.pipeline_mode<synchronous>, transform_indices = @transform_2, window_bounds = array<i64: 1, 128>}, {transform_indices = @transform_3, window_bounds = array<i64: 2000, 128>}]} {
    %get3A = arith.constant 0 : index
    %get3A_0 = arith.constant 0 : index
    %get3A_1 = vector.load %arg1[%get3A, %get3A_0] : memref<2000x128xf32, #tpu.memory_space<vmem>>, vector<2000x128xf32>
    %reduce_sum3A = arith.constant dense<0.000000e+00> : vector<2000xf32>
    %reduce_sum3A_2 = vector.multi_reduction <add>, %get3A_1, %reduce_sum3A [1] : vector<2000x128xf32> to vector<2000xf32>
    %broadcast_in_dim3A = vector.shape_cast %reduce_sum3A_2 : vector<2000xf32> to vector<2000x1xf32>
    %div3A = arith.constant 1.280000e+02 : f32
    %div3A_3 = vector.broadcast %div3A : f32 to vector<2000x1xf32>
    %div3A_4 = arith.divf %broadcast_in_dim3A, %div3A_3 : vector<2000x1xf32>
    %sub3A = vector.broadcast %div3A_4 : vector<2000x1xf32> to vector<2000x128xf32>
    %sub3A_5 = arith.subf %get3A_1, %sub3A : vector<2000x128xf32>
    %integer_pow3A = arith.mulf %sub3A_5, %sub3A_5 : vector<2000x128xf32>
    %reduce_sum3A_6 = arith.constant dense<0.000000e+00> : vector<2000xf32>
    %reduce_sum3A_7 = vector.multi_reduction <add>, %integer_pow3A, %reduce_sum3A_6 [1] : vector<2000x128xf32> to vector<2000xf32>
    %broadcast_in_dim3A_8 = vector.shape_cast %reduce_sum3A_7 : vector<2000xf32> to vector<2000x1xf32>
    %div3A_9 = arith.constant 1.280000e+02 : f32
    %div3A_10 = vector.broadcast %div3A_9 : f32 to vector<2000x1xf32>
    %div3A_11 = arith.divf %broadcast_in_dim3A_8, %div3A_10 : vector<2000x1xf32>
    %sub3A_12 = vector.broadcast %div3A_4 : vector<2000x1xf32> to vector<2000x128xf32>
    %sub3A_13 = arith.subf %get3A_1, %sub3A_12 : vector<2000x128xf32>
    %add3A = arith.constant 9.99999974E-6 : f32
    %add3A_14 = vector.broadcast %add3A : f32 to vector<2000x1xf32>
    %add3A_15 = arith.addf %div3A_11, %add3A_14 : vector<2000x1xf32>
    %rsqrt3A = math.rsqrt %add3A_15 : vector<2000x1xf32>
    %mul3A = vector.broadcast %rsqrt3A : vector<2000x1xf32> to vector<2000x128xf32>
    %mul3A_16 = arith.mulf %sub3A_13, %mul3A : vector<2000x128xf32>
    %get3A_17 = arith.constant 0 : index
    %get3A_18 = arith.constant 0 : index
    %get3A_19 = vector.load %arg2[%get3A_17, %get3A_18] : memref<1x128xf32, #tpu.memory_space<vmem>>, vector<1x128xf32>
    %mul3A_20 = vector.broadcast %get3A_19 : vector<1x128xf32> to vector<2000x128xf32>
    %mul3A_21 = arith.mulf %mul3A_16, %mul3A_20 : vector<2000x128xf32>
    %get3A_22 = arith.constant 0 : index
    %get3A_23 = arith.constant 0 : index
    %get3A_24 = vector.load %arg3[%get3A_22, %get3A_23] : memref<1x128xf32, #tpu.memory_space<vmem>>, vector<1x128xf32>
    %add3A_25 = vector.broadcast %get3A_24 : vector<1x128xf32> to vector<2000x128xf32>
    %add3A_26 = arith.addf %mul3A_21, %add3A_25 : vector<2000x128xf32>
    %swap3A = arith.constant 0 : index
    %swap3A_27 = arith.constant 0 : index
    %swap3A_28 = vector.load %arg4[%swap3A, %swap3A_27] : memref<2000x128xf32, #tpu.memory_space<vmem>>, vector<2000x128xf32>
    tpu.vector_store %arg4[%swap3A, %swap3A_27], %add3A_26 {strides = array<i32>} : memref<2000x128xf32, #tpu.memory_space<vmem>>, vector<2000x128xf32>,
    return
  }
  func.func @transform_0(%arg0: i32) -> (i32, i32) {
    %c0_i32 = arith.constant 0 : i32
    %c0_i32_0 = arith.constant 0 : i32
    return %arg0, %c0_i32 : i32, i32
  }
  func.func @transform_1(%arg0: i32) -> (i32, i32) {
    %c0_i32 = arith.constant 0 : i32
    %c0_i32_0 = arith.constant 0 : i32
    %c0_i32_1 = arith.constant 0 : i32
    return %c0_i32, %c0_i32_0 : i32, i32
  }
  func.func @transform_2(%arg0: i32) -> (i32, i32) {
    %c0_i32 = arith.constant 0 : i32
    %c0_i32_0 = arith.constant 0 : i32
    %c0_i32_1 = arith.constant 0 : i32
    return %c0_i32, %c0_i32_0 : i32, i32
  }
  func.func @transform_3(%arg0: i32) -> (i32, i32) {
    %c0_i32 = arith.constant 0 : i32
    %c0_i32_0 = arith.constant 0 : i32
    return %arg0, %c0_i32 : i32, i32
  }
}

module attributes {stable_mosaic.version = 14 : i64} {
  func.func @_edge_body(%arg0: i32, %arg1: memref<4096x18xf32, #tpu.memory_space<vmem>>, %arg2: memref<128x18xf32, #tpu.memory_space<vmem>>, %arg3: memref<1x128xf32, #tpu.memory_space<vmem>>, %arg4: memref<128x128xf32, #tpu.memory_space<vmem>>, %arg5: memref<1x128xf32, #tpu.memory_space<vmem>>, %arg6: memref<128x128xf32, #tpu.memory_space<vmem>>, %arg7: memref<1x128xf32, #tpu.memory_space<vmem>>, %arg8: memref<128x18xf32, #tpu.memory_space<vmem>>, %arg9: memref<1x128xf32, #tpu.memory_space<vmem>>, %arg10: memref<1x128xf32, #tpu.memory_space<vmem>>, %arg11: memref<1x1xf32, #tpu.memory_space<vmem>>, %arg12: memref<4096x128xf32, #tpu.memory_space<vmem>>, %arg13: memref<80x128xf32, #tpu.memory_space<vmem>>) attributes {dimension_semantics = [#tpu.dimension_semantics<arbitrary>], iteration_bounds = array<i64: 80>, scalar_prefetch = 0 : i64, scratch_operands = 0 : i64, tpu.core_type = #tpu.core_type<tc>, window_params = [{transform_indices = @transform_0, window_bounds = array<i64: 4096, 18>}, {pipeline_mode = #tpu.pipeline_mode<synchronous>, transform_indices = @transform_1, window_bounds = array<i64: 128, 18>}, {pipeline_mode = #tpu.pipeline_mode<synchronous>, transform_indices = @transform_2, window_bounds = array<i64: 1, 128>}, {pipeline_mode = #tpu.pipeline_mode<synchronous>, transform_indices = @transform_3, window_bounds = array<i64: 128, 128>}, {pipeline_mode = #tpu.pipeline_mode<synchronous>, transform_indices = @transform_4, window_bounds = array<i64: 1, 128>}, {pipeline_mode = #tpu.pipeline_mode<synchronous>, transform_indices = @transform_5, window_bounds = array<i64: 128, 128>}, {pipeline_mode = #tpu.pipeline_mode<synchronous>, transform_indices = @transform_6, window_bounds = array<i64: 1, 128>}, {pipeline_mode = #tpu.pipeline_mode<synchronous>, transform_indices = @transform_7, window_bounds = array<i64: 128, 18>}, {pipeline_mode = #tpu.pipeline_mode<synchronous>, transform_indices = @transform_8, window_bounds = array<i64: 1, 128>}, {pipeline_mode = #tpu.pipeline_mode<synchronous>, transform_indices = @transform_9, window_bounds = array<i64: 1, 128>}, {pipeline_mode = #tpu.pipeline_mode<synchronous>, transform_indices = @transform_10, window_bounds = array<i64: 1, 1>}, {transform_indices = @transform_11, window_bounds = array<i64: 4096, 128>}, {pipeline_mode = #tpu.pipeline_mode<synchronous>, transform_indices = @transform_12, window_bounds = array<i64: 80, 128>}]} {
    %get3A = arith.constant 0 : index
    %get3A_0 = arith.constant 0 : index
    %get3A_1 = vector.load %arg1[%get3A, %get3A_0] : memref<4096x18xf32, #tpu.memory_space<vmem>>, vector<4096x18xf32>
    %slice3A = vector.extract_strided_slice %get3A_1 {offsets = [0, 0], sizes = [4096, 1], strides = [1, 1]} : vector<4096x18xf32> to vector<4096x1xf32>
    %slice3A_2 = vector.extract_strided_slice %get3A_1 {offsets = [0, 1], sizes = [4096, 1], strides = [1, 1]} : vector<4096x18xf32> to vector<4096x1xf32>
    %get3A_3 = arith.constant 0 : index
    %get3A_4 = arith.constant 0 : index
    %get3A_5 = vector.load %arg8[%get3A_3, %get3A_4] : memref<128x18xf32, #tpu.memory_space<vmem>>, vector<128x18xf32>
    %dot_general3A = arith.constant dense<0.000000e+00> : vector<4096x128xf32>
    %dot_general3A_6 = tpu.matmul %get3A_1, %get3A_5, %dot_general3A {dimension_numbers = #tpu.dot_dimension_numbers<[1], [1], [0], [0], [0, 0, 1, 0], [], []>, transpose_lhs_hint = false} : vector<4096x18xf32>, vector<128x18xf32>, vector<4096x128xf32> -> vector<4096x128xf32>
    %get3A_7 = arith.constant 0 : index
    %get3A_8 = arith.constant 0 : index
    %get3A_9 = vector.load %arg9[%get3A_7, %get3A_8] : memref<1x128xf32, #tpu.memory_space<vmem>>, vector<1x128xf32>
    %add3A = vector.broadcast %get3A_9 : vector<1x128xf32> to vector<4096x128xf32>
    %add3A_10 = arith.addf %dot_general3A_6, %add3A : vector<4096x128xf32>
    %mul3A = arith.constant -1.44269502 : f32
    %mul3A_11 = vector.broadcast %mul3A : f32 to vector<4096x128xf32>
    %mul3A_12 = arith.mulf %mul3A_11, %add3A_10 : vector<4096x128xf32>
    %jit3A = arith.constant -9.000000e+01 : f32
    %jit3A_13 = arith.constant 9.000000e+01 : f32
    %max3A = vector.broadcast %jit3A : f32 to vector<4096x128xf32>
    %max3A_14 = arith.maximumf %max3A, %mul3A_12 : vector<4096x128xf32>
    %min3A = vector.broadcast %jit3A_13 : f32 to vector<4096x128xf32>
    %min3A_15 = arith.minimumf %min3A, %max3A_14 : vector<4096x128xf32>
    %floor3A = math.floor %min3A_15 : vector<4096x128xf32>
    %sub3A = arith.subf %min3A_15, %floor3A : vector<4096x128xf32>
    %mul3A_16 = arith.constant 0.0790199413 : f32
    %mul3A_17 = vector.broadcast %mul3A_16 : f32 to vector<4096x128xf32>
    %mul3A_18 = arith.mulf %mul3A_17, %sub3A : vector<4096x128xf32>
    %add3A_19 = arith.constant 0.224126443 : f32
    %add3A_20 = vector.broadcast %add3A_19 : f32 to vector<4096x128xf32>
    %add3A_21 = arith.addf %mul3A_18, %add3A_20 : vector<4096x128xf32>
    %mul3A_22 = arith.mulf %add3A_21, %sub3A : vector<4096x128xf32>
    %add3A_23 = arith.constant 0.696838557 : f32
    %add3A_24 = vector.broadcast %add3A_23 : f32 to vector<4096x128xf32>
    %add3A_25 = arith.addf %mul3A_22, %add3A_24 : vector<4096x128xf32>
    %mul3A_26 = arith.mulf %add3A_25, %sub3A : vector<4096x128xf32>
    %add3A_27 = arith.constant 0.999811947 : f32
    %add3A_28 = vector.broadcast %add3A_27 : f32 to vector<4096x128xf32>
    %add3A_29 = arith.addf %mul3A_26, %add3A_28 : vector<4096x128xf32>
    %convert_element_type3A = arith.fptosi %floor3A : vector<4096x128xf32> to vector<4096x128xi32>
    %add3A_30 = arith.constant 127 : i32
    %add3A_31 = vector.broadcast %add3A_30 : i32 to vector<4096x128xi32>
    %add3A_32 = arith.addi %convert_element_type3A, %add3A_31 : vector<4096x128xi32>
    %shift_left3A = arith.constant 23 : i32
    %shift_left3A_33 = vector.broadcast %shift_left3A : i32 to vector<4096x128xi32>
    %shift_left3A_34 = arith.shli %add3A_32, %shift_left3A_33 : vector<4096x128xi32>
    %bitcast_convert_type3A = tpu.bitcast %shift_left3A_34 : vector<4096x128xi32> -> vector<4096x128xf32>
    %mul3A_35 = arith.mulf %add3A_29, %bitcast_convert_type3A : vector<4096x128xf32>
    %add3A_36 = arith.constant 1.000000e+00 : f32
    %add3A_37 = vector.broadcast %add3A_36 : f32 to vector<4096x128xf32>
    %add3A_38 = arith.addf %add3A_37, %mul3A_35 : vector<4096x128xf32>
    %bitcast_convert_type3A_39 = tpu.bitcast %add3A_38 : vector<4096x128xf32> -> vector<4096x128xi32>
    %sub3A_40 = arith.constant 2129859011 : i32
    %sub3A_41 = vector.broadcast %sub3A_40 : i32 to vector<4096x128xi32>
    %sub3A_42 = arith.subi %sub3A_41, %bitcast_convert_type3A_39 : vector<4096x128xi32>
    %bitcast_convert_type3A_43 = tpu.bitcast %sub3A_42 : vector<4096x128xi32> -> vector<4096x128xf32>
    %mul3A_44 = arith.mulf %add3A_38, %bitcast_convert_type3A_43 : vector<4096x128xf32>
    %sub3A_45 = arith.constant 2.000000e+00 : f32
    %sub3A_46 = vector.broadcast %sub3A_45 : f32 to vector<4096x128xf32>
    %sub3A_47 = arith.subf %sub3A_46, %mul3A_44 : vector<4096x128xf32>
    %mul3A_48 = arith.mulf %bitcast_convert_type3A_43, %sub3A_47 : vector<4096x128xf32>
    %mul3A_49 = arith.mulf %add3A_38, %mul3A_48 : vector<4096x128xf32>
    %sub3A_50 = arith.constant 2.000000e+00 : f32
    %sub3A_51 = vector.broadcast %sub3A_50 : f32 to vector<4096x128xf32>
    %sub3A_52 = arith.subf %sub3A_51, %mul3A_49 : vector<4096x128xf32>
    %mul3A_53 = arith.mulf %mul3A_48, %sub3A_52 : vector<4096x128xf32>
    %mul3A_54 = arith.mulf %add3A_10, %mul3A_53 : vector<4096x128xf32>
    %get3A_55 = arith.constant 0 : index
    %get3A_56 = arith.constant 0 : index
    %get3A_57 = vector.load %arg10[%get3A_55, %get3A_56] : memref<1x128xf32, #tpu.memory_space<vmem>>, vector<1x128xf32>
    %mul3A_58 = vector.broadcast %get3A_57 : vector<1x128xf32> to vector<4096x128xf32>
    %mul3A_59 = arith.mulf %mul3A_54, %mul3A_58 : vector<4096x128xf32>
    %reduce_sum3A = arith.constant dense<0.000000e+00> : vector<4096xf32>
    %reduce_sum3A_60 = vector.multi_reduction <add>, %mul3A_59, %reduce_sum3A [1] : vector<4096x128xf32> to vector<4096xf32>
    %broadcast_in_dim3A = vector.shape_cast %reduce_sum3A_60 : vector<4096xf32> to vector<4096x1xf32>
    %get3A_61 = arith.constant 0 : index
    %get3A_62 = arith.constant 0 : index
    %get3A_63 = vector.load %arg11[%get3A_61, %get3A_62] : memref<1x1xf32, #tpu.memory_space<vmem>>, vector<1x1xf32>
    %add3A_64 = vector.broadcast %get3A_63 : vector<1x1xf32> to vector<4096x1xf32>
    %add3A_65 = arith.addf %broadcast_in_dim3A, %add3A_64 : vector<4096x1xf32>
    %mul3A_66 = arith.constant -1.44269502 : f32
    %mul3A_67 = vector.broadcast %mul3A_66 : f32 to vector<4096x1xf32>
    %mul3A_68 = arith.mulf %mul3A_67, %add3A_65 : vector<4096x1xf32>
    %jit3A_69 = arith.constant -9.000000e+01 : f32
    %jit3A_70 = arith.constant 9.000000e+01 : f32
    %max3A_71 = vector.broadcast %jit3A_69 : f32 to vector<4096x1xf32>
    %max3A_72 = arith.maximumf %max3A_71, %mul3A_68 : vector<4096x1xf32>
    %min3A_73 = vector.broadcast %jit3A_70 : f32 to vector<4096x1xf32>
    %min3A_74 = arith.minimumf %min3A_73, %max3A_72 : vector<4096x1xf32>
    %floor3A_75 = math.floor %min3A_74 : vector<4096x1xf32>
    %sub3A_76 = arith.subf %min3A_74, %floor3A_75 : vector<4096x1xf32>
    %mul3A_77 = arith.constant 0.0790199413 : f32
    %mul3A_78 = vector.broadcast %mul3A_77 : f32 to vector<4096x1xf32>
    %mul3A_79 = arith.mulf %mul3A_78, %sub3A_76 : vector<4096x1xf32>
    %add3A_80 = arith.constant 0.224126443 : f32
    %add3A_81 = vector.broadcast %add3A_80 : f32 to vector<4096x1xf32>
    %add3A_82 = arith.addf %mul3A_79, %add3A_81 : vector<4096x1xf32>
    %mul3A_83 = arith.mulf %add3A_82, %sub3A_76 : vector<4096x1xf32>
    %add3A_84 = arith.constant 0.696838557 : f32
    %add3A_85 = vector.broadcast %add3A_84 : f32 to vector<4096x1xf32>
    %add3A_86 = arith.addf %mul3A_83, %add3A_85 : vector<4096x1xf32>
    %mul3A_87 = arith.mulf %add3A_86, %sub3A_76 : vector<4096x1xf32>
    %add3A_88 = arith.constant 0.999811947 : f32
    %add3A_89 = vector.broadcast %add3A_88 : f32 to vector<4096x1xf32>
    %add3A_90 = arith.addf %mul3A_87, %add3A_89 : vector<4096x1xf32>
    %convert_element_type3A_91 = arith.fptosi %floor3A_75 : vector<4096x1xf32> to vector<4096x1xi32>
    %add3A_92 = arith.constant 127 : i32
    %add3A_93 = vector.broadcast %add3A_92 : i32 to vector<4096x1xi32>
    %add3A_94 = arith.addi %convert_element_type3A_91, %add3A_93 : vector<4096x1xi32>
    %shift_left3A_95 = arith.constant 23 : i32
    %shift_left3A_96 = vector.broadcast %shift_left3A_95 : i32 to vector<4096x1xi32>
    %shift_left3A_97 = arith.shli %add3A_94, %shift_left3A_96 : vector<4096x1xi32>
    %bitcast_convert_type3A_98 = tpu.bitcast %shift_left3A_97 : vector<4096x1xi32> -> vector<4096x1xf32>
    %mul3A_99 = arith.mulf %add3A_90, %bitcast_convert_type3A_98 : vector<4096x1xf32>
    %add3A_100 = arith.constant 1.000000e+00 : f32
    %add3A_101 = vector.broadcast %add3A_100 : f32 to vector<4096x1xf32>
    %add3A_102 = arith.addf %add3A_101, %mul3A_99 : vector<4096x1xf32>
    %bitcast_convert_type3A_103 = tpu.bitcast %add3A_102 : vector<4096x1xf32> -> vector<4096x1xi32>
    %sub3A_104 = arith.constant 2129859011 : i32
    %sub3A_105 = vector.broadcast %sub3A_104 : i32 to vector<4096x1xi32>
    %sub3A_106 = arith.subi %sub3A_105, %bitcast_convert_type3A_103 : vector<4096x1xi32>
    %bitcast_convert_type3A_107 = tpu.bitcast %sub3A_106 : vector<4096x1xi32> -> vector<4096x1xf32>
    %mul3A_108 = arith.mulf %add3A_102, %bitcast_convert_type3A_107 : vector<4096x1xf32>
    %sub3A_109 = arith.constant 2.000000e+00 : f32
    %sub3A_110 = vector.broadcast %sub3A_109 : f32 to vector<4096x1xf32>
    %sub3A_111 = arith.subf %sub3A_110, %mul3A_108 : vector<4096x1xf32>
    %mul3A_112 = arith.mulf %bitcast_convert_type3A_107, %sub3A_111 : vector<4096x1xf32>
    %mul3A_113 = arith.mulf %add3A_102, %mul3A_112 : vector<4096x1xf32>
    %sub3A_114 = arith.constant 2.000000e+00 : f32
    %sub3A_115 = vector.broadcast %sub3A_114 : f32 to vector<4096x1xf32>
    %sub3A_116 = arith.subf %sub3A_115, %mul3A_113 : vector<4096x1xf32>
    %mul3A_117 = arith.mulf %mul3A_112, %sub3A_116 : vector<4096x1xf32>
    %mul3A_118 = arith.constant 0.628318548 : f32
    %mul3A_119 = vector.broadcast %mul3A_118 : f32 to vector<4096x1xf32>
    %mul3A_120 = arith.mulf %mul3A_119, %slice3A : vector<4096x1xf32>
    %cos3A = math.cos %mul3A_120 : vector<4096x1xf32>
    %add3A_121 = arith.constant 1.000000e+00 : f32
    %add3A_122 = vector.broadcast %add3A_121 : f32 to vector<4096x1xf32>
    %add3A_123 = arith.addf %cos3A, %add3A_122 : vector<4096x1xf32>
    %mul3A_124 = arith.constant 5.000000e-01 : f32
    %mul3A_125 = vector.broadcast %mul3A_124 : f32 to vector<4096x1xf32>
    %mul3A_126 = arith.mulf %mul3A_125, %add3A_123 : vector<4096x1xf32>
    %le3A = arith.constant 5.000000e+00 : f32
    %le3A_127 = vector.broadcast %le3A : f32 to vector<4096x1xf32>
    %le3A_128 = arith.cmpf ole, %slice3A, %le3A_127 : vector<4096x1xf32>
    %convert_element_type3A_129 = arith.extui %le3A_128 : vector<4096x1xi1> to vector<4096x1xi32>
    %convert_element_type3A_130 = arith.sitofp %convert_element_type3A_129 : vector<4096x1xi32> to vector<4096x1xf32>
    %mul3A_131 = arith.mulf %mul3A_126, %convert_element_type3A_130 : vector<4096x1xf32>
    %mul3A_132 = arith.mulf %mul3A_131, %mul3A_117 : vector<4096x1xf32>
    %get3A_133 = arith.constant 0 : index
    %get3A_134 = arith.constant 0 : index
    %get3A_135 = vector.load %arg2[%get3A_133, %get3A_134] : memref<128x18xf32, #tpu.memory_space<vmem>>, vector<128x18xf32>
    %dot_general3A_136 = arith.constant dense<0.000000e+00> : vector<4096x128xf32>
    %dot_general3A_137 = tpu.matmul %get3A_1, %get3A_135, %dot_general3A_136 {dimension_numbers = #tpu.dot_dimension_numbers<[1], [1], [0], [0], [0, 0, 1, 0], [], []>, transpose_lhs_hint = false} : vector<4096x18xf32>, vector<128x18xf32>, vector<4096x128xf32> -> vector<4096x128xf32>
    %get3A_138 = arith.constant 0 : index
    %get3A_139 = arith.constant 0 : index
    %get3A_140 = vector.load %arg3[%get3A_138, %get3A_139] : memref<1x128xf32, #tpu.memory_space<vmem>>, vector<1x128xf32>
    %add3A_141 = vector.broadcast %get3A_140 : vector<1x128xf32> to vector<4096x128xf32>
    %add3A_142 = arith.addf %dot_general3A_137, %add3A_141 : vector<4096x128xf32>
    %mul3A_143 = arith.constant -1.44269502 : f32
    %mul3A_144 = vector.broadcast %mul3A_143 : f32 to vector<4096x128xf32>
    %mul3A_145 = arith.mulf %mul3A_144, %add3A_142 : vector<4096x128xf32>
    %jit3A_146 = arith.constant -9.000000e+01 : f32
    %jit3A_147 = arith.constant 9.000000e+01 : f32
    %max3A_148 = vector.broadcast %jit3A_146 : f32 to vector<4096x128xf32>
    %max3A_149 = arith.maximumf %max3A_148, %mul3A_145 : vector<4096x128xf32>
    %min3A_150 = vector.broadcast %jit3A_147 : f32 to vector<4096x128xf32>
    %min3A_151 = arith.minimumf %min3A_150, %max3A_149 : vector<4096x128xf32>
    %floor3A_152 = math.floor %min3A_151 : vector<4096x128xf32>
    %sub3A_153 = arith.subf %min3A_151, %floor3A_152 : vector<4096x128xf32>
    %mul3A_154 = arith.constant 0.0790199413 : f32
    %mul3A_155 = vector.broadcast %mul3A_154 : f32 to vector<4096x128xf32>
    %mul3A_156 = arith.mulf %mul3A_155, %sub3A_153 : vector<4096x128xf32>
    %add3A_157 = arith.constant 0.224126443 : f32
    %add3A_158 = vector.broadcast %add3A_157 : f32 to vector<4096x128xf32>
    %add3A_159 = arith.addf %mul3A_156, %add3A_158 : vector<4096x128xf32>
    %mul3A_160 = arith.mulf %add3A_159, %sub3A_153 : vector<4096x128xf32>
    %add3A_161 = arith.constant 0.696838557 : f32
    %add3A_162 = vector.broadcast %add3A_161 : f32 to vector<4096x128xf32>
    %add3A_163 = arith.addf %mul3A_160, %add3A_162 : vector<4096x128xf32>
    %mul3A_164 = arith.mulf %add3A_163, %sub3A_153 : vector<4096x128xf32>
    %add3A_165 = arith.constant 0.999811947 : f32
    %add3A_166 = vector.broadcast %add3A_165 : f32 to vector<4096x128xf32>
    %add3A_167 = arith.addf %mul3A_164, %add3A_166 : vector<4096x128xf32>
    %convert_element_type3A_168 = arith.fptosi %floor3A_152 : vector<4096x128xf32> to vector<4096x128xi32>
    %add3A_169 = arith.constant 127 : i32
    %add3A_170 = vector.broadcast %add3A_169 : i32 to vector<4096x128xi32>
    %add3A_171 = arith.addi %convert_element_type3A_168, %add3A_170 : vector<4096x128xi32>
    %shift_left3A_172 = arith.constant 23 : i32
    %shift_left3A_173 = vector.broadcast %shift_left3A_172 : i32 to vector<4096x128xi32>
    %shift_left3A_174 = arith.shli %add3A_171, %shift_left3A_173 : vector<4096x128xi32>
    %bitcast_convert_type3A_175 = tpu.bitcast %shift_left3A_174 : vector<4096x128xi32> -> vector<4096x128xf32>
    %mul3A_176 = arith.mulf %add3A_167, %bitcast_convert_type3A_175 : vector<4096x128xf32>
    %add3A_177 = arith.constant 1.000000e+00 : f32
    %add3A_178 = vector.broadcast %add3A_177 : f32 to vector<4096x128xf32>
    %add3A_179 = arith.addf %add3A_178, %mul3A_176 : vector<4096x128xf32>
    %bitcast_convert_type3A_180 = tpu.bitcast %add3A_179 : vector<4096x128xf32> -> vector<4096x128xi32>
    %sub3A_181 = arith.constant 2129859011 : i32
    %sub3A_182 = vector.broadcast %sub3A_181 : i32 to vector<4096x128xi32>
    %sub3A_183 = arith.subi %sub3A_182, %bitcast_convert_type3A_180 : vector<4096x128xi32>
    %bitcast_convert_type3A_184 = tpu.bitcast %sub3A_183 : vector<4096x128xi32> -> vector<4096x128xf32>
    %mul3A_185 = arith.mulf %add3A_179, %bitcast_convert_type3A_184 : vector<4096x128xf32>
    %sub3A_186 = arith.constant 2.000000e+00 : f32
    %sub3A_187 = vector.broadcast %sub3A_186 : f32 to vector<4096x128xf32>
    %sub3A_188 = arith.subf %sub3A_187, %mul3A_185 : vector<4096x128xf32>
    %mul3A_189 = arith.mulf %bitcast_convert_type3A_184, %sub3A_188 : vector<4096x128xf32>
    %mul3A_190 = arith.mulf %add3A_179, %mul3A_189 : vector<4096x128xf32>
    %sub3A_191 = arith.constant 2.000000e+00 : f32
    %sub3A_192 = vector.broadcast %sub3A_191 : f32 to vector<4096x128xf32>
    %sub3A_193 = arith.subf %sub3A_192, %mul3A_190 : vector<4096x128xf32>
    %mul3A_194 = arith.mulf %mul3A_189, %sub3A_193 : vector<4096x128xf32>
    %mul3A_195 = arith.mulf %add3A_142, %mul3A_194 : vector<4096x128xf32>
    %get3A_196 = arith.constant 0 : index
    %get3A_197 = arith.constant 0 : index
    %get3A_198 = vector.load %arg4[%get3A_196, %get3A_197] : memref<128x128xf32, #tpu.memory_space<vmem>>, vector<128x128xf32>
    %dot_general3A_199 = arith.constant dense<0.000000e+00> : vector<4096x128xf32>
    %dot_general3A_200 = tpu.matmul %mul3A_195, %get3A_198, %dot_general3A_199 {dimension_numbers = #tpu.dot_dimension_numbers<[1], [1], [0], [0], [0, 0, 1, 0], [], []>, transpose_lhs_hint = false} : vector<4096x128xf32>, vector<128x128xf32>, vector<4096x128xf32> -> vector<4096x128xf32>
    %get3A_201 = arith.constant 0 : index
    %get3A_202 = arith.constant 0 : index
    %get3A_203 = vector.load %arg5[%get3A_201, %get3A_202] : memref<1x128xf32, #tpu.memory_space<vmem>>, vector<1x128xf32>
    %add3A_204 = vector.broadcast %get3A_203 : vector<1x128xf32> to vector<4096x128xf32>
    %add3A_205 = arith.addf %dot_general3A_200, %add3A_204 : vector<4096x128xf32>
    %mul3A_206 = arith.constant -1.44269502 : f32
    %mul3A_207 = vector.broadcast %mul3A_206 : f32 to vector<4096x128xf32>
    %mul3A_208 = arith.mulf %mul3A_207, %add3A_205 : vector<4096x128xf32>
    %jit3A_209 = arith.constant -9.000000e+01 : f32
    %jit3A_210 = arith.constant 9.000000e+01 : f32
    %max3A_211 = vector.broadcast %jit3A_209 : f32 to vector<4096x128xf32>
    %max3A_212 = arith.maximumf %max3A_211, %mul3A_208 : vector<4096x128xf32>
    %min3A_213 = vector.broadcast %jit3A_210 : f32 to vector<4096x128xf32>
    %min3A_214 = arith.minimumf %min3A_213, %max3A_212 : vector<4096x128xf32>
    %floor3A_215 = math.floor %min3A_214 : vector<4096x128xf32>
    %sub3A_216 = arith.subf %min3A_214, %floor3A_215 : vector<4096x128xf32>
    %mul3A_217 = arith.constant 0.0790199413 : f32
    %mul3A_218 = vector.broadcast %mul3A_217 : f32 to vector<4096x128xf32>
    %mul3A_219 = arith.mulf %mul3A_218, %sub3A_216 : vector<4096x128xf32>
    %add3A_220 = arith.constant 0.224126443 : f32
    %add3A_221 = vector.broadcast %add3A_220 : f32 to vector<4096x128xf32>
    %add3A_222 = arith.addf %mul3A_219, %add3A_221 : vector<4096x128xf32>
    %mul3A_223 = arith.mulf %add3A_222, %sub3A_216 : vector<4096x128xf32>
    %add3A_224 = arith.constant 0.696838557 : f32
    %add3A_225 = vector.broadcast %add3A_224 : f32 to vector<4096x128xf32>
    %add3A_226 = arith.addf %mul3A_223, %add3A_225 : vector<4096x128xf32>
    %mul3A_227 = arith.mulf %add3A_226, %sub3A_216 : vector<4096x128xf32>
    %add3A_228 = arith.constant 0.999811947 : f32
    %add3A_229 = vector.broadcast %add3A_228 : f32 to vector<4096x128xf32>
    %add3A_230 = arith.addf %mul3A_227, %add3A_229 : vector<4096x128xf32>
    %convert_element_type3A_231 = arith.fptosi %floor3A_215 : vector<4096x128xf32> to vector<4096x128xi32>
    %add3A_232 = arith.constant 127 : i32
    %add3A_233 = vector.broadcast %add3A_232 : i32 to vector<4096x128xi32>
    %add3A_234 = arith.addi %convert_element_type3A_231, %add3A_233 : vector<4096x128xi32>
    %shift_left3A_235 = arith.constant 23 : i32
    %shift_left3A_236 = vector.broadcast %shift_left3A_235 : i32 to vector<4096x128xi32>
    %shift_left3A_237 = arith.shli %add3A_234, %shift_left3A_236 : vector<4096x128xi32>
    %bitcast_convert_type3A_238 = tpu.bitcast %shift_left3A_237 : vector<4096x128xi32> -> vector<4096x128xf32>
    %mul3A_239 = arith.mulf %add3A_230, %bitcast_convert_type3A_238 : vector<4096x128xf32>
    %add3A_240 = arith.constant 1.000000e+00 : f32
    %add3A_241 = vector.broadcast %add3A_240 : f32 to vector<4096x128xf32>
    %add3A_242 = arith.addf %add3A_241, %mul3A_239 : vector<4096x128xf32>
    %bitcast_convert_type3A_243 = tpu.bitcast %add3A_242 : vector<4096x128xf32> -> vector<4096x128xi32>
    %sub3A_244 = arith.constant 2129859011 : i32
    %sub3A_245 = vector.broadcast %sub3A_244 : i32 to vector<4096x128xi32>
    %sub3A_246 = arith.subi %sub3A_245, %bitcast_convert_type3A_243 : vector<4096x128xi32>
    %bitcast_convert_type3A_247 = tpu.bitcast %sub3A_246 : vector<4096x128xi32> -> vector<4096x128xf32>
    %mul3A_248 = arith.mulf %add3A_242, %bitcast_convert_type3A_247 : vector<4096x128xf32>
    %sub3A_249 = arith.constant 2.000000e+00 : f32
    %sub3A_250 = vector.broadcast %sub3A_249 : f32 to vector<4096x128xf32>
    %sub3A_251 = arith.subf %sub3A_250, %mul3A_248 : vector<4096x128xf32>
    %mul3A_252 = arith.mulf %bitcast_convert_type3A_247, %sub3A_251 : vector<4096x128xf32>
    %mul3A_253 = arith.mulf %add3A_242, %mul3A_252 : vector<4096x128xf32>
    %sub3A_254 = arith.constant 2.000000e+00 : f32
    %sub3A_255 = vector.broadcast %sub3A_254 : f32 to vector<4096x128xf32>
    %sub3A_256 = arith.subf %sub3A_255, %mul3A_253 : vector<4096x128xf32>
    %mul3A_257 = arith.mulf %mul3A_252, %sub3A_256 : vector<4096x128xf32>
    %mul3A_258 = arith.mulf %add3A_205, %mul3A_257 : vector<4096x128xf32>
    %get3A_259 = arith.constant 0 : index
    %get3A_260 = arith.constant 0 : index
    %get3A_261 = vector.load %arg6[%get3A_259, %get3A_260] : memref<128x128xf32, #tpu.memory_space<vmem>>, vector<128x128xf32>
    %dot_general3A_262 = arith.constant dense<0.000000e+00> : vector<4096x128xf32>
    %dot_general3A_263 = tpu.matmul %mul3A_258, %get3A_261, %dot_general3A_262 {dimension_numbers = #tpu.dot_dimension_numbers<[1], [1], [0], [0], [0, 0, 1, 0], [], []>, transpose_lhs_hint = false} : vector<4096x128xf32>, vector<128x128xf32>, vector<4096x128xf32> -> vector<4096x128xf32>
    %get3A_264 = arith.constant 0 : index
    %get3A_265 = arith.constant 0 : index
    %get3A_266 = vector.load %arg7[%get3A_264, %get3A_265] : memref<1x128xf32, #tpu.memory_space<vmem>>, vector<1x128xf32>
    %add3A_267 = vector.broadcast %get3A_266 : vector<1x128xf32> to vector<4096x128xf32>
    %add3A_268 = arith.addf %dot_general3A_263, %add3A_267 : vector<4096x128xf32>
    %broadcast_in_dim3A_269 = arith.constant 1.000000e+00 : f32
    %broadcast_in_dim3A_270 = vector.broadcast %broadcast_in_dim3A_269 : f32 to vector<1x128xf32>
    %dot_general3A_271 = arith.constant dense<0.000000e+00> : vector<4096x128xf32>
    %dot_general3A_272 = tpu.matmul %mul3A_132, %broadcast_in_dim3A_270, %dot_general3A_271 {dimension_numbers = #tpu.dot_dimension_numbers<[1], [0], [0], [1], [0, 0, 1, 1], [], []>, transpose_lhs_hint = false} : vector<4096x1xf32>, vector<1x128xf32>, vector<4096x128xf32> -> vector<4096x128xf32>
    %mul3A_273 = arith.mulf %add3A_268, %dot_general3A_272 : vector<4096x128xf32>
    %swap3A = arith.constant 0 : index
    %swap3A_274 = arith.constant 0 : index
    %swap3A_275 = vector.load %arg12[%swap3A, %swap3A_274] : memref<4096x128xf32, #tpu.memory_space<vmem>>, vector<4096x128xf32>
    tpu.vector_store %arg12[%swap3A, %swap3A_274], %mul3A_273 {strides = array<i32>} : memref<4096x128xf32, #tpu.memory_space<vmem>>, vector<4096x128xf32>,
    %mul3A_276 = arith.constant 7.812500e-03 : f32
    %mul3A_277 = vector.broadcast %mul3A_276 : f32 to vector<4096x1xf32>
    %mul3A_278 = arith.mulf %slice3A_2, %mul3A_277 : vector<4096x1xf32>
    %floor3A_279 = math.floor %mul3A_278 : vector<4096x1xf32>
    %mul3A_280 = arith.constant 1.280000e+02 : f32
    %mul3A_281 = vector.broadcast %mul3A_280 : f32 to vector<4096x1xf32>
    %mul3A_282 = arith.mulf %mul3A_281, %floor3A_279 : vector<4096x1xf32>
    %sub3A_283 = arith.subf %slice3A_2, %mul3A_282 : vector<4096x1xf32>
    %iota3A = tpu.iota {dimensions = array<i32: 1>} : vector<4096x80xi32>
    %convert_element_type3A_284 = arith.sitofp %iota3A : vector<4096x80xi32> to vector<4096x80xf32>
    %iota3A_285 = tpu.iota {dimensions = array<i32: 1>} : vector<4096x128xi32>
    %convert_element_type3A_286 = arith.sitofp %iota3A_285 : vector<4096x128xi32> to vector<4096x128xf32>
    %broadcast_in_dim3A_287 = arith.constant 1.000000e+00 : f32
    %broadcast_in_dim3A_288 = vector.broadcast %broadcast_in_dim3A_287 : f32 to vector<1x80xf32>
    %dot_general3A_289 = arith.constant dense<0.000000e+00> : vector<4096x80xf32>
    %dot_general3A_290 = tpu.matmul %floor3A_279, %broadcast_in_dim3A_288, %dot_general3A_289 {dimension_numbers = #tpu.dot_dimension_numbers<[1], [0], [0], [1], [0, 0, 1, 1], [], []>, transpose_lhs_hint = false} : vector<4096x1xf32>, vector<1x80xf32>, vector<4096x80xf32> -> vector<4096x80xf32>
    %eq3A = arith.cmpf oeq, %convert_element_type3A_284, %dot_general3A_290 : vector<4096x80xf32>
    %broadcast_in_dim3A_291 = arith.constant 1.000000e+00 : f32
    %broadcast_in_dim3A_292 = vector.broadcast %broadcast_in_dim3A_291 : f32 to vector<1x80xf32>
    %dot_general3A_293 = arith.constant dense<0.000000e+00> : vector<4096x80xf32>
    %dot_general3A_294 = tpu.matmul %mul3A_132, %broadcast_in_dim3A_292, %dot_general3A_293 {dimension_numbers = #tpu.dot_dimension_numbers<[1], [0], [0], [1], [0, 0, 1, 1], [], []>, transpose_lhs_hint = false} : vector<4096x1xf32>, vector<1x80xf32>, vector<4096x80xf32> -> vector<4096x80xf32>
    %jit3A_295 = arith.constant 0.000000e+00 : f32
    %broadcast_in_dim3A_296 = vector.broadcast %jit3A_295 : f32 to vector<4096x80xf32>
    %select_n3A = arith.select %eq3A, %dot_general3A_294, %broadcast_in_dim3A_296 : vector<4096x80xi1>, vector<4096x80xf32>
    %broadcast_in_dim3A_297 = arith.constant 1.000000e+00 : f32
    %broadcast_in_dim3A_298 = vector.broadcast %broadcast_in_dim3A_297 : f32 to vector<1x128xf32>
    %dot_general3A_299 = arith.constant dense<0.000000e+00> : vector<4096x128xf32>
    %dot_general3A_300 = tpu.matmul %sub3A_283, %broadcast_in_dim3A_298, %dot_general3A_299 {dimension_numbers = #tpu.dot_dimension_numbers<[1], [0], [0], [1], [0, 0, 1, 1], [], []>, transpose_lhs_hint = false} : vector<4096x1xf32>, vector<1x128xf32>, vector<4096x128xf32> -> vector<4096x128xf32>
    %eq3A_301 = arith.cmpf oeq, %convert_element_type3A_286, %dot_general3A_300 : vector<4096x128xf32>
    %jit3A_302 = arith.constant 1.000000e+00 : f32
    %jit3A_303 = arith.constant 0.000000e+00 : f32
    %broadcast_in_dim3A_304 = vector.broadcast %jit3A_302 : f32 to vector<4096x128xf32>
    %broadcast_in_dim3A_305 = vector.broadcast %jit3A_303 : f32 to vector<4096x128xf32>
    %select_n3A_306 = arith.select %eq3A_301, %broadcast_in_dim3A_304, %broadcast_in_dim3A_305 : vector<4096x128xi1>, vector<4096x128xf32>
    %dot_general3A_307 = arith.constant dense<0.000000e+00> : vector<80x128xf32>
    %dot_general3A_308 = tpu.matmul %select_n3A, %select_n3A_306, %dot_general3A_307 {dimension_numbers = #tpu.dot_dimension_numbers<[0], [0], [1], [1], [0, 1, 1, 1], [], []>, transpose_lhs_hint = false} : vector<4096x80xf32>, vector<4096x128xf32>, vector<80x128xf32> -> vector<80x128xf32>
    %eq3A_309 = arith.constant 0 : i32
    %eq3A_310 = arith.cmpi eq, %arg0, %eq3A_309 : i32
    %convert_element_type3A_311 = arith.extui %eq3A_310 : i1 to i32
    %cond3A = arith.constant 0 : i32
    %cond3A_312 = arith.cmpi ne, %convert_element_type3A_311, %cond3A : i32
    scf.if %cond3A_312 {
      %broadcast_in_dim3A_320 = arith.constant 0.000000e+00 : f32
      %broadcast_in_dim3A_321 = vector.broadcast %broadcast_in_dim3A_320 : f32 to vector<80x128xf32>
      %swap3A_322 = arith.constant 0 : index
      %swap3A_323 = arith.constant 0 : index
      %swap3A_324 = vector.load %arg13[%swap3A_322, %swap3A_323] : memref<80x128xf32, #tpu.memory_space<vmem>>, vector<80x128xf32>
      tpu.vector_store %arg13[%swap3A_322, %swap3A_323], %broadcast_in_dim3A_321 {strides = array<i32>} : memref<80x128xf32, #tpu.memory_space<vmem>>, vector<80x128xf32>,
    } else {
    }
    %get3A_313 = arith.constant 0 : index
    %get3A_314 = arith.constant 0 : index
    %get3A_315 = vector.load %arg13[%get3A_313, %get3A_314] : memref<80x128xf32, #tpu.memory_space<vmem>>, vector<80x128xf32>
    %add3A_316 = arith.addf %get3A_315, %dot_general3A_308 : vector<80x128xf32>
    %swap3A_317 = arith.constant 0 : index
    %swap3A_318 = arith.constant 0 : index
    %swap3A_319 = vector.load %arg13[%swap3A_317, %swap3A_318] : memref<80x128xf32, #tpu.memory_space<vmem>>, vector<80x128xf32>
    tpu.vector_store %arg13[%swap3A_317, %swap3A_318], %add3A_316 {strides = array<i32>} : memref<80x128xf32, #tpu.memory_space<vmem>>, vector<80x128xf32>,
    return
  }
  func.func @transform_0(%arg0: i32) -> (i32, i32) {
    %c0_i32 = arith.constant 0 : i32
    %c0_i32_0 = arith.constant 0 : i32
    return %arg0, %c0_i32 : i32, i32
  }
  func.func @transform_1(%arg0: i32) -> (i32, i32) {
    %c0_i32 = arith.constant 0 : i32
    %c0_i32_0 = arith.constant 0 : i32
    %c0_i32_1 = arith.constant 0 : i32
    return %c0_i32, %c0_i32_0 : i32, i32
  }
  func.func @transform_2(%arg0: i32) -> (i32, i32) {
    %c0_i32 = arith.constant 0 : i32
    %c0_i32_0 = arith.constant 0 : i32
    %c0_i32_1 = arith.constant 0 : i32
    return %c0_i32, %c0_i32_0 : i32, i32
  }
  func.func @transform_3(%arg0: i32) -> (i32, i32) {
    %c0_i32 = arith.constant 0 : i32
    %c0_i32_0 = arith.constant 0 : i32
    %c0_i32_1 = arith.constant 0 : i32
    return %c0_i32, %c0_i32_0 : i32, i32
  }
  func.func @transform_4(%arg0: i32) -> (i32, i32) {
    %c0_i32 = arith.constant 0 : i32
    %c0_i32_0 = arith.constant 0 : i32
    %c0_i32_1 = arith.constant 0 : i32
    return %c0_i32, %c0_i32_0 : i32, i32
  }
  func.func @transform_5(%arg0: i32) -> (i32, i32) {
    %c0_i32 = arith.constant 0 : i32
    %c0_i32_0 = arith.constant 0 : i32
    %c0_i32_1 = arith.constant 0 : i32
    return %c0_i32, %c0_i32_0 : i32, i32
  }
  func.func @transform_6(%arg0: i32) -> (i32, i32) {
    %c0_i32 = arith.constant 0 : i32
    %c0_i32_0 = arith.constant 0 : i32
    %c0_i32_1 = arith.constant 0 : i32
    return %c0_i32, %c0_i32_0 : i32, i32
  }
  func.func @transform_7(%arg0: i32) -> (i32, i32) {
    %c0_i32 = arith.constant 0 : i32
    %c0_i32_0 = arith.constant 0 : i32
    %c0_i32_1 = arith.constant 0 : i32
    return %c0_i32, %c0_i32_0 : i32, i32
  }
  func.func @transform_8(%arg0: i32) -> (i32, i32) {
    %c0_i32 = arith.constant 0 : i32
    %c0_i32_0 = arith.constant 0 : i32
    %c0_i32_1 = arith.constant 0 : i32
    return %c0_i32, %c0_i32_0 : i32, i32
  }
  func.func @transform_9(%arg0: i32) -> (i32, i32) {
    %c0_i32 = arith.constant 0 : i32
    %c0_i32_0 = arith.constant 0 : i32
    %c0_i32_1 = arith.constant 0 : i32
    return %c0_i32, %c0_i32_0 : i32, i32
  }
  func.func @transform_10(%arg0: i32) -> (i32, i32) {
    %c0_i32 = arith.constant 0 : i32
    %c0_i32_0 = arith.constant 0 : i32
    %c0_i32_1 = arith.constant 0 : i32
    return %c0_i32, %c0_i32_0 : i32, i32
  }
  func.func @transform_11(%arg0: i32) -> (i32, i32) {
    %c0_i32 = arith.constant 0 : i32
    %c0_i32_0 = arith.constant 0 : i32
    return %arg0, %c0_i32 : i32, i32
  }
  func.func @transform_12(%arg0: i32) -> (i32, i32) {
    %c0_i32 = arith.constant 0 : i32
    %c0_i32_0 = arith.constant 0 : i32
    %c0_i32_1 = arith.constant 0 : i32
    return %c0_i32, %c0_i32_0 : i32, i32
  }
}

module attributes {stable_mosaic.version = 14 : i64} {
  func.func @_node_body(%arg0: i32, %arg1: memref<2x2560x128xf32, #tpu.memory_space<vmem>>, %arg2: memref<2560x1xf32, #tpu.memory_space<vmem>>, %arg3: memref<2560x128xf32, #tpu.memory_space<vmem>>, %arg4: memref<2560x128xf32, #tpu.memory_space<vmem>>, %arg5: memref<128x128xf32, #tpu.memory_space<vmem>>, %arg6: memref<1x128xf32, #tpu.memory_space<vmem>>, %arg7: memref<128x128xf32, #tpu.memory_space<vmem>>, %arg8: memref<1x128xf32, #tpu.memory_space<vmem>>, %arg9: memref<128x128xf32, #tpu.memory_space<vmem>>, %arg10: memref<1x128xf32, #tpu.memory_space<vmem>>, %arg11: memref<128x128xf32, #tpu.memory_space<vmem>>, %arg12: memref<1x128xf32, #tpu.memory_space<vmem>>, %arg13: memref<1x1xf32, #tpu.memory_space<smem>>, %arg14: memref<2560x128xf32, #tpu.memory_space<vmem>>) attributes {dimension_semantics = [#tpu.dimension_semantics<arbitrary>], iteration_bounds = array<i64: 4>, scalar_prefetch = 0 : i64, scratch_operands = 0 : i64, tpu.core_type = #tpu.core_type<tc>, window_params = [{transform_indices = @transform_0, window_bounds = array<i64: 2, 2560, 128>}, {transform_indices = @transform_1, window_bounds = array<i64: 2560, 1>}, {transform_indices = @transform_2, window_bounds = array<i64: 2560, 128>}, {transform_indices = @transform_3, window_bounds = array<i64: 2560, 128>}, {pipeline_mode = #tpu.pipeline_mode<synchronous>, transform_indices = @transform_4, window_bounds = array<i64: 128, 128>}, {pipeline_mode = #tpu.pipeline_mode<synchronous>, transform_indices = @transform_5, window_bounds = array<i64: 1, 128>}, {pipeline_mode = #tpu.pipeline_mode<synchronous>, transform_indices = @transform_6, window_bounds = array<i64: 128, 128>}, {pipeline_mode = #tpu.pipeline_mode<synchronous>, transform_indices = @transform_7, window_bounds = array<i64: 1, 128>}, {pipeline_mode = #tpu.pipeline_mode<synchronous>, transform_indices = @transform_8, window_bounds = array<i64: 128, 128>}, {pipeline_mode = #tpu.pipeline_mode<synchronous>, transform_indices = @transform_9, window_bounds = array<i64: 1, 128>}, {pipeline_mode = #tpu.pipeline_mode<synchronous>, transform_indices = @transform_10, window_bounds = array<i64: 128, 128>}, {pipeline_mode = #tpu.pipeline_mode<synchronous>, transform_indices = @transform_11, window_bounds = array<i64: 1, 128>}, {transform_indices = @transform_12, window_bounds = array<i64: 1, 1>}, {transform_indices = @transform_13, window_bounds = array<i64: 2560, 128>}]} {
    %get3A = arith.constant 0 : index
    %get3A_0 = arith.constant 0 : index
    %get3A_1 = arith.constant 0 : index
    %get3A_2 = vector.load %arg1[%get3A, %get3A_0, %get3A_1] : memref<2x2560x128xf32, #tpu.memory_space<vmem>>, vector<1x2560x128xf32>
    %get3A_3 = vector.shape_cast %get3A_2 : vector<1x2560x128xf32> to vector<2560x128xf32>
    %get3A_4 = arith.constant 1 : index
    %get3A_5 = arith.constant 0 : index
    %get3A_6 = arith.constant 0 : index
    %get3A_7 = vector.load %arg1[%get3A_4, %get3A_5, %get3A_6] : memref<2x2560x128xf32, #tpu.memory_space<vmem>>, vector<1x2560x128xf32>
    %get3A_8 = vector.shape_cast %get3A_7 : vector<1x2560x128xf32> to vector<2560x128xf32>
    %add3A = arith.addf %get3A_3, %get3A_8 : vector<2560x128xf32>
    %get3A_9 = arith.constant 0 : index
    %get3A_10 = arith.constant 0 : index
    %get3A_11 = vector.load %arg2[%get3A_9, %get3A_10] : memref<2560x1xf32, #tpu.memory_space<vmem>>, vector<2560x1xf32>
    %max3A = arith.constant 9.99999993E-9 : f32
    %max3A_12 = vector.broadcast %max3A : f32 to vector<2560x1xf32>
    %max3A_13 = arith.maximumf %get3A_11, %max3A_12 : vector<2560x1xf32>
    %div3A = vector.broadcast %max3A_13 : vector<2560x1xf32> to vector<2560x128xf32>
    %div3A_14 = arith.divf %add3A, %div3A : vector<2560x128xf32>
    %get3A_15 = arith.constant 0 : index
    %get3A_16 = arith.constant 0 : index
    %get3A_17 = vector.load %arg5[%get3A_15, %get3A_16] : memref<128x128xf32, #tpu.memory_space<vmem>>, vector<128x128xf32>
    %dot_general3A = arith.constant dense<0.000000e+00> : vector<2560x128xf32>
    %dot_general3A_18 = tpu.matmul %div3A_14, %get3A_17, %dot_general3A {dimension_numbers = #tpu.dot_dimension_numbers<[1], [1], [0], [0], [0, 0, 1, 0], [], []>, transpose_lhs_hint = false} : vector<2560x128xf32>, vector<128x128xf32>, vector<2560x128xf32> -> vector<2560x128xf32>
    %get3A_19 = arith.constant 0 : index
    %get3A_20 = arith.constant 0 : index
    %get3A_21 = vector.load %arg6[%get3A_19, %get3A_20] : memref<1x128xf32, #tpu.memory_space<vmem>>, vector<1x128xf32>
    %add3A_22 = vector.broadcast %get3A_21 : vector<1x128xf32> to vector<2560x128xf32>
    %add3A_23 = arith.addf %dot_general3A_18, %add3A_22 : vector<2560x128xf32>
    %mul3A = arith.constant -1.44269502 : f32
    %mul3A_24 = vector.broadcast %mul3A : f32 to vector<2560x128xf32>
    %mul3A_25 = arith.mulf %mul3A_24, %add3A_23 : vector<2560x128xf32>
    %jit3A = arith.constant -9.000000e+01 : f32
    %jit3A_26 = arith.constant 9.000000e+01 : f32
    %max3A_27 = vector.broadcast %jit3A : f32 to vector<2560x128xf32>
    %max3A_28 = arith.maximumf %max3A_27, %mul3A_25 : vector<2560x128xf32>
    %min3A = vector.broadcast %jit3A_26 : f32 to vector<2560x128xf32>
    %min3A_29 = arith.minimumf %min3A, %max3A_28 : vector<2560x128xf32>
    %floor3A = math.floor %min3A_29 : vector<2560x128xf32>
    %sub3A = arith.subf %min3A_29, %floor3A : vector<2560x128xf32>
    %mul3A_30 = arith.constant 0.0790199413 : f32
    %mul3A_31 = vector.broadcast %mul3A_30 : f32 to vector<2560x128xf32>
    %mul3A_32 = arith.mulf %mul3A_31, %sub3A : vector<2560x128xf32>
    %add3A_33 = arith.constant 0.224126443 : f32
    %add3A_34 = vector.broadcast %add3A_33 : f32 to vector<2560x128xf32>
    %add3A_35 = arith.addf %mul3A_32, %add3A_34 : vector<2560x128xf32>
    %mul3A_36 = arith.mulf %add3A_35, %sub3A : vector<2560x128xf32>
    %add3A_37 = arith.constant 0.696838557 : f32
    %add3A_38 = vector.broadcast %add3A_37 : f32 to vector<2560x128xf32>
    %add3A_39 = arith.addf %mul3A_36, %add3A_38 : vector<2560x128xf32>
    %mul3A_40 = arith.mulf %add3A_39, %sub3A : vector<2560x128xf32>
    %add3A_41 = arith.constant 0.999811947 : f32
    %add3A_42 = vector.broadcast %add3A_41 : f32 to vector<2560x128xf32>
    %add3A_43 = arith.addf %mul3A_40, %add3A_42 : vector<2560x128xf32>
    %convert_element_type3A = arith.fptosi %floor3A : vector<2560x128xf32> to vector<2560x128xi32>
    %add3A_44 = arith.constant 127 : i32
    %add3A_45 = vector.broadcast %add3A_44 : i32 to vector<2560x128xi32>
    %add3A_46 = arith.addi %convert_element_type3A, %add3A_45 : vector<2560x128xi32>
    %shift_left3A = arith.constant 23 : i32
    %shift_left3A_47 = vector.broadcast %shift_left3A : i32 to vector<2560x128xi32>
    %shift_left3A_48 = arith.shli %add3A_46, %shift_left3A_47 : vector<2560x128xi32>
    %bitcast_convert_type3A = tpu.bitcast %shift_left3A_48 : vector<2560x128xi32> -> vector<2560x128xf32>
    %mul3A_49 = arith.mulf %add3A_43, %bitcast_convert_type3A : vector<2560x128xf32>
    %add3A_50 = arith.constant 1.000000e+00 : f32
    %add3A_51 = vector.broadcast %add3A_50 : f32 to vector<2560x128xf32>
    %add3A_52 = arith.addf %add3A_51, %mul3A_49 : vector<2560x128xf32>
    %bitcast_convert_type3A_53 = tpu.bitcast %add3A_52 : vector<2560x128xf32> -> vector<2560x128xi32>
    %sub3A_54 = arith.constant 2129859011 : i32
    %sub3A_55 = vector.broadcast %sub3A_54 : i32 to vector<2560x128xi32>
    %sub3A_56 = arith.subi %sub3A_55, %bitcast_convert_type3A_53 : vector<2560x128xi32>
    %bitcast_convert_type3A_57 = tpu.bitcast %sub3A_56 : vector<2560x128xi32> -> vector<2560x128xf32>
    %mul3A_58 = arith.mulf %add3A_52, %bitcast_convert_type3A_57 : vector<2560x128xf32>
    %sub3A_59 = arith.constant 2.000000e+00 : f32
    %sub3A_60 = vector.broadcast %sub3A_59 : f32 to vector<2560x128xf32>
    %sub3A_61 = arith.subf %sub3A_60, %mul3A_58 : vector<2560x128xf32>
    %mul3A_62 = arith.mulf %bitcast_convert_type3A_57, %sub3A_61 : vector<2560x128xf32>
    %mul3A_63 = arith.mulf %add3A_52, %mul3A_62 : vector<2560x128xf32>
    %sub3A_64 = arith.constant 2.000000e+00 : f32
    %sub3A_65 = vector.broadcast %sub3A_64 : f32 to vector<2560x128xf32>
    %sub3A_66 = arith.subf %sub3A_65, %mul3A_63 : vector<2560x128xf32>
    %mul3A_67 = arith.mulf %mul3A_62, %sub3A_66 : vector<2560x128xf32>
    %mul3A_68 = arith.mulf %add3A_23, %mul3A_67 : vector<2560x128xf32>
    %get3A_69 = arith.constant 0 : index
    %get3A_70 = arith.constant 0 : index
    %get3A_71 = vector.load %arg7[%get3A_69, %get3A_70] : memref<128x128xf32, #tpu.memory_space<vmem>>, vector<128x128xf32>
    %dot_general3A_72 = arith.constant dense<0.000000e+00> : vector<2560x128xf32>
    %dot_general3A_73 = tpu.matmul %mul3A_68, %get3A_71, %dot_general3A_72 {dimension_numbers = #tpu.dot_dimension_numbers<[1], [1], [0], [0], [0, 0, 1, 0], [], []>, transpose_lhs_hint = false} : vector<2560x128xf32>, vector<128x128xf32>, vector<2560x128xf32> -> vector<2560x128xf32>
    %get3A_74 = arith.constant 0 : index
    %get3A_75 = arith.constant 0 : index
    %get3A_76 = vector.load %arg8[%get3A_74, %get3A_75] : memref<1x128xf32, #tpu.memory_space<vmem>>, vector<1x128xf32>
    %add3A_77 = vector.broadcast %get3A_76 : vector<1x128xf32> to vector<2560x128xf32>
    %add3A_78 = arith.addf %dot_general3A_73, %add3A_77 : vector<2560x128xf32>
    %get3A_79 = arith.constant 0 : index
    %get3A_80 = arith.constant 0 : index
    %get3A_81 = vector.load %arg3[%get3A_79, %get3A_80] : memref<2560x128xf32, #tpu.memory_space<vmem>>, vector<2560x128xf32>
    %get3A_82 = arith.constant 0 : index
    %get3A_83 = arith.constant 0 : index
    %get3A_84 = vector.load %arg9[%get3A_82, %get3A_83] : memref<128x128xf32, #tpu.memory_space<vmem>>, vector<128x128xf32>
    %dot_general3A_85 = arith.constant dense<0.000000e+00> : vector<2560x128xf32>
    %dot_general3A_86 = tpu.matmul %get3A_81, %get3A_84, %dot_general3A_85 {dimension_numbers = #tpu.dot_dimension_numbers<[1], [1], [0], [0], [0, 0, 1, 0], [], []>, transpose_lhs_hint = false} : vector<2560x128xf32>, vector<128x128xf32>, vector<2560x128xf32> -> vector<2560x128xf32>
    %get3A_87 = arith.constant 0 : index
    %get3A_88 = arith.constant 0 : index
    %get3A_89 = vector.load %arg10[%get3A_87, %get3A_88] : memref<1x128xf32, #tpu.memory_space<vmem>>, vector<1x128xf32>
    %add3A_90 = vector.broadcast %get3A_89 : vector<1x128xf32> to vector<2560x128xf32>
    %add3A_91 = arith.addf %dot_general3A_86, %add3A_90 : vector<2560x128xf32>
    %get3A_92 = arith.constant 0 : index
    %get3A_93 = arith.constant 0 : index
    %get3A_94 = vector.load %arg11[%get3A_92, %get3A_93] : memref<128x128xf32, #tpu.memory_space<vmem>>, vector<128x128xf32>
    %dot_general3A_95 = arith.constant dense<0.000000e+00> : vector<2560x128xf32>
    %dot_general3A_96 = tpu.matmul %add3A_78, %get3A_94, %dot_general3A_95 {dimension_numbers = #tpu.dot_dimension_numbers<[1], [1], [0], [0], [0, 0, 1, 0], [], []>, transpose_lhs_hint = false} : vector<2560x128xf32>, vector<128x128xf32>, vector<2560x128xf32> -> vector<2560x128xf32>
    %add3A_97 = arith.addf %add3A_91, %dot_general3A_96 : vector<2560x128xf32>
    %get3A_98 = arith.constant 0 : index
    %get3A_99 = arith.constant 0 : index
    %get3A_100 = vector.load %arg12[%get3A_98, %get3A_99] : memref<1x128xf32, #tpu.memory_space<vmem>>, vector<1x128xf32>
    %add3A_101 = vector.broadcast %get3A_100 : vector<1x128xf32> to vector<2560x128xf32>
    %add3A_102 = arith.addf %add3A_97, %add3A_101 : vector<2560x128xf32>
    %get3A_103 = arith.constant 0 : index
    %get3A_104 = arith.constant 0 : index
    %get3A_105 = vector.load %arg4[%get3A_103, %get3A_104] : memref<2560x128xf32, #tpu.memory_space<vmem>>, vector<2560x128xf32>
    %get3A_106 = arith.constant 0 : index
    %get3A_107 = arith.constant 0 : index
    %get3A_108 = memref.load %arg13[%get3A_106, %get3A_107] : memref<1x1xf32, #tpu.memory_space<smem>>
    %mul3A_109 = vector.broadcast %get3A_108 : f32 to vector<2560x128xf32>
    %mul3A_110 = arith.mulf %mul3A_109, %add3A_102 : vector<2560x128xf32>
    %add3A_111 = arith.addf %get3A_105, %mul3A_110 : vector<2560x128xf32>
    %swap3A = arith.constant 0 : index
    %swap3A_112 = arith.constant 0 : index
    %swap3A_113 = vector.load %arg14[%swap3A, %swap3A_112] : memref<2560x128xf32, #tpu.memory_space<vmem>>, vector<2560x128xf32>
    tpu.vector_store %arg14[%swap3A, %swap3A_112], %add3A_111 {strides = array<i32>} : memref<2560x128xf32, #tpu.memory_space<vmem>>, vector<2560x128xf32>,
    return
  }
  func.func @transform_0(%arg0: i32) -> (i32, i32, i32) {
    %c0_i32 = arith.constant 0 : i32
    %c0_i32_0 = arith.constant 0 : i32
    %c0_i32_1 = arith.constant 0 : i32
    return %c0_i32, %arg0, %c0_i32_0 : i32, i32, i32
  }
  func.func @transform_1(%arg0: i32) -> (i32, i32) {
    %c0_i32 = arith.constant 0 : i32
    %c0_i32_0 = arith.constant 0 : i32
    return %arg0, %c0_i32 : i32, i32
  }
  func.func @transform_2(%arg0: i32) -> (i32, i32) {
    %c0_i32 = arith.constant 0 : i32
    %c0_i32_0 = arith.constant 0 : i32
    return %arg0, %c0_i32 : i32, i32
  }
  func.func @transform_3(%arg0: i32) -> (i32, i32) {
    %c0_i32 = arith.constant 0 : i32
    %c0_i32_0 = arith.constant 0 : i32
    return %arg0, %c0_i32 : i32, i32
  }
  func.func @transform_4(%arg0: i32) -> (i32, i32) {
    %c0_i32 = arith.constant 0 : i32
    %c0_i32_0 = arith.constant 0 : i32
    %c0_i32_1 = arith.constant 0 : i32
    return %c0_i32, %c0_i32_0 : i32, i32
  }
  func.func @transform_5(%arg0: i32) -> (i32, i32) {
    %c0_i32 = arith.constant 0 : i32
    %c0_i32_0 = arith.constant 0 : i32
    %c0_i32_1 = arith.constant 0 : i32
    return %c0_i32, %c0_i32_0 : i32, i32
  }
  func.func @transform_6(%arg0: i32) -> (i32, i32) {
    %c0_i32 = arith.constant 0 : i32
    %c0_i32_0 = arith.constant 0 : i32
    %c0_i32_1 = arith.constant 0 : i32
    return %c0_i32, %c0_i32_0 : i32, i32
  }
  func.func @transform_7(%arg0: i32) -> (i32, i32) {
    %c0_i32 = arith.constant 0 : i32
    %c0_i32_0 = arith.constant 0 : i32
    %c0_i32_1 = arith.constant 0 : i32
    return %c0_i32, %c0_i32_0 : i32, i32
  }
  func.func @transform_8(%arg0: i32) -> (i32, i32) {
    %c0_i32 = arith.constant 0 : i32
    %c0_i32_0 = arith.constant 0 : i32
    %c0_i32_1 = arith.constant 0 : i32
    return %c0_i32, %c0_i32_0 : i32, i32
  }
  func.func @transform_9(%arg0: i32) -> (i32, i32) {
    %c0_i32 = arith.constant 0 : i32
    %c0_i32_0 = arith.constant 0 : i32
    %c0_i32_1 = arith.constant 0 : i32
    return %c0_i32, %c0_i32_0 : i32, i32
  }
  func.func @transform_10(%arg0: i32) -> (i32, i32) {
    %c0_i32 = arith.constant 0 : i32
    %c0_i32_0 = arith.constant 0 : i32
    %c0_i32_1 = arith.constant 0 : i32
    return %c0_i32, %c0_i32_0 : i32, i32
  }
  func.func @transform_11(%arg0: i32) -> (i32, i32) {
    %c0_i32 = arith.constant 0 : i32
    %c0_i32_0 = arith.constant 0 : i32
    %c0_i32_1 = arith.constant 0 : i32
    return %c0_i32, %c0_i32_0 : i32, i32
  }
  func.func @transform_12(%arg0: i32) -> (i32, i32) {
    %c0_i32 = arith.constant 0 : i32
    %c0_i32_0 = arith.constant 0 : i32
    %c0_i32_1 = arith.constant 0 : i32
    return %c0_i32, %c0_i32_0 : i32, i32
  }
  func.func @transform_13(%arg0: i32) -> (i32, i32) {
    %c0_i32 = arith.constant 0 : i32
    %c0_i32_0 = arith.constant 0 : i32
    return %arg0, %c0_i32 : i32, i32
  }
}

</mosaic_0001>

<sc_bundles>
// kernel: kernel.6.cloned.1.call-start
scs
__scs_entry_jumppad:
0x0: {  	(pc) =	sbr.rel $0x88, $3  }
0x1: {  	(tag) =	ssettag $0x0;
	lr =	simm.s32 $0x1  }
0x2: {  	[smem:$0x3F87] =	sst lr;
	_ =	strace $0xD0000000  }
0x3: {  	_ = 	snop  }
0x4: {  	_ = 	snop  }
0x5: {  	_ = 	snop  }
0x6: {  	_ = 	snop  }
0x7: {  	_ = 	snop  }
__scs_overlays_trampoline_lowered:
0x8: {  	[smem:$0x3F96] =	sst s0  }
0x9: {  	[smem:$0x3F97] =	sst s1  }
0xa: {  	[smem:$0x3F98] =	sst s2  }
0xb: {  	[smem:$0x3F99] =	sst s3  }
0xc: {  	[smem:$0x3F9A] =	sst s4  }
0xd: {  	[smem:$0x3F9B] =	sst s5  }
0xe: {  	[smem:$0x3F9C] =	sst s6  }
0xf: {  	[smem:$0x3F9D] =	sst s7  }
0x10: {  	[smem:$0x3F9E] =	sst s8  }
0x11: {  	[smem:$0x3F9F] =	sst s9;
	s0 =	simm.s32 @!p0 $0x0  }
0x12: {  	s1 =	sld [smem:$0x3F85];
	s0 =	simm.s32 @p0 $0x1  }
0x13: {  	[smem:$0x3FA0] =	sst s0;
	s0 =	simm.s32 @!p1 $0x0  }
0x14: {  	s2 =	sld [smem:$0x3F84];
	s0 =	simm.s32 @p1 $0x1  }
0x15: {  	[smem:$0x3FA1] =	sst s0;
	s0 =	simm.s32 @!p2 $0x0  }
0x16: {  	s3 =	sld [smem:$0x3FDB];
	s0 =	simm.s32 @p2 $0x1  }
0x17: {  	s4 =	simm.s32 $0x1BF5;
	[smem:$0x3FA3] =	sst s0  }
0x18: {  	s0 =	sld [smem:$0x3F86];
	_ =	swait.ge [sflag:s4], $0x0  }
0x19: {  	s7 =	sld [smem:$0x3F87]  }
0x1a: {  	s8 =	sadd.s32 $0xFFFFE003, lr  }
0x1b: {  	s9 =	sadd.s32 $0xFFFFFEF7, lr;
	s5 =	simm.s32 $0xFFFFFFFF;
	p2 =	slt.u32 s8, $0xFFFFF086  }
0x1c: {  	p1 =	slt.u32 s9, $0xF7A;
	s5 =	simm.s32 @!p2 $0x0  }
0x1d: {  	s5 =	simm.s32 @p1 $0x1;
	p0 =	seq.s32 s7, s2  }
0x1e: {  	s7 =	smul.u32 @!p0 $0xF7A, s2;
	p2 =	seq.s32 @!p0 s5, $0x0  }
0x1f: {  	s9 =	smul.u32 $0xF7A, s1;
	s8 =	simm.s32 @!p0 $0x1BF5;
	p2 =	por !p2, p0  }
0x20: {  	[sflag:s8] =	ssyncset.s32 @!p0 $0xFFFFF086;
	s6 =	sadd.s32 @!p0 s3, s7;
	s7 =	simm.s32 @!p0 $0x108  }
0x21: {  	s3 =	sadd.s32 s3, s9;
	s6 =	sadd.s32 @!p0 $0x88, s6;
	s7 =	simm.s32 @p2 $0x1082  }
0x22: {  	[simem:s7], [sflag:s8] =	dma.local @!p0 [hbm:s6], $0xF7A  }
0x23: {  	s9 =	sor.u32 $0xD0000000, s2;
	s6 =	simm.s32 $0x108;
	_ =	swait.ge @!p0 [sflag:s8], $0x0  }
0x24: {  	s3 =	sadd.s32 $0x88, s3;
	s6 =	simm.s32 @!p1 $0x1082;
	[sflag:s4] =	ssyncset.s32 $0xFFFFF086  }
0x25: {  	[simem:s6], [sflag:s4] =	dma.local [hbm:s3], $0xF7A  }
0x26: {  	[smem:$0x3F87] =	sst s1;
	(tag) =	ssettag s2;
	_ =	strace s9  }
0x27: {  	s1 =	sld [smem:$0x3F97]  }
0x28: {  	s2 =	sld [smem:$0x3F98]  }
0x29: {  	s4 =	sld [smem:$0x3F9A]  }
0x2a: {  	p0 =	seq.s32 s5, $0x0;
	s5 =	sld [smem:$0x3F9B]  }
0x2b: {  	s6 =	sld [smem:$0x3F9C]  }
0x2c: {  	s7 =	sld [smem:$0x3F9D]  }
0x2d: {  	s3 =	simm.s32 $0x108;
	s8 =	sld [smem:$0x3F9E]  }
0x2e: {  	s3 =	simm.s32 @!p0 $0x1082;
	s9 =	sld [smem:$0x3F9F]  }
0x2f: {  	lr =	sadd.s32 s0, s3;
	s0 =	sld [smem:$0x3F96]  }
0x30: {  	s3 =	sld [smem:$0x3F99]  }
0x31: {  	[smem:$0x3FA2] =	sst s10  }
0x32: {  	s10 =	sld [smem:$0x3FA0];
	_ =	sdelay $0x3  }
0x33: {  	p0 =	seq.s32 s10, $0x1;
	s10 =	sld [smem:$0x3FA2];
	_ =	sdelay $0x3  }
0x34: {  	[smem:$0x3FA2] =	sst s10  }
0x35: {  	s10 =	sld [smem:$0x3FA1];
	_ =	sdelay $0x3  }
0x36: {  	p1 =	seq.s32 s10, $0x1;
	s10 =	sld [smem:$0x3FA2];
	_ =	sdelay $0x3  }
0x37: {  	[smem:$0x3FA2] =	sst s10  }
0x38: {  	s10 =	sld [smem:$0x3FA3]  }
0x39: {  	_ = 	snop;
	(pc) =	sbr.ind lr, $3  }
0x3a: {  	_ = 	snop  }
0x3b: {  	_ = 	snop  }
0x3c: {  	p2 =	seq.s32 s10, $0x1;
	s10 =	sld [smem:$0x3FA2]  }
0x3d: {  	_ =	shalt  }
0x3e: {  	_ =	shalt  }
0x3f: {  	_ =	shalt  }
0x40: {  	_ =	shalt  }
0x41: {  	_ =	shalt  }
0x42: {  	_ =	shalt  }
0x43: {  	_ =	shalt  }
0x44: {  	_ =	shalt  }
0x45: {  	_ =	shalt  }
0x46: {  	_ =	shalt  }
0x47: {  	_ =	shalt  }
0x48: {  	_ =	shalt  }
0x49: {  	_ =	shalt  }
0x4a: {  	_ =	shalt  }
0x4b: {  	_ =	shalt  }
0x4c: {  	_ =	shalt  }
0x4d: {  	_ =	shalt  }
0x4e: {  	_ =	shalt  }
0x4f: {  	_ =	shalt  }
0x50: {  	_ =	shalt  }
0x51: {  	_ =	shalt  }
0x52: {  	_ =	shalt  }
0x53: {  	_ =	shalt  }
0x54: {  	_ =	shalt  }
0x55: {  	_ =	shalt  }
0x56: {  	_ =	shalt  }
0x57: {  	_ =	shalt  }
0x58: {  	_ =	shalt  }
0x59: {  	_ =	shalt  }
0x5a: {  	_ =	shalt  }
0x5b: {  	_ =	shalt  }
0x5c: {  	_ =	shalt  }
0x5d: {  	_ =	shalt  }
0x5e: {  	_ =	shalt  }
0x5f: {  	_ =	shalt  }
0x60: {  	_ =	shalt  }
0x61: {  	_ =	shalt  }
0x62: {  	_ =	shalt  }
0x63: {  	_ =	shalt  }
0x64: {  	_ =	shalt  }
0x65: {  	_ =	shalt  }
0x66: {  	_ =	shalt  }
0x67: {  	_ =	shalt  }
0x68: {  	_ =	shalt  }
0x69: {  	_ =	shalt  }
0x6a: {  	_ =	shalt  }
0x6b: {  	_ =	shalt  }
0x6c: {  	_ =	shalt  }
0x6d: {  	_ =	shalt  }
0x6e: {  	_ =	shalt  }
0x6f: {  	_ =	shalt  }
0x70: {  	_ =	shalt  }
0x71: {  	_ =	shalt  }
0x72: {  	_ =	shalt  }
0x73: {  	_ =	shalt  }
0x74: {  	_ =	shalt  }
0x75: {  	_ =	shalt  }
0x76: {  	_ =	shalt  }
0x77: {  	_ =	shalt  }
0x78: {  	_ =	shalt  }
0x79: {  	_ =	shalt  }
0x7a: {  	_ =	shalt  }
0x7b: {  	_ =	shalt  }
0x7c: {  	_ =	shalt  }
0x7d: {  	_ =	shalt  }
0x7e: {  	_ =	shalt  }
0x7f: {  	_ =	shalt  }
0x80: {  	_ =	shalt  }
0x81: {  	_ =	shalt  }
0x82: {  	_ =	shalt  }
0x83: {  	_ =	shalt  }
0x84: {  	_ =	shalt  }
0x85: {  	_ =	shalt  }
0x86: {  	_ =	shalt  }
0x87: {  	_ =	shalt  }
.Lfunc_end0:
.L_simem_size_0:
called_computation_lowered:
.L_overlay_start_0:
0x88: {  	s2 =	sld [smem:$0x3FD9]  }
0x89: {  	s3 =	sld [smem:$0x3FFE];
	_ =	sdelay $0x1  }
0x8a: {  	s1 =	srdreg.scid  }
0x8b: {  	s0 =	sand.u32 $0x1, s1  }
0x8c: {  	s17 =	sshll.u32 s0, $0xA;
	s2 =	sadd.s32 s3, s2  }
0x8d: {  	s2 =	sadd.s32 s2, s17  }
0x8e: {  	[smem:$0x3FAE] =	sst s2  }
0x8f: {  	_ = 	snop  }
0x90: {  	s2 =	sld [smem:$0x3FD0];
	(tm) =	ssettm $0x1  }
0x91: {  	s18 =	sld [smem:$0x3FFB];
	_ =	sdelay $0x3  }
0x92: {  	_ =	strace s18  }
0x93: {  	s3 =	sld [smem:$0x3FFC];
	_ =	sdelay $0x3  }
0x94: {  	_ =	strace s3  }
0x95: {  	s3 =	sld [smem:$0x3FFD];
	_ =	sdelay $0x3  }
0x96: {  	_ =	strace s3  }
0x97: {  	_ =	strace $0x8FFFFFFF  }
0x98: {  	s19 =	sld [smem:$0x3FDB];
	_ =	sdelay $0x1  }
0x99: {  	s4 =	simm.s32 $_scs_section_size  }
0x9a: {  	s5 =	simm.s32 $_size__tile_overlayer_lowered;
	s6 =	simm.s32 $_tile_overlayer_lowered  }
0x9b: {  	s22 =	simm.s32 $0x1BFF;
	s21 =	sshll.u32 s6, $0x1;
	s3 =	sadd.s32 s4, s19  }
0x9c: {  	s7 =	simm.s32 $0x0;
	s20 =	sshll.u32 s5, $0x1;
	s5 =	sadd.s32 s21, s3  }
0x9d: {  	[timem:s7], [sflag:s22] =	dma.local [hbm:s5], s20  }
0x9e: {  	_ =	swait.ge [sflag:s22], s20  }
0x9f: {  	s4 =	ssub.s32 $0x0, s20;
	[sflag:s22] =	ssyncset.done $0x0  }
0xa0: {  	[sflag:s22] =	ssyncadd.s32 s4;
	_ =	sdelay $0x1  }
0xa1: {  	s23 =	simm.s32 $0x1B8B  }
0xa2: {  	_ =	swait.ge [sflag:s23], $0x1  }
0xa3: {  	[sflag:s23] =	ssyncset.done $0x0  }
0xa4: {  	s25 =	simm.s32 $0x1B8E;
	s24 =	sld [smem:$0x3FFE];
	[sflag:s23] =	ssyncadd.s32 $0xFFFFFFFF  }
0xa5: {  	s26 =	simm.s32 $execute0_lowered;
	[smem:$0x3FD2] =	sst s25  }
0xa6: {  	s5 =	sshll.u32 s26, $0x1;
	_ =	strace $0x80000046;
	[dreg:$0x1] =	wrdreg $0xFFFFFFFF  }
0xa7: {  	s28 =	simm.s32 $_size_execute0_lowered;
	s3 =	sadd.s32 s3, s5;
	[dreg:$0x0] =	wrdreg $0x0  }
0xa8: {  	s5 =	sshll.u32 s28, $0x1;
	[dreg:$0x2] =	wrdreg s3  }
0xa9: {  	[dreg:$0x3] =	wrdreg s5  }
0xaa: {  	[dreg:$0x4] =	wrdreg $0xC0  }
0xab: {  	_ =	task [dreg:s7], $0x5FFFF  }
0xac: {  	[dreg:$0x1] =	wrdreg $0xFFFFFFFF  }
0xad: {  	[dreg:$0x0] =	wrdreg $0x60  }
0xae: {  	[dreg:$0x2] =	wrdreg s2  }
0xaf: {  	[dreg:$0x3] =	wrdreg s24  }
0xb0: {  	[dreg:$0x4] =	wrdreg $0xBD000  }
0xb1: {  	[dreg:$0x5] =	wrdreg $0x9  }
0xb2: {  	_ =	task.clear_ibuf [dreg:s7], $0x6FFFF;
	_ =	strace $0x90000046  }
0xb3: {  	s29 =	simm.s32 $0x9;
	_ =	strace $0x80000048  }
0xb4: {  	_ =	swait.ge [sflag:s29], $0x1  }
0xb5: {  	[sflag:s29] =	ssyncadd.s32 $0xFFFFFFFF  }
0xb6: {  	_ =	strace $0x90000048  }
0xb7: {  	_ =	sfence  }
0xb8: {  	s30 =	sld [smem:$0x0];
	_ =	sdelay $0x2  }
0xb9: {  	s31 =	sshll.u32 s1, $0xD;
	s1 =	sshrl.u32 s1, $0x2  }
0xba: {  	s3 =	sand.u32 $0x4000, s31;
	s1 =	sadd.s32 s1, s30  }
0xbb: {  	s0 =	sor.u32 s3, s0;
	s1 =	sshll.u32 s1, $0x11  }
0xbc: {  	s0 =	sor.u32 s1, s0  }
0xbd: {  	s0 =	sadd.s32 $0x8F2B, s0  }
0xbe: {  	[sflag:s0] =	ssyncadd.remote.s32 $0x1  }
0xbf: {  	_ =	sfence.sel $0xFFFF  }
0xc0: {  	[dreg:$0x0] =	wrdreg $0xFFFFFFFF;
	(pc) =	sbr.abs _section_cstart, $3  }
0xc1: {  	[dreg:$0x1] =	wrdreg $0xFFFFFFFF  }
0xc2: {  	_ =	task.clear_ibuf [dreg:s7], $0x2FFFF;
	_ =	strace $0x9FFFFFFF  }
0xc3: {  	(tm) =	ssettm $0x7FFFFFFF  }
tec
execute0_lowered:
.L_overlay_start_1:
0x0: {  	(tag) =	ssettag $0x1  }
0x1: {  	s1 =	rddreg [dreg:$0x0]  }
0x2: {  	s4 =	rddreg [dreg:$0x1];
	s0 =	srdreg.scid;
	s2 =	simm.s32 $0x0  }
0x3: {  	s16 =	stileid.u32;
	s31 =	simm.s32 $0x4;
	s5 =	sand.u32 $0x1, s0  }
0x4: {  	s21 =	sshll.u32 s16, $0x1;
	s7 =	smul.u32 $0x14000, s16;
	[smem:$0x7FF] =	sst s2  }
0x5: {  	s8 =	sadd.s32 $0x18800, s4;
	s6 =	ssub.s32 $0x2, s5;
	s3 =	sor.u32 s5, s21  }
0x6: {  	s5 =	smul.u32 $0x140000, s5;
	s22 =	sshrl.u32 s6, $0x1;
	s9 =	sadd.s32 $0x4000, s7  }
0x7: {  	s10 =	sadd.s32 $0x6000, s7;
	s11 =	sadd.s32 $0x8000, s7;
	s12 =	sadd.s32 $0xA000, s7  }
0x8: {  	s14 =	sadd.s32 $0xC000, s7;
	s17 =	sadd.s32 $0xE000, s7;
	s18 =	sadd.s32 $0x10000, s7  }
0x9: {  	s0 =	ssub.s32 s6, s22;
	s6 =	sor.u32 $0x2000, s7;
	s13 =	sadd.s32 s7, s5  }
0xa: {  	s7 =	sadd.s32 $0x12000, s7;
	s24 =	sadd.s32 s5, s9;
	s26 =	sadd.s32 s5, s10  }
0xb: {  	s29 =	sadd.s32 s5, s11;
	s19 =	sadd.s32 s5, s12;
	s21 =	sadd.s32 s5, s14  }
0xc: {  	s13 =	sshrl.u32 s13, $0x3;
	s15 =	sadd.s32 s5, s6;
	s25 =	sshrl.u32 s24, $0x3  }
0xd: {  	s28 =	sshrl.u32 s26, $0x3;
	s20 =	sshrl.u32 s19, $0x3;
	s22 =	sshrl.u32 s21, $0x3  }
0xe: {  	s19 =	sadd.s32 $0xE200, s4;
	s0 =	smax.u32 s0, $0x1;
	s13 =	sadd.s32 s8, s13  }
0xf: {  	s23 =	sshrl.u32 s15, $0x3;
	s15 =	sshrl.u32 s29, $0x3;
	s29 =	smul.u32 $0x50000, s16  }
0x10: {  	[dreg:$0x4] =	wrdreg s13;
	s13 =	sadd.s32 s8, s23;
	s23 =	sadd.s32 s5, s17  }
0x11: {  	[dreg:$0x5] =	wrdreg s13;
	s13 =	sadd.s32 s8, s25;
	s25 =	sadd.s32 s5, s18  }
0x12: {  	s5 =	sadd.s32 s5, s7;
	[dreg:$0x6] =	wrdreg s13;
	s13 =	sadd.s32 s8, s28  }
0x13: {  	s24 =	sshrl.u32 s23, $0x3;
	s5 =	sshrl.u32 s5, $0x3;
	[dreg:$0x7] =	wrdreg s13  }
0x14: {  	s28 =	smul.u32 $0x500, s3;
	s13 =	sadd.s32 s8, s15;
	s15 =	rddreg [dreg:$0x2]  }
0x15: {  	s26 =	sshrl.u32 s25, $0x3;
	s5 =	sadd.s32 s8, s5;
	[dreg:$0x8] =	wrdreg s13  }
0x16: {  	s13 =	sadd.s32 s8, s20;
	[dreg:$0xd] =	wrdreg s5;
	s5 =	sadd.s32 s28, s4  }
0x17: {  	s25 =	sadd.s32 s9, s15;
	s10 =	sadd.s32 s10, s15;
	s11 =	sadd.s32 s11, s15  }
0x18: {  	s12 =	sadd.s32 s12, s15;
	[dreg:$0x9] =	wrdreg s13;
	s13 =	sadd.s32 s8, s22  }
0x19: {  	s21 =	sadd.s32 s17, s15;
	[dreg:$0xa] =	wrdreg s13;
	s13 =	sadd.s32 s8, s24  }
0x1a: {  	s30 =	sadd.s32 s7, s15;
	[dreg:$0xb] =	wrdreg s13;
	s13 =	sadd.s32 s8, s26  }
0x1b: {  	s7 =	simm.s32 $0x7;
	s17 =	simm.s32 $0x3;
	[dreg:$0xc] =	wrdreg s13  }
0x1c: {  	s9 =	simm.s32 $0x2;
	_ =	strace $0x80000047;
	[dreg:$0x10] =	wrdreg s10  }
0x1d: {  	s22 =	sadd.s32 s18, s15;
	s5 =	sadd.s32 $0x4000, s5;
	[dreg:$0x11] =	wrdreg s11  }
0x1e: {  	s18 =	simm.s32 $0x3C00;
	s24 =	sadd.s32 s6, s15;
	[dreg:$0x12] =	wrdreg s12  }
0x1f: {  	s6 =	simm.s32 $0x3D00;
	s26 =	smul.u32 $0x28000, s3;
	[dreg:$0x14] =	wrdreg s21  }
0x20: {  	s8 =	sshrl.u32 s29, $0x2;
	s13 =	smul.u32 $0x2800, s3;
	[dreg:$0x15] =	wrdreg s22  }
0x21: {  	s23 =	sadd.s32 s8, s15;
	s3 =	smul.u32 $0x140000, s3;
	[dreg:$0x16] =	wrdreg s5  }
0x22: {  	s8 =	simm.s32 $0x40;
	[dreg:$0x19] =	wrdreg s0;
	s16 =	sadd.s32 $0x1400, s13  }
0x23: {  	s10 =	simm.s32 $0x5D00;
	s12 =	simm.s32 $0x9D00;
	s20 =	sshrl.u32 s16, $0x3  }
0x24: {  	s11 =	simm.s32 $0x3C80;
	s0 =	simm.s32 $0x6;
	s20 =	sadd.s32 s19, s20  }
0x25: {  	s3 =	sor.u32 $0x2000, s3;
	s19 =	sadd.s32 s19, s28;
	[dreg:$0xe] =	wrdreg s20  }
0x26: {  	[dreg:$0xf] =	wrdreg s19;
	s19 =	sadd.s32 $0x5FE000, s4;
	s20 =	sadd.s32 s14, s15  }
0x27: {  	s28 =	sshll.u32 s16, $0x4;
	[dreg:$0x13] =	wrdreg s20;
	s4 =	sadd.s32 s19, s26  }
0x28: {  	s14 =	simm.s32 $0x1;
	s29 =	sadd.s32 s19, s28;
	[dreg:$0x17] =	wrdreg s4  }
0x29: {  	v0 =	vimm.f32 $0.0e+00;
	[dreg:$0x18] =	wrdreg s29;
	s5 =	sadd.s32 $0x400, s29;
	s4 =	simm.s32 $0x5  }
.LBB2_1:
0x2a: {  	s20 =	simm.s32 $0x0;
	s21 =	simm.s32 $0x200  }
.LBB2_2:
0x2b: {  	p0 =	sne.s32 s21, $0x7E00;
	[tilespmem:s20+$0x3D70] =	vst v0  }
0x2c: {  	[tilespmem:s20+$0x3D00] =	vst v0  }
0x2d: {  	[tilespmem:s20+$0x3D10] =	vst v0  }
.Ltmp0:
0x2e: {  	[tilespmem:s20+$0x3D20] =	vst v0;
	(pc) =	sbr.rel @p0 .LBB2_2-.Ltmp0, $4  }
0x2f: {  	[tilespmem:s20+$0x3D30] =	vst v0  }
0x30: {  	[tilespmem:s20+$0x3D40] =	vst v0  }
0x31: {  	[tilespmem:s20+$0x3D50] =	vst v0  }
0x32: {  	[tilespmem:s20+$0x3D60] =	vst v0;
	s20 =	sshra.s32 s21, $0x2;
	s21 =	sadd.s32 $0x200, s21  }
0x33: {  	[tilespmem:s20+$0x3D70] =	vst v0  }
0x34: {  	[tilespmem:s20+$0x3D00] =	vst v0  }
0x35: {  	[tilespmem:s20+$0x3D10] =	vst v0  }
0x36: {  	[tilespmem:s20+$0x3D20] =	vst v0  }
0x37: {  	[tilespmem:s20+$0x3D30] =	vst v0  }
0x38: {  	[tilespmem:s20+$0x3D40] =	vst v0  }
0x39: {  	[tilespmem:s20+$0x3D50] =	vst v0  }
0x3a: {  	[tilespmem:s20+$0x3D60] =	vst v0  }
0x3b: {  	[spmem:s23] =	stream.linear.scatter [tilespmem:s6], [sflag:$0x7], $0x2000, $0x38;
	[tilespmem:$0x1FD00] =	vst v63  }
0x3c: {  	_ =	swait.ge [sflag:s7], $0x2000  }
0x3d: {  	[sflag:s7] =	ssyncset.done $0x0  }
0x3e: {  	[sflag:s7] =	ssyncadd.s32 $0xFFFFE000  }
0x3f: {  	[spmem:s24] =	stream.linear.scatter [tilespmem:s6], [sflag:$0x7], $0x2000, $0x38;
	[tilespmem:$0x1FD00] =	vst v63  }
0x40: {  	_ =	swait.ge [sflag:s7], $0x2000  }
0x41: {  	[sflag:s7] =	ssyncset.done $0x0  }
0x42: {  	[sflag:s7] =	ssyncadd.s32 $0xFFFFE000  }
0x43: {  	[spmem:s25] =	stream.linear.scatter [tilespmem:s6], [sflag:$0x7], $0x2000, $0x38;
	[tilespmem:$0x1FD00] =	vst v63  }
0x44: {  	_ =	swait.ge [sflag:s7], $0x2000  }
0x45: {  	[sflag:s7] =	ssyncset.done $0x0  }
0x46: {  	s22 =	rddreg [dreg:$0x10];
	[sflag:s7] =	ssyncadd.s32 $0xFFFFE000  }
0x47: {  	[spmem:s22] =	stream.linear.scatter [tilespmem:s6], [sflag:$0x7], $0x2000, $0x38;
	[tilespmem:$0x1FD00] =	vst v63  }
0x48: {  	_ =	swait.ge [sflag:s7], $0x2000  }
0x49: {  	[sflag:s7] =	ssyncset.done $0x0  }
0x4a: {  	s26 =	smov.u32 s23;
	s23 =	rddreg [dreg:$0x11];
	[sflag:s7] =	ssyncadd.s32 $0xFFFFE000  }
0x4b: {  	[spmem:s23] =	stream.linear.scatter [tilespmem:s6], [sflag:$0x7], $0x2000, $0x38;
	[tilespmem:$0x1FD00] =	vst v63  }
0x4c: {  	_ =	swait.ge [sflag:s7], $0x2000  }
0x4d: {  	[sflag:s7] =	ssyncset.done $0x0  }
0x4e: {  	s28 =	smov.u32 s24;
	s24 =	rddreg [dreg:$0x12];
	[sflag:s7] =	ssyncadd.s32 $0xFFFFE000  }
0x4f: {  	[spmem:s24] =	stream.linear.scatter [tilespmem:s6], [sflag:$0x7], $0x2000, $0x38;
	[tilespmem:$0x1FD00] =	vst v63  }
0x50: {  	_ =	swait.ge [sflag:s7], $0x2000  }
0x51: {  	[sflag:s7] =	ssyncset.done $0x0  }
0x52: {  	s29 =	smov.u32 s25;
	s25 =	rddreg [dreg:$0x13];
	[sflag:s7] =	ssyncadd.s32 $0xFFFFE000  }
0x53: {  	[spmem:s25] =	stream.linear.scatter [tilespmem:s6], [sflag:$0x7], $0x2000, $0x38;
	[tilespmem:$0x1FD00] =	vst v63  }
0x54: {  	_ =	swait.ge [sflag:s7], $0x2000  }
0x55: {  	[sflag:s7] =	ssyncset.done $0x0  }
0x56: {  	s21 =	rddreg [dreg:$0x14];
	[sflag:s7] =	ssyncadd.s32 $0xFFFFE000  }
0x57: {  	[spmem:s21] =	stream.linear.scatter [tilespmem:s6], [sflag:$0x7], $0x2000, $0x38;
	[tilespmem:$0x1FD00] =	vst v63  }
0x58: {  	_ =	swait.ge [sflag:s7], $0x2000  }
0x59: {  	[sflag:s7] =	ssyncset.done $0x0  }
0x5a: {  	s22 =	rddreg [dreg:$0x15];
	[sflag:s7] =	ssyncadd.s32 $0xFFFFE000  }
0x5b: {  	[spmem:s22] =	stream.linear.scatter [tilespmem:s6], [sflag:$0x7], $0x2000, $0x38;
	[tilespmem:$0x1FD00] =	vst v63  }
0x5c: {  	_ =	swait.ge [sflag:s7], $0x2000  }
0x5d: {  	[sflag:s7] =	ssyncset.done $0x0  }
0x5e: {  	[sflag:s7] =	ssyncadd.s32 $0xFFFFE000  }
0x5f: {  	[spmem:s30] =	stream.linear.scatter [tilespmem:s6], [sflag:$0x7], $0x2000, $0x38;
	[tilespmem:$0x1FD00] =	vst v63  }
0x60: {  	_ =	swait.ge [sflag:s7], $0x2000  }
0x61: {  	[sflag:s7] =	ssyncset.done $0x0  }
0x62: {  	[sflag:s7] =	ssyncadd.s32 $0xFFFFE000  }
0x63: {  	[bflag:$0x0] =	sbarrier.arrive $0xFFFF  }
0x64: {  	s20 =	simm.s32 $0x0;
	s22 =	simm.s32 $0x1400;
	s21 =	rddreg [dreg:$0x16]  }
0x65: {  	[tilespmem:s22], [sflag:$0x7] =	stream.linear.gather [hbm4b:s21+s20], $0x2800, $0x38;
	[tilespmem:$0x1FD00] =	vst v63  }
0x66: {  	_ =	swait.ge [sflag:s7], $0x2800  }
0x67: {  	[sflag:s7] =	ssyncset.done $0x0  }
0x68: {  	s23 =	rddreg [dreg:$0xf];
	[sflag:s7] =	ssyncadd.s32 $0xFFFFD800  }
0x69: {  	[tilespmem:s20], [sflag:$0x7] =	stream.linear.gather [hbm4b:s23+s20], $0x1400, $0x38;
	[tilespmem:$0x1FD00] =	vst v63  }
0x6a: {  	_ =	swait.ge [sflag:s7], $0x1400  }
0x6b: {  	[sflag:s7] =	ssyncset.done $0x0  }
0x6c: {  	[sflag:s7] =	ssyncadd.s32 $0xFFFFEC00  }
0x6d: {  	[tilespmem:s6], [sflag:$0x1] =	stream.indirect.gather [hbm4b:s1+s8], $0x80, s20, s8, $0xb8;
	[tilespmem:$0x1FD00] =	vst v63  }
0x6e: {  	s25 =	simm.s32 $0x7D00;
	s21 =	simm.s32 $0x0;
	s24 =	rddreg [dreg:$0x17]  }
0x6f: {  	[tilespmem:s25], [sflag:$0x3] =	stream.linear.gather [hbm4b:s24+s20], $0x2000, $0x38;
	[tilespmem:$0x1FD00] =	vst v63  }
.LBB2_4:
0x70: {  	p0 =	seq.s32 s21, $0x0  }
0x71: {  	s23 =	simm.s32 @!p0 $0x6  }
0x72: {  	s22 =	sshll.u32 s21, $0x7;
	_ =	swait.ge @!p0 [sflag:s23], $0x2000  }
0x73: {  	s25 =	sshll.u32 s21, $0xE;
	s24 =	sand.u32 $0x3FFFFF80, s22;
	[sflag:s23] =	ssyncset.done @!p0 $0x0  }
0x74: {  	s24 =	sor.u32 $0x40, s24;
	[sflag:s23] =	ssyncadd.s32 @!p0 $0xFFFFE000;
	s23 =	sadd.s32 s25, s3  }
0x75: {  	[tilespmem:s10], [sflag:$0x2] =	stream.indirect.gather [hbm4b:s1+s8], $0x80, s24, s8, $0xb8;
	[tilespmem:$0x1FD00] =	vst v63  }
0x76: {  	s23 =	sshrl.u32 s23, $0x3  }
0x77: {  	s23 =	sadd.s32 s19, s23  }
0x78: {  	[tilespmem:s12], [sflag:$0x4] =	stream.linear.gather [hbm4b:s23+s20], $0x2000, $0x38;
	[tilespmem:$0x1FD00] =	vst v63  }
0x79: {  	_ =	swait.ge [sflag:s14], $0x2000  }
0x7a: {  	[sflag:s14] =	ssyncset.done $0x0  }
0x7b: {  	[sflag:s14] =	ssyncadd.s32 $0xFFFFE000  }
0x7c: {  	_ =	swait.ge [sflag:s17], $0x2000  }
0x7d: {  	[sflag:s17] =	ssyncset.done $0x0  }
0x7e: {  	s23 =	simm.s32 $0x0;
	[sflag:s17] =	ssyncadd.s32 $0xFFFFE000  }
0x7f: {  	v8 =	vld [tilespmem:s23+$0x7D00]  }
0x80: {  	v12 =	vld [tilespmem:s23+$0x7D10]  }
0x81: {  	v6 =	vld [tilespmem:s23+$0x7D20]  }
0x82: {  	v5 =	vld [tilespmem:s23+$0x7D30]  }
0x83: {  	v4 =	vld [tilespmem:s23+$0x7D40]  }
0x84: {  	v3 =	vld [tilespmem:s23+$0x7D50]  }
0x85: {  	v2 =	vld [tilespmem:s23+$0x7D60]  }
0x86: {  	v1 =	vld [tilespmem:s23+$0x7D70]  }
0x87: {  	v13 =	vld [tilespmem:s23+$0x3D00]  }
0x88: {  	v14 =	vld [tilespmem:s23+$0x3D10]  }
0x89: {  	v11 =	vld [tilespmem:s23+$0x3D20]  }
0x8a: {  	v10 =	vld [tilespmem:s23+$0x3D30]  }
0x8b: {  	v9 =	vld [tilespmem:s23+$0x3D40]  }
0x8c: {  	v7 =	vld [tilespmem:s23+$0x3D50];
	v13 =	vmul.f32 v8, v13  }
0x8d: {  	s24 =	simm.s32 $0x200;
	v12 =	vmul.f32 v12, v14;
	v8 =	vld [tilespmem:s23+$0x3D60]  }
.LBB2_5:
0x8e: {  	s25 =	sshra.s32 s24, $0x2;
	p0 =	sne.s32 s24, $0x7E00;
	[tilespmem:s23+$0x3D00] =	vst v13;
	v6 =	vmul.f32 v6, v11;
	v11 =	vld [tilespmem:s23+$0x3D70]  }
0x8f: {  	v13 =	vld [tilespmem:s25+$0x7D00];
	[tilespmem:s23+$0x3D10] =	vst v12;
	v5 =	vmul.f32 v5, v10  }
0x90: {  	v12 =	vld [tilespmem:s25+$0x7D10];
	[tilespmem:s23+$0x3D20] =	vst v6;
	v4 =	vmul.f32 v4, v9  }
0x91: {  	v6 =	vld [tilespmem:s25+$0x7D20];
	[tilespmem:s23+$0x3D30] =	vst v5;
	v3 =	vmul.f32 v3, v7  }
0x92: {  	v5 =	vld [tilespmem:s25+$0x7D30];
	[tilespmem:s23+$0x3D40] =	vst v4;
	v2 =	vmul.f32 v2, v8  }
0x93: {  	v4 =	vld [tilespmem:s25+$0x7D40];
	[tilespmem:s23+$0x3D50] =	vst v3;
	v1 =	vmul.f32 v1, v11  }
0x94: {  	v3 =	vld [tilespmem:s25+$0x7D50];
	[tilespmem:s23+$0x3D60] =	vst v2  }
0x95: {  	v2 =	vld [tilespmem:s25+$0x7D60];
	[tilespmem:s23+$0x3D70] =	vst v1;
	s23 =	smov.u32 s25  }
0x96: {  	v1 =	vld [tilespmem:s23+$0x7D70]  }
0x97: {  	v7 =	vld [tilespmem:s23+$0x3D00]  }
0x98: {  	v8 =	vld [tilespmem:s23+$0x3D10]  }
.Ltmp1:
0x99: {  	v11 =	vld [tilespmem:s23+$0x3D20];
	(pc) =	sbr.rel @p0 .LBB2_5-.Ltmp1, $4  }
0x9a: {  	v10 =	vld [tilespmem:s23+$0x3D30]  }
0x9b: {  	v9 =	vld [tilespmem:s23+$0x3D40]  }
0x9c: {  	v13 =	vmul.f32 v13, v7;
	v7 =	vld [tilespmem:s23+$0x3D50]  }
0x9d: {  	s24 =	sadd.s32 $0x200, s24;
	v12 =	vmul.f32 v12, v8;
	v8 =	vld [tilespmem:s23+$0x3D60]  }
0x9e: {  	[tilespmem:s23+$0x3D00] =	vst v13;
	v6 =	vmul.f32 v6, v11;
	v11 =	vld [tilespmem:s23+$0x3D70]  }
0x9f: {  	[tilespmem:s23+$0x3D10] =	vst v12;
	v5 =	vmul.f32 v5, v10  }
0xa0: {  	[tilespmem:s23+$0x3D20] =	vst v6;
	v4 =	vmul.f32 v4, v9  }
0xa1: {  	[tilespmem:s23+$0x3D30] =	vst v5;
	v3 =	vmul.f32 v3, v7  }
0xa2: {  	[tilespmem:s23+$0x3D40] =	vst v4;
	v2 =	vmul.f32 v2, v8  }
0xa3: {  	[tilespmem:s23+$0x3D50] =	vst v3;
	v1 =	vmul.f32 v1, v11  }
0xa4: {  	[tilespmem:s23+$0x3D60] =	vst v2  }
0xa5: {  	[tilespmem:s23+$0x3D70] =	vst v1  }
0xa6: {  	v1 =	vld [tilespmem:s22+$0x1400];
	_ =	sdelay $0x4  }
0xa7: {  	[tilespmem:$0x3C00] =	vst v1  }
0xa8: {  	v1 =	vld [tilespmem:s22+$0x1410];
	_ =	sdelay $0x4  }
0xa9: {  	[tilespmem:$0x3C10] =	vst v1  }
0xaa: {  	v1 =	vld [tilespmem:s22+$0x1420];
	_ =	sdelay $0x4  }
0xab: {  	[tilespmem:$0x3C20] =	vst v1  }
0xac: {  	v1 =	vld [tilespmem:s22+$0x1430];
	_ =	sdelay $0x3  }
0xad: {  	p0 =	seq.s32 s21, $0x27  }
0xae: {  	s23 =	simm.s32 @!p0 $0x5;
	[tilespmem:$0x3C30] =	vst v1  }
0xaf: {  	[spmem:s15] =	stream.indirect.scatter.add.f32 [tilespmem:s6], [sflag:$0x5], $0x80, s18, s8, $0xb8;
	[tilespmem:$0x1FD00] =	vst v63  }
0xb0: {  	_ =	swait.ge @!p0 [sflag:s23], $0x2000  }
0xb1: {  	s24 =	simm.s32 @!p0 $0x40;
	[sflag:s23] =	ssyncset.done @!p0 $0x0  }
0xb2: {  	s25 =	simm.s32 @!p0 $0x3D00;
	[sflag:s23] =	ssyncadd.s32 @!p0 $0xFFFFE000;
	s23 =	sadd.s32 @!p0 $0x80, s22  }
0xb3: {  	[tilespmem:s25], [sflag:$0x1] =	stream.indirect.gather @!p0 [hbm4b:s1+s24], $0x80, s23, s24, $0xb8;
	[tilespmem:$0x1FD00] =	vst v63  }
0xb4: {  	s23 =	sadd.s32 @!p0 s13, s23  }
0xb5: {  	s23 =	sshll.u32 @!p0 s23, $0x4  }
0xb6: {  	s24 =	simm.s32 @!p0 $0x0;
	s25 =	simm.s32 @!p0 $0x7D00;
	s23 =	sadd.s32 @!p0 s19, s23  }
0xb7: {  	[tilespmem:s25], [sflag:$0x3] =	stream.linear.gather @!p0 [hbm4b:s23+s24], $0x2000, $0x38;
	[tilespmem:$0x1FD00] =	vst v63  }
0xb8: {  	_ =	swait.ge [sflag:s9], $0x2000  }
0xb9: {  	[sflag:s9] =	ssyncset.done $0x0  }
0xba: {  	[sflag:s9] =	ssyncadd.s32 $0xFFFFE000  }
0xbb: {  	_ =	swait.ge [sflag:s31], $0x2000  }
0xbc: {  	[sflag:s31] =	ssyncset.done $0x0  }
0xbd: {  	s23 =	simm.s32 $0x0;
	[sflag:s31] =	ssyncadd.s32 $0xFFFFE000  }
0xbe: {  	v8 =	vld [tilespmem:s23+$0x9D00]  }
0xbf: {  	v12 =	vld [tilespmem:s23+$0x9D10]  }
0xc0: {  	v6 =	vld [tilespmem:s23+$0x9D20]  }
0xc1: {  	v5 =	vld [tilespmem:s23+$0x9D30]  }
0xc2: {  	v4 =	vld [tilespmem:s23+$0x9D40]  }
0xc3: {  	v3 =	vld [tilespmem:s23+$0x9D50]  }
0xc4: {  	v2 =	vld [tilespmem:s23+$0x9D60]  }
0xc5: {  	v1 =	vld [tilespmem:s23+$0x9D70]  }
0xc6: {  	v13 =	vld [tilespmem:s23+$0x5D00]  }
0xc7: {  	v14 =	vld [tilespmem:s23+$0x5D10]  }
0xc8: {  	v11 =	vld [tilespmem:s23+$0x5D20]  }
0xc9: {  	v10 =	vld [tilespmem:s23+$0x5D30]  }
0xca: {  	v9 =	vld [tilespmem:s23+$0x5D40]  }
0xcb: {  	v7 =	vld [tilespmem:s23+$0x5D50];
	v13 =	vmul.f32 v8, v13  }
0xcc: {  	s24 =	simm.s32 $0x200;
	v12 =	vmul.f32 v12, v14;
	v8 =	vld [tilespmem:s23+$0x5D60]  }
.LBB2_7:
0xcd: {  	s25 =	sshra.s32 s24, $0x2;
	p0 =	sne.s32 s24, $0x7E00;
	[tilespmem:s23+$0x5D00] =	vst v13;
	v6 =	vmul.f32 v6, v11;
	v11 =	vld [tilespmem:s23+$0x5D70]  }
0xce: {  	v13 =	vld [tilespmem:s25+$0x9D00];
	[tilespmem:s23+$0x5D10] =	vst v12;
	v5 =	vmul.f32 v5, v10  }
0xcf: {  	v12 =	vld [tilespmem:s25+$0x9D10];
	[tilespmem:s23+$0x5D20] =	vst v6;
	v4 =	vmul.f32 v4, v9  }
0xd0: {  	v6 =	vld [tilespmem:s25+$0x9D20];
	[tilespmem:s23+$0x5D30] =	vst v5;
	v3 =	vmul.f32 v3, v7  }
0xd1: {  	v5 =	vld [tilespmem:s25+$0x9D30];
	[tilespmem:s23+$0x5D40] =	vst v4;
	v2 =	vmul.f32 v2, v8  }
0xd2: {  	v4 =	vld [tilespmem:s25+$0x9D40];
	[tilespmem:s23+$0x5D50] =	vst v3;
	v1 =	vmul.f32 v1, v11  }
0xd3: {  	v3 =	vld [tilespmem:s25+$0x9D50];
	[tilespmem:s23+$0x5D60] =	vst v2  }
0xd4: {  	v2 =	vld [tilespmem:s25+$0x9D60];
	[tilespmem:s23+$0x5D70] =	vst v1;
	s23 =	smov.u32 s25  }
0xd5: {  	v1 =	vld [tilespmem:s23+$0x9D70]  }
0xd6: {  	v7 =	vld [tilespmem:s23+$0x5D00]  }
0xd7: {  	v8 =	vld [tilespmem:s23+$0x5D10]  }
.Ltmp2:
0xd8: {  	v11 =	vld [tilespmem:s23+$0x5D20];
	(pc) =	sbr.rel @p0 .LBB2_7-.Ltmp2, $4  }
0xd9: {  	v10 =	vld [tilespmem:s23+$0x5D30]  }
0xda: {  	v9 =	vld [tilespmem:s23+$0x5D40]  }
0xdb: {  	v13 =	vmul.f32 v13, v7;
	v7 =	vld [tilespmem:s23+$0x5D50]  }
0xdc: {  	s24 =	sadd.s32 $0x200, s24;
	v12 =	vmul.f32 v12, v8;
	v8 =	vld [tilespmem:s23+$0x5D60]  }
0xdd: {  	[tilespmem:s23+$0x5D00] =	vst v13;
	v6 =	vmul.f32 v6, v11;
	v63 =	vld [tilespmem:s23+$0x5D70]  }
0xde: {  	[tilespmem:s23+$0x5D10] =	vst v12;
	v5 =	vmul.f32 v5, v10  }
0xdf: {  	[tilespmem:s23+$0x5D20] =	vst v6;
	v4 =	vmul.f32 v4, v9  }
0xe0: {  	[tilespmem:s23+$0x5D30] =	vst v5;
	v3 =	vmul.f32 v3, v7  }
0xe1: {  	[tilespmem:s23+$0x5D40] =	vst v4;
	v2 =	vmul.f32 v2, v8  }
0xe2: {  	[tilespmem:s23+$0x5D50] =	vst v3;
	v1 =	vmul.f32 v1, v63  }
0xe3: {  	[tilespmem:s23+$0x5D60] =	vst v2  }
0xe4: {  	[tilespmem:s23+$0x5D70] =	vst v1  }
0xe5: {  	v1 =	vld [tilespmem:s22+$0x1440];
	_ =	sdelay $0x4  }
0xe6: {  	[tilespmem:$0x3C80] =	vst v1  }
0xe7: {  	v1 =	vld [tilespmem:s22+$0x1450];
	_ =	sdelay $0x4  }
0xe8: {  	[tilespmem:$0x3C90] =	vst v1  }
0xe9: {  	v1 =	vld [tilespmem:s22+$0x1460];
	_ =	sdelay $0x4  }
0xea: {  	[tilespmem:$0x3CA0] =	vst v1  }
0xeb: {  	s21 =	sadd.s32 $0x1, s21;
	v1 =	vld [tilespmem:s22+$0x1470]  }
0xec: {  	p0 =	sne.s32 s21, $0x28  }
.Ltmp3:
0xed: {  	_ = 	snop;
	(pc) =	sbr.rel @p0 .LBB2_4-.Ltmp3, $3  }
0xee: {  	_ =	sdelay $0x1  }
0xef: {  	[tilespmem:$0x3CB0] =	vst v1  }
0xf0: {  	[spmem:s15] =	stream.indirect.scatter.add.f32 [tilespmem:s10], [sflag:$0x6], $0x80, s11, s8, $0xb8;
	[tilespmem:$0x1FD00] =	vst v63  }
0xf1: {  	_ =	swait.ge [sflag:s4], $0x2000  }
0xf2: {  	[sflag:s4] =	ssyncset.done $0x0  }
0xf3: {  	[sflag:s4] =	ssyncadd.s32 $0xFFFFE000  }
0xf4: {  	_ =	swait.ge [sflag:s0], $0x2000  }
0xf5: {  	[sflag:s0] =	ssyncset.done $0x0  }
0xf6: {  	s20 =	simm.s32 $0x0;
	s21 =	rddreg [dreg:$0xe];
	[sflag:s0] =	ssyncadd.s32 $0xFFFFE000  }
0xf7: {  	[tilespmem:s20], [sflag:$0x7] =	stream.linear.gather [hbm4b:s21+s20], $0x1400, $0x38;
	[tilespmem:$0x1FD00] =	vst v63  }
0xf8: {  	_ =	swait.ge [sflag:s7], $0x1400  }
0xf9: {  	[sflag:s7] =	ssyncset.done $0x0  }
0xfa: {  	[sflag:s7] =	ssyncadd.s32 $0xFFFFEC00  }
0xfb: {  	[tilespmem:s6], [sflag:$0x1] =	stream.indirect.gather [hbm4b:s1+s8], $0x80, s20, s8, $0xb8;
	[tilespmem:$0x1FD00] =	vst v63  }
0xfc: {  	s22 =	simm.s32 $0x7D00;
	s21 =	simm.s32 $0x0;
	s25 =	rddreg [dreg:$0x18]  }
0xfd: {  	[tilespmem:s22], [sflag:$0x3] =	stream.linear.gather [hbm4b:s25+s20], $0x2000, $0x38;
	[tilespmem:$0x1FD00] =	vst v63  }
.LBB2_10:
0xfe: {  	p0 =	seq.s32 s21, $0x0  }
0xff: {  	s23 =	simm.s32 @!p0 $0x6  }
0x100: {  	s22 =	sshll.u32 s21, $0x7;
	_ =	swait.ge @!p0 [sflag:s23], $0x2000  }
0x101: {  	s24 =	sand.u32 $0x3FFFFF80, s22;
	[sflag:s23] =	ssyncset.done @!p0 $0x0  }
0x102: {  	s25 =	sshll.u32 s21, $0xB;
	s24 =	sor.u32 $0x40, s24;
	[sflag:s23] =	ssyncadd.s32 @!p0 $0xFFFFE000  }
0x103: {  	[tilespmem:s10], [sflag:$0x2] =	stream.indirect.gather [hbm4b:s1+s8], $0x80, s24, s8, $0xb8;
	[tilespmem:$0x1FD00] =	vst v63  }
0x104: {  	s23 =	sadd.s32 s25, s5  }
0x105: {  	[tilespmem:s12], [sflag:$0x4] =	stream.linear.gather [hbm4b:s23+s20], $0x2000, $0x38;
	[tilespmem:$0x1FD00] =	vst v63  }
0x106: {  	_ =	swait.ge [sflag:s14], $0x2000  }
0x107: {  	[sflag:s14] =	ssyncset.done $0x0  }
0x108: {  	[sflag:s14] =	ssyncadd.s32 $0xFFFFE000  }
0x109: {  	_ =	swait.ge [sflag:s17], $0x2000  }
0x10a: {  	[sflag:s17] =	ssyncset.done $0x0  }
0x10b: {  	s23 =	simm.s32 $0x0;
	[sflag:s17] =	ssyncadd.s32 $0xFFFFE000  }
0x10c: {  	v8 =	vld [tilespmem:s23+$0x7D00]  }
0x10d: {  	v12 =	vld [tilespmem:s23+$0x7D10]  }
0x10e: {  	v6 =	vld [tilespmem:s23+$0x7D20]  }
0x10f: {  	v5 =	vld [tilespmem:s23+$0x7D30]  }
0x110: {  	v4 =	vld [tilespmem:s23+$0x7D40]  }
0x111: {  	v3 =	vld [tilespmem:s23+$0x7D50]  }
0x112: {  	v2 =	vld [tilespmem:s23+$0x7D60]  }
0x113: {  	v1 =	vld [tilespmem:s23+$0x7D70]  }
0x114: {  	v13 =	vld [tilespmem:s23+$0x3D00]  }
0x115: {  	v14 =	vld [tilespmem:s23+$0x3D10]  }
0x116: {  	v11 =	vld [tilespmem:s23+$0x3D20]  }
0x117: {  	v10 =	vld [tilespmem:s23+$0x3D30]  }
0x118: {  	v9 =	vld [tilespmem:s23+$0x3D40]  }
0x119: {  	v7 =	vld [tilespmem:s23+$0x3D50];
	v13 =	vmul.f32 v8, v13  }
0x11a: {  	s24 =	simm.s32 $0x200;
	v12 =	vmul.f32 v12, v14;
	v8 =	vld [tilespmem:s23+$0x3D60]  }
.LBB2_11:
0x11b: {  	s25 =	sshra.s32 s24, $0x2;
	p0 =	sne.s32 s24, $0x7E00;
	[tilespmem:s23+$0x3D00] =	vst v13;
	v6 =	vmul.f32 v6, v11;
	v11 =	vld [tilespmem:s23+$0x3D70]  }
0x11c: {  	v13 =	vld [tilespmem:s25+$0x7D00];
	[tilespmem:s23+$0x3D10] =	vst v12;
	v5 =	vmul.f32 v5, v10  }
0x11d: {  	v12 =	vld [tilespmem:s25+$0x7D10];
	[tilespmem:s23+$0x3D20] =	vst v6;
	v4 =	vmul.f32 v4, v9  }
0x11e: {  	v6 =	vld [tilespmem:s25+$0x7D20];
	[tilespmem:s23+$0x3D30] =	vst v5;
	v3 =	vmul.f32 v3, v7  }
0x11f: {  	v5 =	vld [tilespmem:s25+$0x7D30];
	[tilespmem:s23+$0x3D40] =	vst v4;
	v2 =	vmul.f32 v2, v8  }
0x120: {  	v4 =	vld [tilespmem:s25+$0x7D40];
	[tilespmem:s23+$0x3D50] =	vst v3;
	v1 =	vmul.f32 v1, v11  }
0x121: {  	v3 =	vld [tilespmem:s25+$0x7D50];
	[tilespmem:s23+$0x3D60] =	vst v2  }
0x122: {  	v2 =	vld [tilespmem:s25+$0x7D60];
	[tilespmem:s23+$0x3D70] =	vst v1;
	s23 =	smov.u32 s25  }
0x123: {  	v1 =	vld [tilespmem:s23+$0x7D70]  }
0x124: {  	v7 =	vld [tilespmem:s23+$0x3D00]  }
0x125: {  	v8 =	vld [tilespmem:s23+$0x3D10]  }
.Ltmp4:
0x126: {  	v11 =	vld [tilespmem:s23+$0x3D20];
	(pc) =	sbr.rel @p0 .LBB2_11-.Ltmp4, $4  }
0x127: {  	v10 =	vld [tilespmem:s23+$0x3D30]  }
0x128: {  	v9 =	vld [tilespmem:s23+$0x3D40]  }
0x129: {  	v13 =	vmul.f32 v13, v7;
	v7 =	vld [tilespmem:s23+$0x3D50]  }
0x12a: {  	s24 =	sadd.s32 $0x200, s24;
	v12 =	vmul.f32 v12, v8;
	v8 =	vld [tilespmem:s23+$0x3D60]  }
0x12b: {  	[tilespmem:s23+$0x3D00] =	vst v13;
	v6 =	vmul.f32 v6, v11;
	v11 =	vld [tilespmem:s23+$0x3D70]  }
0x12c: {  	[tilespmem:s23+$0x3D10] =	vst v12;
	v5 =	vmul.f32 v5, v10  }
0x12d: {  	[tilespmem:s23+$0x3D20] =	vst v6;
	v4 =	vmul.f32 v4, v9  }
0x12e: {  	[tilespmem:s23+$0x3D30] =	vst v5;
	v3 =	vmul.f32 v3, v7  }
0x12f: {  	[tilespmem:s23+$0x3D40] =	vst v4;
	v2 =	vmul.f32 v2, v8  }
0x130: {  	[tilespmem:s23+$0x3D50] =	vst v3;
	v1 =	vmul.f32 v1, v11  }
0x131: {  	[tilespmem:s23+$0x3D60] =	vst v2  }
0x132: {  	[tilespmem:s23+$0x3D70] =	vst v1  }
0x133: {  	v1 =	vld [tilespmem:s22+$0x2800];
	_ =	sdelay $0x4  }
0x134: {  	[tilespmem:$0x3C00] =	vst v1  }
0x135: {  	v1 =	vld [tilespmem:s22+$0x2810];
	_ =	sdelay $0x4  }
0x136: {  	[tilespmem:$0x3C10] =	vst v1  }
0x137: {  	v1 =	vld [tilespmem:s22+$0x2820];
	_ =	sdelay $0x4  }
0x138: {  	[tilespmem:$0x3C20] =	vst v1  }
0x139: {  	v1 =	vld [tilespmem:s22+$0x2830];
	_ =	sdelay $0x3  }
0x13a: {  	p0 =	seq.s32 s21, $0x27  }
0x13b: {  	s23 =	simm.s32 @!p0 $0x5;
	[tilespmem:$0x3C30] =	vst v1  }
0x13c: {  	[spmem:s15] =	stream.indirect.scatter.add.f32 [tilespmem:s6], [sflag:$0x5], $0x80, s18, s8, $0xb8;
	[tilespmem:$0x1FD00] =	vst v63  }
0x13d: {  	_ =	swait.ge @!p0 [sflag:s23], $0x2000  }
0x13e: {  	s24 =	simm.s32 @!p0 $0x40;
	[sflag:s23] =	ssyncset.done @!p0 $0x0  }
0x13f: {  	s25 =	simm.s32 @!p0 $0x3D00;
	[sflag:s23] =	ssyncadd.s32 @!p0 $0xFFFFE000;
	s23 =	sadd.s32 @!p0 $0x80, s22  }
0x140: {  	[tilespmem:s25], [sflag:$0x1] =	stream.indirect.gather @!p0 [hbm4b:s1+s24], $0x80, s23, s24, $0xb8;
	[tilespmem:$0x1FD00] =	vst v63  }
0x141: {  	s23 =	sadd.s32 @!p0 s16, s23  }
0x142: {  	s23 =	sshll.u32 @!p0 s23, $0x4  }
0x143: {  	s24 =	simm.s32 @!p0 $0x0;
	s25 =	simm.s32 @!p0 $0x7D00;
	s23 =	sadd.s32 @!p0 s19, s23  }
0x144: {  	[tilespmem:s25], [sflag:$0x3] =	stream.linear.gather @!p0 [hbm4b:s23+s24], $0x2000, $0x38;
	[tilespmem:$0x1FD00] =	vst v63  }
0x145: {  	_ =	swait.ge [sflag:s9], $0x2000  }
0x146: {  	[sflag:s9] =	ssyncset.done $0x0  }
0x147: {  	[sflag:s9] =	ssyncadd.s32 $0xFFFFE000  }
0x148: {  	_ =	swait.ge [sflag:s31], $0x2000  }
0x149: {  	[sflag:s31] =	ssyncset.done $0x0  }
0x14a: {  	s23 =	simm.s32 $0x0;
	[sflag:s31] =	ssyncadd.s32 $0xFFFFE000  }
0x14b: {  	v8 =	vld [tilespmem:s23+$0x9D00]  }
0x14c: {  	v12 =	vld [tilespmem:s23+$0x9D10]  }
0x14d: {  	v6 =	vld [tilespmem:s23+$0x9D20]  }
0x14e: {  	v5 =	vld [tilespmem:s23+$0x9D30]  }
0x14f: {  	v4 =	vld [tilespmem:s23+$0x9D40]  }
0x150: {  	v3 =	vld [tilespmem:s23+$0x9D50]  }
0x151: {  	v2 =	vld [tilespmem:s23+$0x9D60]  }
0x152: {  	v1 =	vld [tilespmem:s23+$0x9D70]  }
0x153: {  	v13 =	vld [tilespmem:s23+$0x5D00]  }
0x154: {  	v14 =	vld [tilespmem:s23+$0x5D10]  }
0x155: {  	v11 =	vld [tilespmem:s23+$0x5D20]  }
0x156: {  	v10 =	vld [tilespmem:s23+$0x5D30]  }
0x157: {  	v9 =	vld [tilespmem:s23+$0x5D40]  }
0x158: {  	v7 =	vld [tilespmem:s23+$0x5D50];
	v13 =	vmul.f32 v8, v13  }
0x159: {  	s24 =	simm.s32 $0x200;
	v12 =	vmul.f32 v12, v14;
	v8 =	vld [tilespmem:s23+$0x5D60]  }
.LBB2_13:
0x15a: {  	s25 =	sshra.s32 s24, $0x2;
	p0 =	sne.s32 s24, $0x7E00;
	[tilespmem:s23+$0x5D00] =	vst v13;
	v6 =	vmul.f32 v6, v11;
	v11 =	vld [tilespmem:s23+$0x5D70]  }
0x15b: {  	v13 =	vld [tilespmem:s25+$0x9D00];
	[tilespmem:s23+$0x5D10] =	vst v12;
	v5 =	vmul.f32 v5, v10  }
0x15c: {  	v12 =	vld [tilespmem:s25+$0x9D10];
	[tilespmem:s23+$0x5D20] =	vst v6;
	v4 =	vmul.f32 v4, v9  }
0x15d: {  	v6 =	vld [tilespmem:s25+$0x9D20];
	[tilespmem:s23+$0x5D30] =	vst v5;
	v3 =	vmul.f32 v3, v7  }
0x15e: {  	v5 =	vld [tilespmem:s25+$0x9D30];
	[tilespmem:s23+$0x5D40] =	vst v4;
	v2 =	vmul.f32 v2, v8  }
0x15f: {  	v4 =	vld [tilespmem:s25+$0x9D40];
	[tilespmem:s23+$0x5D50] =	vst v3;
	v1 =	vmul.f32 v1, v11  }
0x160: {  	v3 =	vld [tilespmem:s25+$0x9D50];
	[tilespmem:s23+$0x5D60] =	vst v2  }
0x161: {  	v2 =	vld [tilespmem:s25+$0x9D60];
	[tilespmem:s23+$0x5D70] =	vst v1;
	s23 =	smov.u32 s25  }
0x162: {  	v1 =	vld [tilespmem:s23+$0x9D70]  }
0x163: {  	v7 =	vld [tilespmem:s23+$0x5D00]  }
0x164: {  	v8 =	vld [tilespmem:s23+$0x5D10]  }
.Ltmp5:
0x165: {  	v11 =	vld [tilespmem:s23+$0x5D20];
	(pc) =	sbr.rel @p0 .LBB2_13-.Ltmp5, $4  }
0x166: {  	v10 =	vld [tilespmem:s23+$0x5D30]  }
0x167: {  	v9 =	vld [tilespmem:s23+$0x5D40]  }
0x168: {  	v13 =	vmul.f32 v13, v7;
	v7 =	vld [tilespmem:s23+$0x5D50]  }
0x169: {  	s24 =	sadd.s32 $0x200, s24;
	v12 =	vmul.f32 v12, v8;
	v8 =	vld [tilespmem:s23+$0x5D60]  }
0x16a: {  	[tilespmem:s23+$0x5D00] =	vst v13;
	v6 =	vmul.f32 v6, v11;
	v63 =	vld [tilespmem:s23+$0x5D70]  }
0x16b: {  	[tilespmem:s23+$0x5D10] =	vst v12;
	v5 =	vmul.f32 v5, v10  }
0x16c: {  	[tilespmem:s23+$0x5D20] =	vst v6;
	v4 =	vmul.f32 v4, v9  }
0x16d: {  	[tilespmem:s23+$0x5D30] =	vst v5;
	v3 =	vmul.f32 v3, v7  }
0x16e: {  	[tilespmem:s23+$0x5D40] =	vst v4;
	v2 =	vmul.f32 v2, v8  }
0x16f: {  	[tilespmem:s23+$0x5D50] =	vst v3;
	v1 =	vmul.f32 v1, v63  }
0x170: {  	[tilespmem:s23+$0x5D60] =	vst v2  }
0x171: {  	[tilespmem:s23+$0x5D70] =	vst v1  }
0x172: {  	v1 =	vld [tilespmem:s22+$0x2840];
	_ =	sdelay $0x4  }
0x173: {  	[tilespmem:$0x3C80] =	vst v1  }
0x174: {  	v1 =	vld [tilespmem:s22+$0x2850];
	_ =	sdelay $0x4  }
0x175: {  	[tilespmem:$0x3C90] =	vst v1  }
0x176: {  	v1 =	vld [tilespmem:s22+$0x2860];
	_ =	sdelay $0x4  }
0x177: {  	[tilespmem:$0x3CA0] =	vst v1  }
0x178: {  	s21 =	sadd.s32 $0x1, s21;
	v1 =	vld [tilespmem:s22+$0x2870]  }
0x179: {  	p0 =	sne.s32 s21, $0x28  }
.Ltmp6:
0x17a: {  	_ = 	snop;
	(pc) =	sbr.rel @p0 .LBB2_10-.Ltmp6, $3  }
0x17b: {  	_ =	sdelay $0x1  }
0x17c: {  	[tilespmem:$0x3CB0] =	vst v1  }
0x17d: {  	[spmem:s15] =	stream.indirect.scatter.add.f32 [tilespmem:s10], [sflag:$0x6], $0x80, s11, s8, $0xb8;
	[tilespmem:$0x1FD00] =	vst v63  }
0x17e: {  	_ =	swait.ge [sflag:s4], $0x2000  }
0x17f: {  	[sflag:s4] =	ssyncset.done $0x0  }
0x180: {  	[sflag:s4] =	ssyncadd.s32 $0xFFFFE000  }
0x181: {  	_ =	swait.ge [sflag:s0], $0x2000  }
0x182: {  	[sflag:s0] =	ssyncset.done $0x0  }
0x183: {  	s20 =	stileid.u32;
	[sflag:s0] =	ssyncadd.s32 $0xFFFFE000  }
0x184: {  	s20 =	sshll.u32 s20, $0x6;
	[bflag:$0x0] =	sbarrier.arrive $0xFFFF  }
0x185: {  	s21 =	sshrl.u32 s26, $0x3;
	s20 =	sor.u32 $0x1C07, s20;
	s22 =	rddreg [dreg:$0x4]  }
0x186: {  	[hbm:s22], [sflag:s20] =	dma.local [spmem:s21], $0x400  }
0x187: {  	_ =	swait.ge [sflag:s7], $0x400  }
0x188: {  	s23 =	smov.u32 s26;
	[sflag:s7] =	ssyncset.done $0x0  }
0x189: {  	s25 =	sshrl.u32 s28, $0x3;
	s26 =	rddreg [dreg:$0x5];
	[sflag:s7] =	ssyncadd.s32 $0xFFFFFC00  }
0x18a: {  	[hbm:s26], [sflag:s20] =	dma.local [spmem:s25], $0x400  }
0x18b: {  	_ =	swait.ge [sflag:s7], $0x400  }
0x18c: {  	s24 =	smov.u32 s28;
	s28 =	sshrl.u32 s29, $0x3;
	[sflag:s7] =	ssyncset.done $0x0  }
0x18d: {  	s25 =	smov.u32 s29;
	s29 =	rddreg [dreg:$0x6];
	[sflag:s7] =	ssyncadd.s32 $0xFFFFFC00  }
0x18e: {  	[hbm:s29], [sflag:s20] =	dma.local [spmem:s28], $0x400  }
0x18f: {  	_ =	swait.ge [sflag:s7], $0x400  }
0x190: {  	[sflag:s7] =	ssyncset.done $0x0;
	s22 =	rddreg [dreg:$0x10]  }
0x191: {  	s26 =	rddreg [dreg:$0x7];
	[sflag:s7] =	ssyncadd.s32 $0xFFFFFC00;
	s21 =	sshrl.u32 s22, $0x3  }
0x192: {  	[hbm:s26], [sflag:s20] =	dma.local [spmem:s21], $0x400  }
0x193: {  	_ =	swait.ge [sflag:s7], $0x400  }
0x194: {  	[sflag:s7] =	ssyncset.done $0x0;
	s28 =	rddreg [dreg:$0x11]  }
0x195: {  	s29 =	rddreg [dreg:$0x8];
	[sflag:s7] =	ssyncadd.s32 $0xFFFFFC00;
	s21 =	sshrl.u32 s28, $0x3  }
0x196: {  	[hbm:s29], [sflag:s20] =	dma.local [spmem:s21], $0x400  }
0x197: {  	_ =	swait.ge [sflag:s7], $0x400  }
0x198: {  	[sflag:s7] =	ssyncset.done $0x0;
	s22 =	rddreg [dreg:$0x12]  }
0x199: {  	s26 =	rddreg [dreg:$0x9];
	[sflag:s7] =	ssyncadd.s32 $0xFFFFFC00;
	s21 =	sshrl.u32 s22, $0x3  }
0x19a: {  	[hbm:s26], [sflag:s20] =	dma.local [spmem:s21], $0x400  }
0x19b: {  	_ =	swait.ge [sflag:s7], $0x400  }
0x19c: {  	[sflag:s7] =	ssyncset.done $0x0;
	s28 =	rddreg [dreg:$0x13]  }
0x19d: {  	s29 =	rddreg [dreg:$0xa];
	[sflag:s7] =	ssyncadd.s32 $0xFFFFFC00;
	s21 =	sshrl.u32 s28, $0x3  }
0x19e: {  	[hbm:s29], [sflag:s20] =	dma.local [spmem:s21], $0x400  }
0x19f: {  	_ =	swait.ge [sflag:s7], $0x400  }
0x1a0: {  	[sflag:s7] =	ssyncset.done $0x0;
	s22 =	rddreg [dreg:$0x14]  }
0x1a1: {  	s26 =	rddreg [dreg:$0xb];
	[sflag:s7] =	ssyncadd.s32 $0xFFFFFC00;
	s21 =	sshrl.u32 s22, $0x3  }
0x1a2: {  	[hbm:s26], [sflag:s20] =	dma.local [spmem:s21], $0x400  }
0x1a3: {  	_ =	swait.ge [sflag:s7], $0x400  }
0x1a4: {  	[sflag:s7] =	ssyncset.done $0x0;
	s28 =	rddreg [dreg:$0x15]  }
0x1a5: {  	s29 =	rddreg [dreg:$0xc];
	[sflag:s7] =	ssyncadd.s32 $0xFFFFFC00;
	s21 =	sshrl.u32 s28, $0x3  }
0x1a6: {  	[hbm:s29], [sflag:s20] =	dma.local [spmem:s21], $0x400  }
0x1a7: {  	_ =	swait.ge [sflag:s7], $0x400  }
0x1a8: {  	[sflag:s7] =	ssyncset.done $0x0  }
0x1a9: {  	s26 =	sshrl.u32 s30, $0x3;
	s28 =	rddreg [dreg:$0xd];
	[sflag:s7] =	ssyncadd.s32 $0xFFFFFC00  }
0x1aa: {  	[hbm:s28], [sflag:s20] =	dma.local [spmem:s26], $0x400  }
0x1ab: {  	_ =	swait.ge [sflag:s7], $0x400  }
0x1ac: {  	s2 =	sadd.s32 $0x1, s2;
	s29 =	rddreg [dreg:$0x19]  }
0x1ad: {  	p0 =	sne.s32 s2, s29  }
.Ltmp7:
0x1ae: {  	_ = 	snop;
	(pc) =	sbr.rel @p0 .LBB2_1-.Ltmp7, $3  }
0x1af: {  	_ =	sdelay $0x1  }
0x1b0: {  	[sflag:s7] =	ssyncset.done $0x0  }
0x1b1: {  	[sflag:s7] =	ssyncadd.s32 $0xFFFFFC00  }
0x1b2: {  	_ =	sfence.sel $0x180000  }
0x1b3: {  	[bflag:$0x0] =	sbarrier.arrive $0xFFFF  }
0x1b4: {  	_ =	strace $0x90000047  }
0x1b5: {  	s0 =	stileid.u32;
	[bflag:$0x2] =	sbarrier.arrive $0xFFFF  }
0x1b6: {  	p0 =	sne.s32 s0, $0x0;
	s0 =	rddreg [dreg:$0x3]  }
0x1b7: {  	s0 =	sadd.s32 @!p0 $0x100000, s0  }
0x1b8: {  	[sflag:s0] =	ssyncadd.tile.s32 @!p0 $0x1;
	_ =	shalt  }
.Lfunc_end2:
_tile_overlayer_lowered:
.L_overlay_start_2:
0x1b9: {  	(tag) =	ssettag $0x2  }
0x1ba: {  	s0 =	rddreg [dreg:$0x0];
	s2 =	stileid.u32  }
0x1bb: {  	s1 =	rddreg [dreg:$0x1];
	p0 =	sne.s32 s2, $0x0  }
0x1bc: {  	s3 =	rddreg [dreg:$0x2];
	[bflag:$0x3] =	sbarrier.arrive $0xFFFF;
	s2 =	simm.s32 @!p0 $0x1C07  }
0x1bd: {  	[timem:s3], [sflag:s2] =	dma.local @!p0 [hbm:s0], s1  }
0x1be: {  	s0 =	simm.s32 @!p0 $0x7  }
0x1bf: {  	_ =	swait.ge @!p0 [sflag:s0], s1  }
0x1c0: {  	s1 =	ssub.s32 @!p0 $0x0, s1;
	[sflag:s0] =	ssyncset.done @!p0 $0x0  }
0x1c1: {  	[sflag:s0] =	ssyncadd.s32 @!p0 s1  }
0x1c2: {  	[bflag:$0x3] =	sbarrier.arrive $0xFFFF  }
0x1c3: {  	_ =	shalt  }

</sc_bundles>
